<compile_context>
chip_gen: v7x
topology: tpu7x:2x2x1
jax: 0.10.2.dev20260603
libtpu: 0.0.44.dev20260713+nightly
codegen_flags: <defaults>
</compile_context>

<pallas_src>
import functools

import jax
import jax.numpy as jnp
from jax import lax
from jax.experimental import pallas as pl
from jax.experimental.pallas import tpu as pltpu
from jax.experimental.pallas import tpu_sc as plsc

_NA = 50000
_E = 1600000
_NMAX = 2
_NO = 4
_RCUT = 6.0

_NW = 32
_LANES = 16
_G = 4
_SB = 25
_A_TILE = _G * _LANES * _SB
_NA_PAD = _A_TILE * _NW
_NGROUP = _NA_PAD // _G
_B = 2560
_ASTRIDE = 9
_ACC_W = _A_TILE * _ASTRIDE
_RHO_W = _A_TILE * _NO
_S4_W = 12808

_COS_C = (
    0.999999999798843,
    -0.49999999819665425,
    0.041666663366875245,
    -0.001388886287562638,
    2.4800552409794075e-05,
    -2.753479909104947e-07,
    2.0603598271939916e-09,
    -9.722556093549883e-12,
)
_PI = 3.14159265358979323846


def _sc_body(dx_h, dy_h, dz_h, ii_h, jj_h, sn_h, consts_h, s4_h, out_h,
             sn_v, consts_v, s4_v, dx_v, dy_v, dz_v, ii_v, jj_v,
             acc, rho_v):
    wid = lax.axis_index("s") * 2 + lax.axis_index("c")
    abase = wid * _A_TILE

    pltpu.sync_copy(sn_h, sn_v)
    pltpu.sync_copy(consts_h, consts_v)
    pltpu.sync_copy(s4_h, s4_v)

    iota = lax.iota(jnp.int32, _LANES)

    def _zero_acc(i, c):
        acc[pl.ds(i * _LANES, _LANES)] = jnp.zeros((_LANES,), jnp.float32)
        return c
    lax.fori_loop(0, _ACC_W // _LANES, _zero_acc, 0)

    def _superblock(g, c0):
        gbase = wid * (_SB * _LANES) + g * _LANES
        Lv = plsc.load_gather(s4_v, [gbase + iota])
        Hv = plsc.load_gather(s4_v, [gbase + 1 + iota])
        lo = jnp.min(Lv)
        hi = jnp.max(Hv)
        lo8 = lax.bitwise_and(lo, jnp.int32(-8))
        nchunks = (hi - lo8 + _B - 1) // _B

        def _chunk(b, c1):
            b0 = lo8 + b * _B
            b0 = pl.multiple_of(jnp.minimum(b0, _E - _B), 8)
            pltpu.sync_copy(dx_h.at[pl.ds(b0, _B)], dx_v)
            pltpu.sync_copy(dy_h.at[pl.ds(b0, _B)], dy_v)
            pltpu.sync_copy(dz_h.at[pl.ds(b0, _B)], dz_v)
            pltpu.sync_copy(ii_h.at[pl.ds(b0, _B)], ii_v)
            pltpu.sync_copy(jj_h.at[pl.ds(b0, _B)], jj_v)

            blo = jnp.maximum(Lv, b0)
            bhi = jnp.minimum(Hv, b0 + _B)
            cnt = bhi - blo
            m = jnp.max(cnt)
            base0 = blo - b0

            def _one(j):
                act = j < cnt
                eidx = jnp.where(act, base0 + j, 0)
                ddx = plsc.load_gather(dx_v, [eidx])
                ddy = plsc.load_gather(dy_v, [eidx])
                ddz = plsc.load_gather(dz_v, [eidx])
                ii = plsc.load_gather(ii_v, [eidx])
                jj = plsc.load_gather(jj_v, [eidx])
                jat = plsc.load_gather(sn_v, [jj])

                s2 = ddx * ddx + ddy * ddy + ddz * ddz
                s2 = jnp.maximum(s2, 1e-12)
                yi = jnp.int32(0x5F3759DF) - lax.shift_right_logical(
                    plsc.bitcast(s2, jnp.int32), jnp.int32(1))
                y = plsc.bitcast(yi, jnp.float32)
                h = 0.5 * s2
                y = y * (1.5 - h * y * y)
                y = y * (1.5 - h * y * y)
                y = y * (1.5 - h * y * y)
                dist = s2 * y

                t = dist * (_PI / (2.0 * _RCUT))
                r = t * (1.0 / (2.0 * _PI))
                rk = (r + 12582912.0) - 12582912.0
                th = t - rk * (2.0 * _PI)
                x = th * th
                cpoly = _COS_C[7]
                for k in (6, 5, 4, 3, 2, 1, 0):
                    cpoly = cpoly * x + _COS_C[k]
                c2sq = cpoly * cpoly
                fc = c2sq * c2sq

                i2 = jat * 2
                a0 = plsc.load_gather(consts_v, [i2])
                a1 = plsc.load_gather(consts_v, [i2 + 1])
                r0 = plsc.load_gather(consts_v, [i2 + 6])
                r1 = plsc.load_gather(consts_v, [i2 + 7])
                sp0 = plsc.load_gather(consts_v, [i2 + 12])
                sp1 = plsc.load_gather(consts_v, [i2 + 13])

                u0 = dist - r0
                u1 = dist - r1
                g0 = fc * sp0 * jnp.exp(a0 * u0 * u0)
                g1 = fc * sp1 * jnp.exp(a1 * u1 * u1)

                base_i = jnp.where(act, (ii - abase) * _ASTRIDE, 0)
                plsc.addupdate_scatter(acc, [base_i], g0, mask=act)
                plsc.addupdate_scatter(acc, [base_i + 1], g1, mask=act)
                plsc.addupdate_scatter(acc, [base_i + 2], ddx * g0, mask=act)
                plsc.addupdate_scatter(acc, [base_i + 3], ddx * g1, mask=act)
                plsc.addupdate_scatter(acc, [base_i + 4], ddy * g0, mask=act)
                plsc.addupdate_scatter(acc, [base_i + 5], ddy * g1, mask=act)
                plsc.addupdate_scatter(acc, [base_i + 6], ddz * g0, mask=act)
                plsc.addupdate_scatter(acc, [base_i + 7], ddz * g1, mask=act)

            def _edge2(jj2, c2):
                j = jj2 * 2
                _one(j)
                _one(j + 1)
                return c2

            lax.fori_loop(0, (m + 1) // 2, _edge2, 0)
            return c1

        lax.fori_loop(0, nchunks, _chunk, 0)
        return c0

    lax.fori_loop(0, _SB, _superblock, 0)

    wv = []
    for l in range(_NO):
        for n in range(_NMAX):
            for o in range(_NO):
                j = 18 + l * 8 + n * 4 + o
                wv.append(plsc.load_gather(
                    consts_v, [jnp.full((_LANES,), j, jnp.int32)]))

    def _atoms(av, c):
        base = av * (_LANES * _ASTRIDE)
        bvec = []
        for ch in range(8):
            bvec.append(plsc.load_gather(acc, [base + iota * _ASTRIDE + ch]))
        for o in range(_NO):
            ro = None
            for l in range(_NO):
                tl = (wv[(l * 2) * 4 + o] * bvec[l * 2]
                      + wv[(l * 2 + 1) * 4 + o] * bvec[l * 2 + 1])
                ro = tl * tl if ro is None else ro + tl * tl
            plsc.store_scatter(rho_v, [av * (_LANES * 4) + iota * 4 + o], ro)
        return c

    lax.fori_loop(0, _A_TILE // _LANES, _atoms, 0)

    pltpu.sync_copy(rho_v, out_h.at[pl.ds(pl.multiple_of(wid * _RHO_W, 8),
                                          _RHO_W)])


def kernel(disp, iidx, jidx, sorted_numbers, alpha, rs, species_params,
           orbital_params):
    disp = disp.astype(jnp.float32)
    iidx = iidx.astype(jnp.int32)
    jidx = jidx.astype(jnp.int32)
    sorted_numbers = sorted_numbers.astype(jnp.int32)

    ge = lax.shift_right_logical(iidx, 2)
    counts = jnp.zeros((_NGROUP,), jnp.int32).at[ge].add(
        1, mode="drop", indices_are_sorted=True)
    s4 = jnp.concatenate([jnp.zeros((1,), jnp.int32),
                          jnp.cumsum(counts, dtype=jnp.int32)])
    s4 = jnp.concatenate(
        [s4, jnp.full((_S4_W - s4.shape[0],), _E, jnp.int32)])

    oidx = jnp.array([0, 1, 1, 1], dtype=jnp.int32)
    wln = orbital_params[0].astype(jnp.float32)[oidx]
    consts = jnp.concatenate([
        alpha.astype(jnp.float32).reshape(-1),
        rs.astype(jnp.float32).reshape(-1),
        species_params.astype(jnp.float32).reshape(-1),
        wln.reshape(-1),
        jnp.zeros((14,), jnp.float32),
    ])

    mesh = plsc.VectorSubcoreMesh(core_axis_name="c", subcore_axis_name="s")
    call = functools.partial(
        pl.kernel,
        mesh=mesh,
        compiler_params=pltpu.CompilerParams(needs_layout_passes=False),
        out_type=jax.ShapeDtypeStruct((_NA_PAD * _NO,), jnp.float32),
        scratch_types=[
            pltpu.VMEM((_NA,), jnp.int32),
            pltpu.VMEM((64,), jnp.float32),
            pltpu.VMEM((_S4_W,), jnp.int32),
            pltpu.VMEM((_B,), jnp.float32),
            pltpu.VMEM((_B,), jnp.float32),
            pltpu.VMEM((_B,), jnp.float32),
            pltpu.VMEM((_B,), jnp.int32),
            pltpu.VMEM((_B,), jnp.int32),
            pltpu.VMEM((_ACC_W,), jnp.float32),
            pltpu.VMEM((_RHO_W,), jnp.float32),
        ],
    )(_sc_body)

    out = call(disp[:, 0], disp[:, 1], disp[:, 2], iidx, jidx,
               sorted_numbers, consts, s4)
    rho = out.reshape(_NA_PAD, _NO)[:_NA]
    return rho[None]

# --- scband reference (transcript-rebuilt; emitter-appended) ---
"""Pipeline reference for scband-reann-74921409511533 (READ-ONLY COPY).

The authoritative reference and input builder live on the scoring server;
editing this copy changes nothing except your own understanding.
"""

import jax, jax.numpy as jnp
import numpy as np

NA = 50000      # number of atoms (nodes)
E = 1600000     # number of neighbor pairs (edges)
NS = 3          # number of species
NMAX = 2        # nmax radial basis count
LMAX = 2        # lmax -> NO = (3**lmax - 1)//2 = 4
NO = 4
RCUT = 6.0
LOOP = 1


def setup_inputs(seed: int = 0) -> dict:
    key = jax.random.key(seed)
    ks = jax.random.split(key, 8)
    # displacement vectors rj - ri for each neighbor pair (scaled so |disp| mostly < rcut)
    disp = jax.random.normal(ks[0], (E, 3), dtype=jnp.float32) * 2.0
    # center-atom index (sorted, as produced by neighbor-list iteration order)
    iidx = jnp.sort(jax.random.randint(ks[1], (E,), 0, NA))
    # neighbor-atom index
    jidx = jax.random.randint(ks[2], (E,), 0, NA)
    # sorted species index per atom (output of sort_atomic_numbers)
    sorted_numbers = jax.random.randint(ks[3], (NA,), 0, NS)
    # learned parameters (match REANN.__init__)
    alpha = -(jax.random.uniform(ks[4], (NS, NMAX), dtype=jnp.float32) + 0.2)
    rs = jax.random.uniform(ks[5], (NS, NMAX), dtype=jnp.float32)
    species_params = jax.random.uniform(ks[6], (NS, NMAX), dtype=jnp.float32)
    orb = jax.random.uniform(ks[7], (NMAX, NO), dtype=jnp.float32)
    orbital_params = jnp.broadcast_to(orb[None, None], (LOOP, LMAX, NMAX, NO)).copy()
    return {
        'disp': disp,
        'iidx': iidx,
        'jidx': jidx,
        'sorted_numbers': sorted_numbers,
        'alpha': alpha,
        'rs': rs,
        'species_params': species_params,
        'orbital_params': orbital_params,
    }


def _angular(disp):
    # angular(disp, lmax=2, NO=4): column 0 is ones, columns 1:4 are disp
    ones = jnp.ones((disp.shape[0], 1), dtype=disp.dtype)
    return jnp.concatenate([ones, disp], axis=1)  # E x NO


def _cutoff(dist, rcut):
    return 0.25 * (jnp.cos(dist * np.pi / rcut) + 1.0) ** 2


def _gauss(dist, jatn, alpha, rs):
    Rs = rs[jatn]        # E x nmax (gather)
    alp = alpha[jatn]    # E x nmax (gather)
    return jnp.exp(alp * (dist[:, None] - Rs) ** 2)


def _get_density(Wln, Csn, Fxyz, iidx, jidx):
    cj = Csn[jidx]                               # E x nmax (gather)
    cjFxyz = cj[:, None, :] * Fxyz               # E x NO x nmax
    bnl = jnp.zeros((NA, NO, NMAX), dtype=Fxyz.dtype).at[iidx].add(cjFxyz)  # scatter-add
    # Wln: NO x nmax x NO ; bnl: NA x NO x nmax
    return jnp.sum(jnp.sum(Wln * bnl[..., None], axis=2) ** 2, axis=1)  # NA x NO


def reference(disp, iidx, jidx, sorted_numbers, alpha, rs, species_params, orbital_params):
    dist = jnp.linalg.norm(disp, axis=1)               # E
    jatn = sorted_numbers[jidx]                        # E (gather)
    fcut = _cutoff(dist, RCUT)                         # E
    radial = _gauss(dist, jatn, alpha, rs)             # E x nmax
    angle = _angular(disp)                             # E x NO
    Fxyz = fcut[..., None, None] * angle[..., None] * radial[:, None]  # E x NO x nmax
    Csn = species_params[sorted_numbers]               # NA x nmax (gather)
    Oidx = jnp.array([i for i in range(LMAX) for _ in range(2 * i + 1)])  # [0,1,1,1]
    Wln = orbital_params[0][Oidx]                      # NO x nmax x NO
    rho = _get_density(Wln, Csn, Fxyz, iidx, jidx)     # NA x NO
    # loop == 1 -> the Gj refinement loop body never executes (range(1, 1))
    return rho[None]  # 1 x NA x NO (batch of one configuration)


if False:  # reference __main__ guard neutralized (emitter)
    out = reference(**setup_inputs())
    print(out.shape, out.dtype)

if __name__ == "__main__":
    import jax
    _d = setup_inputs()
    print(jax.jit(kernel)(*tuple(_d.values())))

</pallas_src>

<mosaic_0001>
#map = affine_map<(d0, d1) -> (0)>
module attributes {stable_mosaic.version = 14 : i64} {
  func.func @_sc_body(%arg0: i32, %arg1: i32, %arg2: memref<1600000xf32, #tpu.memory_space<hbm>>, %arg3: memref<1600000xf32, #tpu.memory_space<hbm>>, %arg4: memref<1600000xf32, #tpu.memory_space<hbm>>, %arg5: memref<1600000xi32, #tpu.memory_space<hbm>>, %arg6: memref<1600000xi32, #tpu.memory_space<hbm>>, %arg7: memref<50000xi32, #tpu.memory_space<hbm>>, %arg8: memref<64xf32, #tpu.memory_space<hbm>>, %arg9: memref<12808xi32, #tpu.memory_space<hbm>>, %arg10: memref<204800xf32, #tpu.memory_space<hbm>>, %arg11: memref<50000xi32, #tpu.memory_space<vmem>>, %arg12: memref<64xf32, #tpu.memory_space<vmem>>, %arg13: memref<12808xi32, #tpu.memory_space<vmem>>, %arg14: memref<2560xf32, #tpu.memory_space<vmem>>, %arg15: memref<2560xf32, #tpu.memory_space<vmem>>, %arg16: memref<2560xf32, #tpu.memory_space<vmem>>, %arg17: memref<2560xi32, #tpu.memory_space<vmem>>, %arg18: memref<2560xi32, #tpu.memory_space<vmem>>, %arg19: memref<14400xf32, #tpu.memory_space<vmem>>, %arg20: memref<6400xf32, #tpu.memory_space<vmem>>) attributes {dimension_semantics = [#tpu.dimension_semantics<core_parallel>, #tpu.dimension_semantics<subcore_parallel>], iteration_bounds = array<i64: 2, 16>, scalar_prefetch = 0 : i64, scratch_operands = 10 : i64, tpu.core_type = #tpu.core_type<sc_vector_subcore>, window_params = [{transform_indices = #map}, {transform_indices = #map}, {transform_indices = #map}, {transform_indices = #map}, {transform_indices = #map}, {transform_indices = #map}, {transform_indices = #map}, {transform_indices = #map}, {transform_indices = #map}]} {
    %mul3A = arith.constant 2 : i32
    %mul3A_0 = arith.muli %arg1, %mul3A : i32
    %add3A = arith.addi %mul3A_0, %arg0 : i32
    %mul3A_1 = arith.constant 1600 : i32
    %mul3A_2 = arith.muli %add3A, %mul3A_1 : i32
    "tpu.region"() ({
      %run_scoped3A = tpu.sem_alloc : memref<!tpu.dma_semaphore, #tpu.memory_space<semaphore_mem>>
      tpu.enqueue_dma source(%arg7 : memref<50000xi32, #tpu.memory_space<hbm>>) target(%arg11 : memref<50000xi32, #tpu.memory_space<vmem>>) target_semaphore(%run_scoped3A : memref<!tpu.dma_semaphore, #tpu.memory_space<semaphore_mem>>)
      tpu.wait_dma2 semaphore(%run_scoped3A : memref<!tpu.dma_semaphore, #tpu.memory_space<semaphore_mem>>) src(%arg7 : memref<50000xi32, #tpu.memory_space<hbm>>) dst(%arg11 : memref<50000xi32, #tpu.memory_space<vmem>>)
      tpu.yield
    }) : () -> ()
    "tpu.region"() ({
      %run_scoped3A = tpu.sem_alloc : memref<!tpu.dma_semaphore, #tpu.memory_space<semaphore_mem>>
      tpu.enqueue_dma source(%arg8 : memref<64xf32, #tpu.memory_space<hbm>>) target(%arg12 : memref<64xf32, #tpu.memory_space<vmem>>) target_semaphore(%run_scoped3A : memref<!tpu.dma_semaphore, #tpu.memory_space<semaphore_mem>>)
      tpu.wait_dma2 semaphore(%run_scoped3A : memref<!tpu.dma_semaphore, #tpu.memory_space<semaphore_mem>>) src(%arg8 : memref<64xf32, #tpu.memory_space<hbm>>) dst(%arg12 : memref<64xf32, #tpu.memory_space<vmem>>)
      tpu.yield
    }) : () -> ()
    "tpu.region"() ({
      %run_scoped3A = tpu.sem_alloc : memref<!tpu.dma_semaphore, #tpu.memory_space<semaphore_mem>>
      tpu.enqueue_dma source(%arg9 : memref<12808xi32, #tpu.memory_space<hbm>>) target(%arg13 : memref<12808xi32, #tpu.memory_space<vmem>>) target_semaphore(%run_scoped3A : memref<!tpu.dma_semaphore, #tpu.memory_space<semaphore_mem>>)
      tpu.wait_dma2 semaphore(%run_scoped3A : memref<!tpu.dma_semaphore, #tpu.memory_space<semaphore_mem>>) src(%arg9 : memref<12808xi32, #tpu.memory_space<hbm>>) dst(%arg13 : memref<12808xi32, #tpu.memory_space<vmem>>)
      tpu.yield
    }) : () -> ()
    %iota3A = tpu.iota {dimensions = array<i32: 0>} : vector<16xi32>
    %scan3A = arith.constant 0 : i32
    %scan3A_3 = arith.constant 0 : i32
    %scan3A_4 = arith.constant 900 : i32
    %scan3A_5 = arith.addi %scan3A_3, %scan3A_4 : i32
    %scan3A_6 = arith.constant 1 : i32
    scf.for %scan3A_116 = %scan3A_3 to %scan3A_5 step %scan3A_6  : i32 {
      %broadcast_in_dim3A_117 = arith.constant 0.000000e+00 : f32
      %broadcast_in_dim3A_118 = vector.broadcast %broadcast_in_dim3A_117 : f32 to vector<16xf32>
      %mul3A_119 = arith.constant 16 : i32
      %mul3A_120 = arith.muli %scan3A_116, %mul3A_119 : i32
      %swap3A = arith.index_cast %mul3A_120 : i32 to index
      %swap3A_121 = tpu.vector_load %arg19[%swap3A] {strides = array<i32>} : memref<14400xf32, #tpu.memory_space<vmem>>, vector<16xf32>,
      tpu.vector_store %arg19[%swap3A], %broadcast_in_dim3A_118 {strides = array<i32>} : memref<14400xf32, #tpu.memory_space<vmem>>, vector<16xf32>,
    }
    %scan3A_7 = arith.constant 900 : i32
    %scan3A_8 = arith.constant 0 : i32
    %scan3A_9 = arith.constant 0 : i32
    %scan3A_10 = arith.constant 25 : i32
    %scan3A_11 = arith.addi %scan3A_9, %scan3A_10 : i32
    %scan3A_12 = arith.constant 1 : i32
    scf.for %scan3A_116 = %scan3A_9 to %scan3A_11 step %scan3A_12  : i32 {
      %mul3A_117 = arith.constant 400 : i32
      %mul3A_118 = arith.muli %add3A, %mul3A_117 : i32
      %mul3A_119 = arith.constant 16 : i32
      %mul3A_120 = arith.muli %scan3A_116, %mul3A_119 : i32
      %add3A_121 = arith.addi %mul3A_118, %mul3A_120 : i32
      %add3A_122 = vector.broadcast %add3A_121 : i32 to vector<16xi32>
      %add3A_123 = arith.addi %add3A_122, %iota3A : vector<16xi32>
      %gather3A_124 = tpu.vector_load_idx %arg13[%add3A_123] : memref<12808xi32, #tpu.memory_space<vmem>>[vector<16xi32>], vector<16xi32>,
      %add3A_125 = arith.constant 1 : i32
      %add3A_126 = arith.addi %add3A_121, %add3A_125 : i32
      %add3A_127 = vector.broadcast %add3A_126 : i32 to vector<16xi32>
      %add3A_128 = arith.addi %add3A_127, %iota3A : vector<16xi32>
      %gather3A_129 = tpu.vector_load_idx %arg13[%add3A_128] : memref<12808xi32, #tpu.memory_space<vmem>>[vector<16xi32>], vector<16xi32>,
      %reduce_min3A = arith.constant true
      %reduce_min3A_130 = vector.broadcast %reduce_min3A : i1 to vector<16xi1>
      %reduce_min3A_131 = arith.constant -2147483648 : i32
      %reduce_min3A_132 = vector.broadcast %reduce_min3A_131 : i32 to vector<16xi32>
      %reduce_min3A_133 = arith.xori %gather3A_124, %reduce_min3A_132 : vector<16xi32>
      %reduce_min3A_134 = tpu.scan <min>, %reduce_min3A_133 masked %reduce_min3A_130 : vector<16xi32>, vector<16xi1> -> vector<16xi32>
      %reduce_min3A_135 = arith.xori %reduce_min3A_134, %reduce_min3A_132 : vector<16xi32>
      %reduce_min3A_136 = vector.extract %reduce_min3A_135[15] : i32 from vector<16xi32>
      %reduce_max3A = arith.constant true
      %reduce_max3A_137 = vector.broadcast %reduce_max3A : i1 to vector<16xi1>
      %reduce_max3A_138 = arith.constant -2147483648 : i32
      %reduce_max3A_139 = vector.broadcast %reduce_max3A_138 : i32 to vector<16xi32>
      %reduce_max3A_140 = arith.xori %gather3A_129, %reduce_max3A_139 : vector<16xi32>
      %reduce_max3A_141 = tpu.scan <max>, %reduce_max3A_140 masked %reduce_max3A_137 : vector<16xi32>, vector<16xi1> -> vector<16xi32>
      %reduce_max3A_142 = arith.xori %reduce_max3A_141, %reduce_max3A_139 : vector<16xi32>
      %reduce_max3A_143 = vector.extract %reduce_max3A_142[15] : i32 from vector<16xi32>
      %and3A = arith.constant -8 : i32
      %and3A_144 = arith.andi %reduce_min3A_136, %and3A : i32
      %sub3A = arith.subi %reduce_max3A_143, %and3A_144 : i32
      %add3A_145 = arith.constant 2560 : i32
      %add3A_146 = arith.addi %sub3A, %add3A_145 : i32
      %sub3A_147 = arith.constant 1 : i32
      %sub3A_148 = arith.subi %add3A_146, %sub3A_147 : i32
      %jit3A = arith.constant 2560 : i32
      %div3A = arith.divsi %sub3A_148, %jit3A : i32
      %sign3A = arith.constant 0 : i32
      %sign3A_149 = arith.cmpi sgt, %sub3A_148, %sign3A : i32
      %sign3A_150 = arith.extui %sign3A_149 : i1 to i32
      %sign3A_151 = arith.constant 0 : i32
      %sign3A_152 = arith.cmpi slt, %sub3A_148, %sign3A_151 : i32
      %sign3A_153 = arith.extui %sign3A_152 : i1 to i32
      %sign3A_154 = arith.subi %sign3A_150, %sign3A_153 : i32
      %sign3A_155 = arith.constant 0 : i32
      %sign3A_156 = arith.cmpi sgt, %jit3A, %sign3A_155 : i32
      %sign3A_157 = arith.extui %sign3A_156 : i1 to i32
      %sign3A_158 = arith.constant 0 : i32
      %sign3A_159 = arith.cmpi slt, %jit3A, %sign3A_158 : i32
      %sign3A_160 = arith.extui %sign3A_159 : i1 to i32
      %sign3A_161 = arith.subi %sign3A_157, %sign3A_160 : i32
      %ne3A = arith.cmpi ne, %sign3A_154, %sign3A_161 : i32
      %rem3A = arith.remsi %sub3A_148, %jit3A : i32
      %ne3A_162 = arith.constant 0 : i32
      %ne3A_163 = arith.cmpi ne, %rem3A, %ne3A_162 : i32
      %and3A_164 = arith.andi %ne3A, %ne3A_163 : i1
      %sub3A_165 = arith.constant 1 : i32
      %sub3A_166 = arith.subi %div3A, %sub3A_165 : i32
      %select_n3A = arith.select %and3A_164, %sub3A_166, %div3A : i32
      %while3A = arith.constant 0 : i32
      %while3A_167 = arith.constant 0 : i32
      %while3A_168 = arith.subi %select_n3A, %while3A_167 : i32
      %while3A_169 = arith.addi %while3A_167, %while3A_168 : i32
      %while3A_170 = arith.constant 1 : i32
      %while3A_171 = arith.divsi %while3A_168, %while3A_170 : i32
      %while3A_172 = arith.muli %while3A_171, %while3A_170 : i32
      %while3A_173 = arith.addi %while3A_167, %while3A_172 : i32
      %while3A_174 = arith.constant 1 : i32
      scf.for %while3A_176 = %while3A_167 to %while3A_173 step %while3A_174  : i32 {
        %mul3A_177 = arith.constant 2560 : i32
        %mul3A_178 = arith.muli %while3A_176, %mul3A_177 : i32
        %add3A_179 = arith.addi %and3A_144, %mul3A_178 : i32
        %min3A = arith.constant 1597440 : i32
        %min3A_180 = arith.minsi %add3A_179, %min3A : i32
        %multiple_of3A_181 = tpu.assume_multiple %min3A_180, 8 : i32
        "tpu.region"() ({
          %run_scoped3A = tpu.sem_alloc : memref<!tpu.dma_semaphore, #tpu.memory_space<semaphore_mem>>
          %dma_start3A = tpu.memref_slice %arg2[%multiple_of3A_181] : memref<1600000xf32, #tpu.memory_space<hbm>> -> memref<2560xf32, #tpu.memory_space<hbm>>
          %dma_start3A_234 = tpu.memref_slice %arg2[%multiple_of3A_181] : memref<1600000xf32, #tpu.memory_space<hbm>> -> memref<2560xf32, #tpu.memory_space<hbm>>
          tpu.enqueue_dma source(%dma_start3A_234 : memref<2560xf32, #tpu.memory_space<hbm>>) target(%arg14 : memref<2560xf32, #tpu.memory_space<vmem>>) target_semaphore(%run_scoped3A : memref<!tpu.dma_semaphore, #tpu.memory_space<semaphore_mem>>)
          %dma_wait3A = tpu.memref_slice %arg2[%multiple_of3A_181] : memref<1600000xf32, #tpu.memory_space<hbm>> -> memref<2560xf32, #tpu.memory_space<hbm>>
          %dma_wait3A_235 = tpu.memref_slice %arg2[%multiple_of3A_181] : memref<1600000xf32, #tpu.memory_space<hbm>> -> memref<2560xf32, #tpu.memory_space<hbm>>
          tpu.wait_dma2 semaphore(%run_scoped3A : memref<!tpu.dma_semaphore, #tpu.memory_space<semaphore_mem>>) src(%dma_wait3A_235 : memref<2560xf32, #tpu.memory_space<hbm>>) dst(%arg14 : memref<2560xf32, #tpu.memory_space<vmem>>)
          tpu.yield
        }) : () -> ()
        "tpu.region"() ({
          %run_scoped3A = tpu.sem_alloc : memref<!tpu.dma_semaphore, #tpu.memory_space<semaphore_mem>>
          %dma_start3A = tpu.memref_slice %arg3[%multiple_of3A_181] : memref<1600000xf32, #tpu.memory_space<hbm>> -> memref<2560xf32, #tpu.memory_space<hbm>>
          %dma_start3A_234 = tpu.memref_slice %arg3[%multiple_of3A_181] : memref<1600000xf32, #tpu.memory_space<hbm>> -> memref<2560xf32, #tpu.memory_space<hbm>>
          tpu.enqueue_dma source(%dma_start3A_234 : memref<2560xf32, #tpu.memory_space<hbm>>) target(%arg15 : memref<2560xf32, #tpu.memory_space<vmem>>) target_semaphore(%run_scoped3A : memref<!tpu.dma_semaphore, #tpu.memory_space<semaphore_mem>>)
          %dma_wait3A = tpu.memref_slice %arg3[%multiple_of3A_181] : memref<1600000xf32, #tpu.memory_space<hbm>> -> memref<2560xf32, #tpu.memory_space<hbm>>
          %dma_wait3A_235 = tpu.memref_slice %arg3[%multiple_of3A_181] : memref<1600000xf32, #tpu.memory_space<hbm>> -> memref<2560xf32, #tpu.memory_space<hbm>>
          tpu.wait_dma2 semaphore(%run_scoped3A : memref<!tpu.dma_semaphore, #tpu.memory_space<semaphore_mem>>) src(%dma_wait3A_235 : memref<2560xf32, #tpu.memory_space<hbm>>) dst(%arg15 : memref<2560xf32, #tpu.memory_space<vmem>>)
          tpu.yield
        }) : () -> ()
        "tpu.region"() ({
          %run_scoped3A = tpu.sem_alloc : memref<!tpu.dma_semaphore, #tpu.memory_space<semaphore_mem>>
          %dma_start3A = tpu.memref_slice %arg4[%multiple_of3A_181] : memref<1600000xf32, #tpu.memory_space<hbm>> -> memref<2560xf32, #tpu.memory_space<hbm>>
          %dma_start3A_234 = tpu.memref_slice %arg4[%multiple_of3A_181] : memref<1600000xf32, #tpu.memory_space<hbm>> -> memref<2560xf32, #tpu.memory_space<hbm>>
          tpu.enqueue_dma source(%dma_start3A_234 : memref<2560xf32, #tpu.memory_space<hbm>>) target(%arg16 : memref<2560xf32, #tpu.memory_space<vmem>>) target_semaphore(%run_scoped3A : memref<!tpu.dma_semaphore, #tpu.memory_space<semaphore_mem>>)
          %dma_wait3A = tpu.memref_slice %arg4[%multiple_of3A_181] : memref<1600000xf32, #tpu.memory_space<hbm>> -> memref<2560xf32, #tpu.memory_space<hbm>>
          %dma_wait3A_235 = tpu.memref_slice %arg4[%multiple_of3A_181] : memref<1600000xf32, #tpu.memory_space<hbm>> -> memref<2560xf32, #tpu.memory_space<hbm>>
          tpu.wait_dma2 semaphore(%run_scoped3A : memref<!tpu.dma_semaphore, #tpu.memory_space<semaphore_mem>>) src(%dma_wait3A_235 : memref<2560xf32, #tpu.memory_space<hbm>>) dst(%arg16 : memref<2560xf32, #tpu.memory_space<vmem>>)
          tpu.yield
        }) : () -> ()
        "tpu.region"() ({
          %run_scoped3A = tpu.sem_alloc : memref<!tpu.dma_semaphore, #tpu.memory_space<semaphore_mem>>
          %dma_start3A = tpu.memref_slice %arg5[%multiple_of3A_181] : memref<1600000xi32, #tpu.memory_space<hbm>> -> memref<2560xi32, #tpu.memory_space<hbm>>
          %dma_start3A_234 = tpu.memref_slice %arg5[%multiple_of3A_181] : memref<1600000xi32, #tpu.memory_space<hbm>> -> memref<2560xi32, #tpu.memory_space<hbm>>
          tpu.enqueue_dma source(%dma_start3A_234 : memref<2560xi32, #tpu.memory_space<hbm>>) target(%arg17 : memref<2560xi32, #tpu.memory_space<vmem>>) target_semaphore(%run_scoped3A : memref<!tpu.dma_semaphore, #tpu.memory_space<semaphore_mem>>)
          %dma_wait3A = tpu.memref_slice %arg5[%multiple_of3A_181] : memref<1600000xi32, #tpu.memory_space<hbm>> -> memref<2560xi32, #tpu.memory_space<hbm>>
          %dma_wait3A_235 = tpu.memref_slice %arg5[%multiple_of3A_181] : memref<1600000xi32, #tpu.memory_space<hbm>> -> memref<2560xi32, #tpu.memory_space<hbm>>
          tpu.wait_dma2 semaphore(%run_scoped3A : memref<!tpu.dma_semaphore, #tpu.memory_space<semaphore_mem>>) src(%dma_wait3A_235 : memref<2560xi32, #tpu.memory_space<hbm>>) dst(%arg17 : memref<2560xi32, #tpu.memory_space<vmem>>)
          tpu.yield
        }) : () -> ()
        "tpu.region"() ({
          %run_scoped3A = tpu.sem_alloc : memref<!tpu.dma_semaphore, #tpu.memory_space<semaphore_mem>>
          %dma_start3A = tpu.memref_slice %arg6[%multiple_of3A_181] : memref<1600000xi32, #tpu.memory_space<hbm>> -> memref<2560xi32, #tpu.memory_space<hbm>>
          %dma_start3A_234 = tpu.memref_slice %arg6[%multiple_of3A_181] : memref<1600000xi32, #tpu.memory_space<hbm>> -> memref<2560xi32, #tpu.memory_space<hbm>>
          tpu.enqueue_dma source(%dma_start3A_234 : memref<2560xi32, #tpu.memory_space<hbm>>) target(%arg18 : memref<2560xi32, #tpu.memory_space<vmem>>) target_semaphore(%run_scoped3A : memref<!tpu.dma_semaphore, #tpu.memory_space<semaphore_mem>>)
          %dma_wait3A = tpu.memref_slice %arg6[%multiple_of3A_181] : memref<1600000xi32, #tpu.memory_space<hbm>> -> memref<2560xi32, #tpu.memory_space<hbm>>
          %dma_wait3A_235 = tpu.memref_slice %arg6[%multiple_of3A_181] : memref<1600000xi32, #tpu.memory_space<hbm>> -> memref<2560xi32, #tpu.memory_space<hbm>>
          tpu.wait_dma2 semaphore(%run_scoped3A : memref<!tpu.dma_semaphore, #tpu.memory_space<semaphore_mem>>) src(%dma_wait3A_235 : memref<2560xi32, #tpu.memory_space<hbm>>) dst(%arg18 : memref<2560xi32, #tpu.memory_space<vmem>>)
          tpu.yield
        }) : () -> ()
        %max3A = vector.broadcast %multiple_of3A_181 : i32 to vector<16xi32>
        %max3A_182 = arith.maxsi %gather3A_124, %max3A : vector<16xi32>
        %add3A_183 = arith.constant 2560 : i32
        %add3A_184 = arith.addi %multiple_of3A_181, %add3A_183 : i32
        %min3A_185 = vector.broadcast %add3A_184 : i32 to vector<16xi32>
        %min3A_186 = arith.minsi %gather3A_129, %min3A_185 : vector<16xi32>
        %sub3A_187 = arith.subi %min3A_186, %max3A_182 : vector<16xi32>
        %reduce_max3A_188 = arith.constant true
        %reduce_max3A_189 = vector.broadcast %reduce_max3A_188 : i1 to vector<16xi1>
        %reduce_max3A_190 = arith.constant -2147483648 : i32
        %reduce_max3A_191 = vector.broadcast %reduce_max3A_190 : i32 to vector<16xi32>
        %reduce_max3A_192 = arith.xori %sub3A_187, %reduce_max3A_191 : vector<16xi32>
        %reduce_max3A_193 = tpu.scan <max>, %reduce_max3A_192 masked %reduce_max3A_189 : vector<16xi32>, vector<16xi1> -> vector<16xi32>
        %reduce_max3A_194 = arith.xori %reduce_max3A_193, %reduce_max3A_191 : vector<16xi32>
        %reduce_max3A_195 = vector.extract %reduce_max3A_194[15] : i32 from vector<16xi32>
        %sub3A_196 = vector.broadcast %multiple_of3A_181 : i32 to vector<16xi32>
        %sub3A_197 = arith.subi %max3A_182, %sub3A_196 : vector<16xi32>
        %add3A_198 = arith.constant 1 : i32
        %add3A_199 = arith.addi %reduce_max3A_195, %add3A_198 : i32
        %jit3A_200 = arith.constant 2 : i32
        %div3A_201 = arith.divsi %add3A_199, %jit3A_200 : i32
        %sign3A_202 = arith.constant 0 : i32
        %sign3A_203 = arith.cmpi sgt, %add3A_199, %sign3A_202 : i32
        %sign3A_204 = arith.extui %sign3A_203 : i1 to i32
        %sign3A_205 = arith.constant 0 : i32
        %sign3A_206 = arith.cmpi slt, %add3A_199, %sign3A_205 : i32
        %sign3A_207 = arith.extui %sign3A_206 : i1 to i32
        %sign3A_208 = arith.subi %sign3A_204, %sign3A_207 : i32
        %sign3A_209 = arith.constant 0 : i32
        %sign3A_210 = arith.cmpi sgt, %jit3A_200, %sign3A_209 : i32
        %sign3A_211 = arith.extui %sign3A_210 : i1 to i32
        %sign3A_212 = arith.constant 0 : i32
        %sign3A_213 = arith.cmpi slt, %jit3A_200, %sign3A_212 : i32
        %sign3A_214 = arith.extui %sign3A_213 : i1 to i32
        %sign3A_215 = arith.subi %sign3A_211, %sign3A_214 : i32
        %ne3A_216 = arith.cmpi ne, %sign3A_208, %sign3A_215 : i32
        %rem3A_217 = arith.remsi %add3A_199, %jit3A_200 : i32
        %ne3A_218 = arith.constant 0 : i32
        %ne3A_219 = arith.cmpi ne, %rem3A_217, %ne3A_218 : i32
        %and3A_220 = arith.andi %ne3A_216, %ne3A_219 : i1
        %sub3A_221 = arith.constant 1 : i32
        %sub3A_222 = arith.subi %div3A_201, %sub3A_221 : i32
        %select_n3A_223 = arith.select %and3A_220, %sub3A_222, %div3A_201 : i32
        %while3A_224 = arith.constant 0 : i32
        %while3A_225 = arith.constant 0 : i32
        %while3A_226 = arith.subi %select_n3A_223, %while3A_225 : i32
        %while3A_227 = arith.addi %while3A_225, %while3A_226 : i32
        %while3A_228 = arith.constant 1 : i32
        %while3A_229 = arith.divsi %while3A_226, %while3A_228 : i32
        %while3A_230 = arith.muli %while3A_229, %while3A_228 : i32
        %while3A_231 = arith.addi %while3A_225, %while3A_230 : i32
        %while3A_232 = arith.constant 1 : i32
        scf.for %while3A_234 = %while3A_225 to %while3A_231 step %while3A_232  : i32 {
          %mul3A_235 = arith.constant 2 : i32
          %mul3A_236 = arith.muli %while3A_234, %mul3A_235 : i32
          %lt3A = vector.broadcast %mul3A_236 : i32 to vector<16xi32>
          %lt3A_237 = arith.cmpi slt, %lt3A, %sub3A_187 : vector<16xi32>
          %add3A_238 = vector.broadcast %mul3A_236 : i32 to vector<16xi32>
          %add3A_239 = arith.addi %sub3A_197, %add3A_238 : vector<16xi32>
          %jit3A_240 = arith.constant 0 : i32
          %broadcast_in_dim3A_241 = vector.broadcast %jit3A_240 : i32 to vector<16xi32>
          %select_n3A_242 = arith.select %lt3A_237, %add3A_239, %broadcast_in_dim3A_241 : vector<16xi1>, vector<16xi32>
          %gather3A_243 = tpu.vector_load_idx %arg14[%select_n3A_242] : memref<2560xf32, #tpu.memory_space<vmem>>[vector<16xi32>], vector<16xf32>,
          %gather3A_244 = tpu.vector_load_idx %arg15[%select_n3A_242] : memref<2560xf32, #tpu.memory_space<vmem>>[vector<16xi32>], vector<16xf32>,
          %gather3A_245 = tpu.vector_load_idx %arg16[%select_n3A_242] : memref<2560xf32, #tpu.memory_space<vmem>>[vector<16xi32>], vector<16xf32>,
          %gather3A_246 = tpu.vector_load_idx %arg17[%select_n3A_242] : memref<2560xi32, #tpu.memory_space<vmem>>[vector<16xi32>], vector<16xi32>,
          %gather3A_247 = tpu.vector_load_idx %arg18[%select_n3A_242] : memref<2560xi32, #tpu.memory_space<vmem>>[vector<16xi32>], vector<16xi32>,
          %gather3A_248 = tpu.vector_load_idx %arg11[%gather3A_247] : memref<50000xi32, #tpu.memory_space<vmem>>[vector<16xi32>], vector<16xi32>,
          %mul3A_249 = arith.mulf %gather3A_243, %gather3A_243 : vector<16xf32>
          %mul3A_250 = arith.mulf %gather3A_244, %gather3A_244 : vector<16xf32>
          %add3A_251 = arith.addf %mul3A_249, %mul3A_250 : vector<16xf32>
          %mul3A_252 = arith.mulf %gather3A_245, %gather3A_245 : vector<16xf32>
          %add3A_253 = arith.addf %add3A_251, %mul3A_252 : vector<16xf32>
          %max3A_254 = arith.constant 9.99999996E-13 : f32
          %max3A_255 = vector.broadcast %max3A_254 : f32 to vector<16xf32>
          %max3A_256 = arith.maximumf %add3A_253, %max3A_255 : vector<16xf32>
          %bitcast3A = vector.bitcast %max3A_256 : vector<16xf32> to vector<16xi32>
          %shift_right_logical3A = arith.constant 1 : i32
          %shift_right_logical3A_257 = vector.broadcast %shift_right_logical3A : i32 to vector<16xi32>
          %shift_right_logical3A_258 = arith.shrui %bitcast3A, %shift_right_logical3A_257 : vector<16xi32>
          %sub3A_259 = arith.constant 1597463007 : i32
          %sub3A_260 = vector.broadcast %sub3A_259 : i32 to vector<16xi32>
          %sub3A_261 = arith.subi %sub3A_260, %shift_right_logical3A_258 : vector<16xi32>
          %bitcast3A_262 = vector.bitcast %sub3A_261 : vector<16xi32> to vector<16xf32>
          %mul3A_263 = arith.constant 5.000000e-01 : f32
          %mul3A_264 = vector.broadcast %mul3A_263 : f32 to vector<16xf32>
          %mul3A_265 = arith.mulf %mul3A_264, %max3A_256 : vector<16xf32>
          %mul3A_266 = arith.mulf %mul3A_265, %bitcast3A_262 : vector<16xf32>
          %mul3A_267 = arith.mulf %mul3A_266, %bitcast3A_262 : vector<16xf32>
          %sub3A_268 = arith.constant 1.500000e+00 : f32
          %sub3A_269 = vector.broadcast %sub3A_268 : f32 to vector<16xf32>
          %sub3A_270 = arith.subf %sub3A_269, %mul3A_267 : vector<16xf32>
          %mul3A_271 = arith.mulf %bitcast3A_262, %sub3A_270 : vector<16xf32>
          %mul3A_272 = arith.mulf %mul3A_265, %mul3A_271 : vector<16xf32>
          %mul3A_273 = arith.mulf %mul3A_272, %mul3A_271 : vector<16xf32>
          %sub3A_274 = arith.constant 1.500000e+00 : f32
          %sub3A_275 = vector.broadcast %sub3A_274 : f32 to vector<16xf32>
          %sub3A_276 = arith.subf %sub3A_275, %mul3A_273 : vector<16xf32>
          %mul3A_277 = arith.mulf %mul3A_271, %sub3A_276 : vector<16xf32>
          %mul3A_278 = arith.mulf %mul3A_265, %mul3A_277 : vector<16xf32>
          %mul3A_279 = arith.mulf %mul3A_278, %mul3A_277 : vector<16xf32>
          %sub3A_280 = arith.constant 1.500000e+00 : f32
          %sub3A_281 = vector.broadcast %sub3A_280 : f32 to vector<16xf32>
          %sub3A_282 = arith.subf %sub3A_281, %mul3A_279 : vector<16xf32>
          %mul3A_283 = arith.mulf %mul3A_277, %sub3A_282 : vector<16xf32>
          %mul3A_284 = arith.mulf %max3A_256, %mul3A_283 : vector<16xf32>
          %mul3A_285 = arith.constant 0.261799395 : f32
          %mul3A_286 = vector.broadcast %mul3A_285 : f32 to vector<16xf32>
          %mul3A_287 = arith.mulf %mul3A_284, %mul3A_286 : vector<16xf32>
          %mul3A_288 = arith.constant 0.159154937 : f32
          %mul3A_289 = vector.broadcast %mul3A_288 : f32 to vector<16xf32>
          %mul3A_290 = arith.mulf %mul3A_287, %mul3A_289 : vector<16xf32>
          %add3A_291 = arith.constant 0x4B400000 : f32
          %add3A_292 = vector.broadcast %add3A_291 : f32 to vector<16xf32>
          %add3A_293 = arith.addf %mul3A_290, %add3A_292 : vector<16xf32>
          %sub3A_294 = arith.constant 0x4B400000 : f32
          %sub3A_295 = vector.broadcast %sub3A_294 : f32 to vector<16xf32>
          %sub3A_296 = arith.subf %add3A_293, %sub3A_295 : vector<16xf32>
          %mul3A_297 = arith.constant 6.28318548 : f32
          %mul3A_298 = vector.broadcast %mul3A_297 : f32 to vector<16xf32>
          %mul3A_299 = arith.mulf %sub3A_296, %mul3A_298 : vector<16xf32>
          %sub3A_300 = arith.subf %mul3A_287, %mul3A_299 : vector<16xf32>
          %mul3A_301 = arith.mulf %sub3A_300, %sub3A_300 : vector<16xf32>
          %mul3A_302 = arith.constant -9.72255609E-12 : f32
          %mul3A_303 = vector.broadcast %mul3A_302 : f32 to vector<16xf32>
          %mul3A_304 = arith.mulf %mul3A_303, %mul3A_301 : vector<16xf32>
          %add3A_305 = arith.constant 2.06035988E-9 : f32
          %add3A_306 = vector.broadcast %add3A_305 : f32 to vector<16xf32>
          %add3A_307 = arith.addf %mul3A_304, %add3A_306 : vector<16xf32>
          %mul3A_308 = arith.mulf %add3A_307, %mul3A_301 : vector<16xf32>
          %add3A_309 = arith.constant -2.753480e-07 : f32
          %add3A_310 = vector.broadcast %add3A_309 : f32 to vector<16xf32>
          %add3A_311 = arith.addf %mul3A_308, %add3A_310 : vector<16xf32>
          %mul3A_312 = arith.mulf %add3A_311, %mul3A_301 : vector<16xf32>
          %add3A_313 = arith.constant 2.48005526E-5 : f32
          %add3A_314 = vector.broadcast %add3A_313 : f32 to vector<16xf32>
          %add3A_315 = arith.addf %mul3A_312, %add3A_314 : vector<16xf32>
          %mul3A_316 = arith.mulf %add3A_315, %mul3A_301 : vector<16xf32>
          %add3A_317 = arith.constant -0.00138888624 : f32
          %add3A_318 = vector.broadcast %add3A_317 : f32 to vector<16xf32>
          %add3A_319 = arith.addf %mul3A_316, %add3A_318 : vector<16xf32>
          %mul3A_320 = arith.mulf %add3A_319, %mul3A_301 : vector<16xf32>
          %add3A_321 = arith.constant 0.0416666642 : f32
          %add3A_322 = vector.broadcast %add3A_321 : f32 to vector<16xf32>
          %add3A_323 = arith.addf %mul3A_320, %add3A_322 : vector<16xf32>
          %mul3A_324 = arith.mulf %add3A_323, %mul3A_301 : vector<16xf32>
          %add3A_325 = arith.constant -5.000000e-01 : f32
          %add3A_326 = vector.broadcast %add3A_325 : f32 to vector<16xf32>
          %add3A_327 = arith.addf %mul3A_324, %add3A_326 : vector<16xf32>
          %mul3A_328 = arith.mulf %add3A_327, %mul3A_301 : vector<16xf32>
          %add3A_329 = arith.constant 1.000000e+00 : f32
          %add3A_330 = vector.broadcast %add3A_329 : f32 to vector<16xf32>
          %add3A_331 = arith.addf %mul3A_328, %add3A_330 : vector<16xf32>
          %mul3A_332 = arith.mulf %add3A_331, %add3A_331 : vector<16xf32>
          %mul3A_333 = arith.mulf %mul3A_332, %mul3A_332 : vector<16xf32>
          %mul3A_334 = arith.constant 2 : i32
          %mul3A_335 = vector.broadcast %mul3A_334 : i32 to vector<16xi32>
          %mul3A_336 = arith.muli %gather3A_248, %mul3A_335 : vector<16xi32>
          %gather3A_337 = tpu.vector_load_idx %arg12[%mul3A_336] : memref<64xf32, #tpu.memory_space<vmem>>[vector<16xi32>], vector<16xf32>,
          %add3A_338 = arith.constant 1 : i32
          %add3A_339 = vector.broadcast %add3A_338 : i32 to vector<16xi32>
          %add3A_340 = arith.addi %mul3A_336, %add3A_339 : vector<16xi32>
          %gather3A_341 = tpu.vector_load_idx %arg12[%add3A_340] : memref<64xf32, #tpu.memory_space<vmem>>[vector<16xi32>], vector<16xf32>,
          %add3A_342 = arith.constant 6 : i32
          %add3A_343 = vector.broadcast %add3A_342 : i32 to vector<16xi32>
          %add3A_344 = arith.addi %mul3A_336, %add3A_343 : vector<16xi32>
          %gather3A_345 = tpu.vector_load_idx %arg12[%add3A_344] : memref<64xf32, #tpu.memory_space<vmem>>[vector<16xi32>], vector<16xf32>,
          %add3A_346 = arith.constant 7 : i32
          %add3A_347 = vector.broadcast %add3A_346 : i32 to vector<16xi32>
          %add3A_348 = arith.addi %mul3A_336, %add3A_347 : vector<16xi32>
          %gather3A_349 = tpu.vector_load_idx %arg12[%add3A_348] : memref<64xf32, #tpu.memory_space<vmem>>[vector<16xi32>], vector<16xf32>,
          %add3A_350 = arith.constant 12 : i32
          %add3A_351 = vector.broadcast %add3A_350 : i32 to vector<16xi32>
          %add3A_352 = arith.addi %mul3A_336, %add3A_351 : vector<16xi32>
          %gather3A_353 = tpu.vector_load_idx %arg12[%add3A_352] : memref<64xf32, #tpu.memory_space<vmem>>[vector<16xi32>], vector<16xf32>,
          %add3A_354 = arith.constant 13 : i32
          %add3A_355 = vector.broadcast %add3A_354 : i32 to vector<16xi32>
          %add3A_356 = arith.addi %mul3A_336, %add3A_355 : vector<16xi32>
          %gather3A_357 = tpu.vector_load_idx %arg12[%add3A_356] : memref<64xf32, #tpu.memory_space<vmem>>[vector<16xi32>], vector<16xf32>,
          %sub3A_358 = arith.subf %mul3A_284, %gather3A_345 : vector<16xf32>
          %sub3A_359 = arith.subf %mul3A_284, %gather3A_349 : vector<16xf32>
          %mul3A_360 = arith.mulf %mul3A_333, %gather3A_353 : vector<16xf32>
          %mul3A_361 = arith.mulf %gather3A_337, %sub3A_358 : vector<16xf32>
          %mul3A_362 = arith.mulf %mul3A_361, %sub3A_358 : vector<16xf32>
          %exp3A = math.exp %mul3A_362 : vector<16xf32>
          %mul3A_363 = arith.mulf %mul3A_360, %exp3A : vector<16xf32>
          %mul3A_364 = arith.mulf %mul3A_333, %gather3A_357 : vector<16xf32>
          %mul3A_365 = arith.mulf %gather3A_341, %sub3A_359 : vector<16xf32>
          %mul3A_366 = arith.mulf %mul3A_365, %sub3A_359 : vector<16xf32>
          %exp3A_367 = math.exp %mul3A_366 : vector<16xf32>
          %mul3A_368 = arith.mulf %mul3A_364, %exp3A_367 : vector<16xf32>
          %sub3A_369 = vector.broadcast %mul3A_2 : i32 to vector<16xi32>
          %sub3A_370 = arith.subi %gather3A_246, %sub3A_369 : vector<16xi32>
          %mul3A_371 = arith.constant 9 : i32
          %mul3A_372 = vector.broadcast %mul3A_371 : i32 to vector<16xi32>
          %mul3A_373 = arith.muli %sub3A_370, %mul3A_372 : vector<16xi32>
          %jit3A_374 = arith.constant 0 : i32
          %broadcast_in_dim3A_375 = vector.broadcast %jit3A_374 : i32 to vector<16xi32>
          %select_n3A_376 = arith.select %lt3A_237, %mul3A_373, %broadcast_in_dim3A_375 : vector<16xi1>, vector<16xi32>
          tpu.vector_store_idx %arg19[%select_n3A_376], %mul3A_363 masked %lt3A_237 {add = true} : memref<14400xf32, #tpu.memory_space<vmem>>[vector<16xi32>], vector<16xf32>, vector<16xi1>
          %add3A_377 = arith.constant 1 : i32
          %add3A_378 = vector.broadcast %add3A_377 : i32 to vector<16xi32>
          %add3A_379 = arith.addi %select_n3A_376, %add3A_378 : vector<16xi32>
          tpu.vector_store_idx %arg19[%add3A_379], %mul3A_368 masked %lt3A_237 {add = true} : memref<14400xf32, #tpu.memory_space<vmem>>[vector<16xi32>], vector<16xf32>, vector<16xi1>
          %add3A_380 = arith.constant 2 : i32
          %add3A_381 = vector.broadcast %add3A_380 : i32 to vector<16xi32>
          %add3A_382 = arith.addi %select_n3A_376, %add3A_381 : vector<16xi32>
          %mul3A_383 = arith.mulf %gather3A_243, %mul3A_363 : vector<16xf32>
          tpu.vector_store_idx %arg19[%add3A_382], %mul3A_383 masked %lt3A_237 {add = true} : memref<14400xf32, #tpu.memory_space<vmem>>[vector<16xi32>], vector<16xf32>, vector<16xi1>
          %add3A_384 = arith.constant 3 : i32
          %add3A_385 = vector.broadcast %add3A_384 : i32 to vector<16xi32>
          %add3A_386 = arith.addi %select_n3A_376, %add3A_385 : vector<16xi32>
          %mul3A_387 = arith.mulf %gather3A_243, %mul3A_368 : vector<16xf32>
          tpu.vector_store_idx %arg19[%add3A_386], %mul3A_387 masked %lt3A_237 {add = true} : memref<14400xf32, #tpu.memory_space<vmem>>[vector<16xi32>], vector<16xf32>, vector<16xi1>
          %add3A_388 = arith.constant 4 : i32
          %add3A_389 = vector.broadcast %add3A_388 : i32 to vector<16xi32>
          %add3A_390 = arith.addi %select_n3A_376, %add3A_389 : vector<16xi32>
          %mul3A_391 = arith.mulf %gather3A_244, %mul3A_363 : vector<16xf32>
          tpu.vector_store_idx %arg19[%add3A_390], %mul3A_391 masked %lt3A_237 {add = true} : memref<14400xf32, #tpu.memory_space<vmem>>[vector<16xi32>], vector<16xf32>, vector<16xi1>
          %add3A_392 = arith.constant 5 : i32
          %add3A_393 = vector.broadcast %add3A_392 : i32 to vector<16xi32>
          %add3A_394 = arith.addi %select_n3A_376, %add3A_393 : vector<16xi32>
          %mul3A_395 = arith.mulf %gather3A_244, %mul3A_368 : vector<16xf32>
          tpu.vector_store_idx %arg19[%add3A_394], %mul3A_395 masked %lt3A_237 {add = true} : memref<14400xf32, #tpu.memory_space<vmem>>[vector<16xi32>], vector<16xf32>, vector<16xi1>
          %add3A_396 = arith.constant 6 : i32
          %add3A_397 = vector.broadcast %add3A_396 : i32 to vector<16xi32>
          %add3A_398 = arith.addi %select_n3A_376, %add3A_397 : vector<16xi32>
          %mul3A_399 = arith.mulf %gather3A_245, %mul3A_363 : vector<16xf32>
          tpu.vector_store_idx %arg19[%add3A_398], %mul3A_399 masked %lt3A_237 {add = true} : memref<14400xf32, #tpu.memory_space<vmem>>[vector<16xi32>], vector<16xf32>, vector<16xi1>
          %add3A_400 = arith.constant 7 : i32
          %add3A_401 = vector.broadcast %add3A_400 : i32 to vector<16xi32>
          %add3A_402 = arith.addi %select_n3A_376, %add3A_401 : vector<16xi32>
          %mul3A_403 = arith.mulf %gather3A_245, %mul3A_368 : vector<16xf32>
          tpu.vector_store_idx %arg19[%add3A_402], %mul3A_403 masked %lt3A_237 {add = true} : memref<14400xf32, #tpu.memory_space<vmem>>[vector<16xi32>], vector<16xf32>, vector<16xi1>
          %add3A_404 = arith.constant 1 : i32
          %add3A_405 = arith.addi %mul3A_236, %add3A_404 : i32
          %lt3A_406 = vector.broadcast %add3A_405 : i32 to vector<16xi32>
          %lt3A_407 = arith.cmpi slt, %lt3A_406, %sub3A_187 : vector<16xi32>
          %add3A_408 = vector.broadcast %add3A_405 : i32 to vector<16xi32>
          %add3A_409 = arith.addi %sub3A_197, %add3A_408 : vector<16xi32>
          %jit3A_410 = arith.constant 0 : i32
          %broadcast_in_dim3A_411 = vector.broadcast %jit3A_410 : i32 to vector<16xi32>
          %select_n3A_412 = arith.select %lt3A_407, %add3A_409, %broadcast_in_dim3A_411 : vector<16xi1>, vector<16xi32>
          %gather3A_413 = tpu.vector_load_idx %arg14[%select_n3A_412] : memref<2560xf32, #tpu.memory_space<vmem>>[vector<16xi32>], vector<16xf32>,
          %gather3A_414 = tpu.vector_load_idx %arg15[%select_n3A_412] : memref<2560xf32, #tpu.memory_space<vmem>>[vector<16xi32>], vector<16xf32>,
          %gather3A_415 = tpu.vector_load_idx %arg16[%select_n3A_412] : memref<2560xf32, #tpu.memory_space<vmem>>[vector<16xi32>], vector<16xf32>,
          %gather3A_416 = tpu.vector_load_idx %arg17[%select_n3A_412] : memref<2560xi32, #tpu.memory_space<vmem>>[vector<16xi32>], vector<16xi32>,
          %gather3A_417 = tpu.vector_load_idx %arg18[%select_n3A_412] : memref<2560xi32, #tpu.memory_space<vmem>>[vector<16xi32>], vector<16xi32>,
          %gather3A_418 = tpu.vector_load_idx %arg11[%gather3A_417] : memref<50000xi32, #tpu.memory_space<vmem>>[vector<16xi32>], vector<16xi32>,
          %mul3A_419 = arith.mulf %gather3A_413, %gather3A_413 : vector<16xf32>
          %mul3A_420 = arith.mulf %gather3A_414, %gather3A_414 : vector<16xf32>
          %add3A_421 = arith.addf %mul3A_419, %mul3A_420 : vector<16xf32>
          %mul3A_422 = arith.mulf %gather3A_415, %gather3A_415 : vector<16xf32>
          %add3A_423 = arith.addf %add3A_421, %mul3A_422 : vector<16xf32>
          %max3A_424 = arith.constant 9.99999996E-13 : f32
          %max3A_425 = vector.broadcast %max3A_424 : f32 to vector<16xf32>
          %max3A_426 = arith.maximumf %add3A_423, %max3A_425 : vector<16xf32>
          %bitcast3A_427 = vector.bitcast %max3A_426 : vector<16xf32> to vector<16xi32>
          %shift_right_logical3A_428 = arith.constant 1 : i32
          %shift_right_logical3A_429 = vector.broadcast %shift_right_logical3A_428 : i32 to vector<16xi32>
          %shift_right_logical3A_430 = arith.shrui %bitcast3A_427, %shift_right_logical3A_429 : vector<16xi32>
          %sub3A_431 = arith.constant 1597463007 : i32
          %sub3A_432 = vector.broadcast %sub3A_431 : i32 to vector<16xi32>
          %sub3A_433 = arith.subi %sub3A_432, %shift_right_logical3A_430 : vector<16xi32>
          %bitcast3A_434 = vector.bitcast %sub3A_433 : vector<16xi32> to vector<16xf32>
          %mul3A_435 = arith.constant 5.000000e-01 : f32
          %mul3A_436 = vector.broadcast %mul3A_435 : f32 to vector<16xf32>
          %mul3A_437 = arith.mulf %mul3A_436, %max3A_426 : vector<16xf32>
          %mul3A_438 = arith.mulf %mul3A_437, %bitcast3A_434 : vector<16xf32>
          %mul3A_439 = arith.mulf %mul3A_438, %bitcast3A_434 : vector<16xf32>
          %sub3A_440 = arith.constant 1.500000e+00 : f32
          %sub3A_441 = vector.broadcast %sub3A_440 : f32 to vector<16xf32>
          %sub3A_442 = arith.subf %sub3A_441, %mul3A_439 : vector<16xf32>
          %mul3A_443 = arith.mulf %bitcast3A_434, %sub3A_442 : vector<16xf32>
          %mul3A_444 = arith.mulf %mul3A_437, %mul3A_443 : vector<16xf32>
          %mul3A_445 = arith.mulf %mul3A_444, %mul3A_443 : vector<16xf32>
          %sub3A_446 = arith.constant 1.500000e+00 : f32
          %sub3A_447 = vector.broadcast %sub3A_446 : f32 to vector<16xf32>
          %sub3A_448 = arith.subf %sub3A_447, %mul3A_445 : vector<16xf32>
          %mul3A_449 = arith.mulf %mul3A_443, %sub3A_448 : vector<16xf32>
          %mul3A_450 = arith.mulf %mul3A_437, %mul3A_449 : vector<16xf32>
          %mul3A_451 = arith.mulf %mul3A_450, %mul3A_449 : vector<16xf32>
          %sub3A_452 = arith.constant 1.500000e+00 : f32
          %sub3A_453 = vector.broadcast %sub3A_452 : f32 to vector<16xf32>
          %sub3A_454 = arith.subf %sub3A_453, %mul3A_451 : vector<16xf32>
          %mul3A_455 = arith.mulf %mul3A_449, %sub3A_454 : vector<16xf32>
          %mul3A_456 = arith.mulf %max3A_426, %mul3A_455 : vector<16xf32>
          %mul3A_457 = arith.constant 0.261799395 : f32
          %mul3A_458 = vector.broadcast %mul3A_457 : f32 to vector<16xf32>
          %mul3A_459 = arith.mulf %mul3A_456, %mul3A_458 : vector<16xf32>
          %mul3A_460 = arith.constant 0.159154937 : f32
          %mul3A_461 = vector.broadcast %mul3A_460 : f32 to vector<16xf32>
          %mul3A_462 = arith.mulf %mul3A_459, %mul3A_461 : vector<16xf32>
          %add3A_463 = arith.constant 0x4B400000 : f32
          %add3A_464 = vector.broadcast %add3A_463 : f32 to vector<16xf32>
          %add3A_465 = arith.addf %mul3A_462, %add3A_464 : vector<16xf32>
          %sub3A_466 = arith.constant 0x4B400000 : f32
          %sub3A_467 = vector.broadcast %sub3A_466 : f32 to vector<16xf32>
          %sub3A_468 = arith.subf %add3A_465, %sub3A_467 : vector<16xf32>
          %mul3A_469 = arith.constant 6.28318548 : f32
          %mul3A_470 = vector.broadcast %mul3A_469 : f32 to vector<16xf32>
          %mul3A_471 = arith.mulf %sub3A_468, %mul3A_470 : vector<16xf32>
          %sub3A_472 = arith.subf %mul3A_459, %mul3A_471 : vector<16xf32>
          %mul3A_473 = arith.mulf %sub3A_472, %sub3A_472 : vector<16xf32>
          %mul3A_474 = arith.constant -9.72255609E-12 : f32
          %mul3A_475 = vector.broadcast %mul3A_474 : f32 to vector<16xf32>
          %mul3A_476 = arith.mulf %mul3A_475, %mul3A_473 : vector<16xf32>
          %add3A_477 = arith.constant 2.06035988E-9 : f32
          %add3A_478 = vector.broadcast %add3A_477 : f32 to vector<16xf32>
          %add3A_479 = arith.addf %mul3A_476, %add3A_478 : vector<16xf32>
          %mul3A_480 = arith.mulf %add3A_479, %mul3A_473 : vector<16xf32>
          %add3A_481 = arith.constant -2.753480e-07 : f32
          %add3A_482 = vector.broadcast %add3A_481 : f32 to vector<16xf32>
          %add3A_483 = arith.addf %mul3A_480, %add3A_482 : vector<16xf32>
          %mul3A_484 = arith.mulf %add3A_483, %mul3A_473 : vector<16xf32>
          %add3A_485 = arith.constant 2.48005526E-5 : f32
          %add3A_486 = vector.broadcast %add3A_485 : f32 to vector<16xf32>
          %add3A_487 = arith.addf %mul3A_484, %add3A_486 : vector<16xf32>
          %mul3A_488 = arith.mulf %add3A_487, %mul3A_473 : vector<16xf32>
          %add3A_489 = arith.constant -0.00138888624 : f32
          %add3A_490 = vector.broadcast %add3A_489 : f32 to vector<16xf32>
          %add3A_491 = arith.addf %mul3A_488, %add3A_490 : vector<16xf32>
          %mul3A_492 = arith.mulf %add3A_491, %mul3A_473 : vector<16xf32>
          %add3A_493 = arith.constant 0.0416666642 : f32
          %add3A_494 = vector.broadcast %add3A_493 : f32 to vector<16xf32>
          %add3A_495 = arith.addf %mul3A_492, %add3A_494 : vector<16xf32>
          %mul3A_496 = arith.mulf %add3A_495, %mul3A_473 : vector<16xf32>
          %add3A_497 = arith.constant -5.000000e-01 : f32
          %add3A_498 = vector.broadcast %add3A_497 : f32 to vector<16xf32>
          %add3A_499 = arith.addf %mul3A_496, %add3A_498 : vector<16xf32>
          %mul3A_500 = arith.mulf %add3A_499, %mul3A_473 : vector<16xf32>
          %add3A_501 = arith.constant 1.000000e+00 : f32
          %add3A_502 = vector.broadcast %add3A_501 : f32 to vector<16xf32>
          %add3A_503 = arith.addf %mul3A_500, %add3A_502 : vector<16xf32>
          %mul3A_504 = arith.mulf %add3A_503, %add3A_503 : vector<16xf32>
          %mul3A_505 = arith.mulf %mul3A_504, %mul3A_504 : vector<16xf32>
          %mul3A_506 = arith.constant 2 : i32
          %mul3A_507 = vector.broadcast %mul3A_506 : i32 to vector<16xi32>
          %mul3A_508 = arith.muli %gather3A_418, %mul3A_507 : vector<16xi32>
          %gather3A_509 = tpu.vector_load_idx %arg12[%mul3A_508] : memref<64xf32, #tpu.memory_space<vmem>>[vector<16xi32>], vector<16xf32>,
          %add3A_510 = arith.constant 1 : i32
          %add3A_511 = vector.broadcast %add3A_510 : i32 to vector<16xi32>
          %add3A_512 = arith.addi %mul3A_508, %add3A_511 : vector<16xi32>
          %gather3A_513 = tpu.vector_load_idx %arg12[%add3A_512] : memref<64xf32, #tpu.memory_space<vmem>>[vector<16xi32>], vector<16xf32>,
          %add3A_514 = arith.constant 6 : i32
          %add3A_515 = vector.broadcast %add3A_514 : i32 to vector<16xi32>
          %add3A_516 = arith.addi %mul3A_508, %add3A_515 : vector<16xi32>
          %gather3A_517 = tpu.vector_load_idx %arg12[%add3A_516] : memref<64xf32, #tpu.memory_space<vmem>>[vector<16xi32>], vector<16xf32>,
          %add3A_518 = arith.constant 7 : i32
          %add3A_519 = vector.broadcast %add3A_518 : i32 to vector<16xi32>
          %add3A_520 = arith.addi %mul3A_508, %add3A_519 : vector<16xi32>
          %gather3A_521 = tpu.vector_load_idx %arg12[%add3A_520] : memref<64xf32, #tpu.memory_space<vmem>>[vector<16xi32>], vector<16xf32>,
          %add3A_522 = arith.constant 12 : i32
          %add3A_523 = vector.broadcast %add3A_522 : i32 to vector<16xi32>
          %add3A_524 = arith.addi %mul3A_508, %add3A_523 : vector<16xi32>
          %gather3A_525 = tpu.vector_load_idx %arg12[%add3A_524] : memref<64xf32, #tpu.memory_space<vmem>>[vector<16xi32>], vector<16xf32>,
          %add3A_526 = arith.constant 13 : i32
          %add3A_527 = vector.broadcast %add3A_526 : i32 to vector<16xi32>
          %add3A_528 = arith.addi %mul3A_508, %add3A_527 : vector<16xi32>
          %gather3A_529 = tpu.vector_load_idx %arg12[%add3A_528] : memref<64xf32, #tpu.memory_space<vmem>>[vector<16xi32>], vector<16xf32>,
          %sub3A_530 = arith.subf %mul3A_456, %gather3A_517 : vector<16xf32>
          %sub3A_531 = arith.subf %mul3A_456, %gather3A_521 : vector<16xf32>
          %mul3A_532 = arith.mulf %mul3A_505, %gather3A_525 : vector<16xf32>
          %mul3A_533 = arith.mulf %gather3A_509, %sub3A_530 : vector<16xf32>
          %mul3A_534 = arith.mulf %mul3A_533, %sub3A_530 : vector<16xf32>
          %exp3A_535 = math.exp %mul3A_534 : vector<16xf32>
          %mul3A_536 = arith.mulf %mul3A_532, %exp3A_535 : vector<16xf32>
          %mul3A_537 = arith.mulf %mul3A_505, %gather3A_529 : vector<16xf32>
          %mul3A_538 = arith.mulf %gather3A_513, %sub3A_531 : vector<16xf32>
          %mul3A_539 = arith.mulf %mul3A_538, %sub3A_531 : vector<16xf32>
          %exp3A_540 = math.exp %mul3A_539 : vector<16xf32>
          %mul3A_541 = arith.mulf %mul3A_537, %exp3A_540 : vector<16xf32>
          %sub3A_542 = vector.broadcast %mul3A_2 : i32 to vector<16xi32>
          %sub3A_543 = arith.subi %gather3A_416, %sub3A_542 : vector<16xi32>
          %mul3A_544 = arith.constant 9 : i32
          %mul3A_545 = vector.broadcast %mul3A_544 : i32 to vector<16xi32>
          %mul3A_546 = arith.muli %sub3A_543, %mul3A_545 : vector<16xi32>
          %jit3A_547 = arith.constant 0 : i32
          %broadcast_in_dim3A_548 = vector.broadcast %jit3A_547 : i32 to vector<16xi32>
          %select_n3A_549 = arith.select %lt3A_407, %mul3A_546, %broadcast_in_dim3A_548 : vector<16xi1>, vector<16xi32>
          tpu.vector_store_idx %arg19[%select_n3A_549], %mul3A_536 masked %lt3A_407 {add = true} : memref<14400xf32, #tpu.memory_space<vmem>>[vector<16xi32>], vector<16xf32>, vector<16xi1>
          %add3A_550 = arith.constant 1 : i32
          %add3A_551 = vector.broadcast %add3A_550 : i32 to vector<16xi32>
          %add3A_552 = arith.addi %select_n3A_549, %add3A_551 : vector<16xi32>
          tpu.vector_store_idx %arg19[%add3A_552], %mul3A_541 masked %lt3A_407 {add = true} : memref<14400xf32, #tpu.memory_space<vmem>>[vector<16xi32>], vector<16xf32>, vector<16xi1>
          %add3A_553 = arith.constant 2 : i32
          %add3A_554 = vector.broadcast %add3A_553 : i32 to vector<16xi32>
          %add3A_555 = arith.addi %select_n3A_549, %add3A_554 : vector<16xi32>
          %mul3A_556 = arith.mulf %gather3A_413, %mul3A_536 : vector<16xf32>
          tpu.vector_store_idx %arg19[%add3A_555], %mul3A_556 masked %lt3A_407 {add = true} : memref<14400xf32, #tpu.memory_space<vmem>>[vector<16xi32>], vector<16xf32>, vector<16xi1>
          %add3A_557 = arith.constant 3 : i32
          %add3A_558 = vector.broadcast %add3A_557 : i32 to vector<16xi32>
          %add3A_559 = arith.addi %select_n3A_549, %add3A_558 : vector<16xi32>
          %mul3A_560 = arith.mulf %gather3A_413, %mul3A_541 : vector<16xf32>
          tpu.vector_store_idx %arg19[%add3A_559], %mul3A_560 masked %lt3A_407 {add = true} : memref<14400xf32, #tpu.memory_space<vmem>>[vector<16xi32>], vector<16xf32>, vector<16xi1>
          %add3A_561 = arith.constant 4 : i32
          %add3A_562 = vector.broadcast %add3A_561 : i32 to vector<16xi32>
          %add3A_563 = arith.addi %select_n3A_549, %add3A_562 : vector<16xi32>
          %mul3A_564 = arith.mulf %gather3A_414, %mul3A_536 : vector<16xf32>
          tpu.vector_store_idx %arg19[%add3A_563], %mul3A_564 masked %lt3A_407 {add = true} : memref<14400xf32, #tpu.memory_space<vmem>>[vector<16xi32>], vector<16xf32>, vector<16xi1>
          %add3A_565 = arith.constant 5 : i32
          %add3A_566 = vector.broadcast %add3A_565 : i32 to vector<16xi32>
          %add3A_567 = arith.addi %select_n3A_549, %add3A_566 : vector<16xi32>
          %mul3A_568 = arith.mulf %gather3A_414, %mul3A_541 : vector<16xf32>
          tpu.vector_store_idx %arg19[%add3A_567], %mul3A_568 masked %lt3A_407 {add = true} : memref<14400xf32, #tpu.memory_space<vmem>>[vector<16xi32>], vector<16xf32>, vector<16xi1>
          %add3A_569 = arith.constant 6 : i32
          %add3A_570 = vector.broadcast %add3A_569 : i32 to vector<16xi32>
          %add3A_571 = arith.addi %select_n3A_549, %add3A_570 : vector<16xi32>
          %mul3A_572 = arith.mulf %gather3A_415, %mul3A_536 : vector<16xf32>
          tpu.vector_store_idx %arg19[%add3A_571], %mul3A_572 masked %lt3A_407 {add = true} : memref<14400xf32, #tpu.memory_space<vmem>>[vector<16xi32>], vector<16xf32>, vector<16xi1>
          %add3A_573 = arith.constant 7 : i32
          %add3A_574 = vector.broadcast %add3A_573 : i32 to vector<16xi32>
          %add3A_575 = arith.addi %select_n3A_549, %add3A_574 : vector<16xi32>
          %mul3A_576 = arith.mulf %gather3A_415, %mul3A_541 : vector<16xf32>
          tpu.vector_store_idx %arg19[%add3A_575], %mul3A_576 masked %lt3A_407 {add = true} : memref<14400xf32, #tpu.memory_space<vmem>>[vector<16xi32>], vector<16xf32>, vector<16xi1>
        }
        %while3A_233 = arith.constant 1 : i32
        scf.for %while3A_234 = %while3A_231 to %while3A_227 step %while3A_233  : i32 {
          %mul3A_235 = arith.constant 2 : i32
          %mul3A_236 = arith.muli %while3A_234, %mul3A_235 : i32
          %lt3A = vector.broadcast %mul3A_236 : i32 to vector<16xi32>
          %lt3A_237 = arith.cmpi slt, %lt3A, %sub3A_187 : vector<16xi32>
          %add3A_238 = vector.broadcast %mul3A_236 : i32 to vector<16xi32>
          %add3A_239 = arith.addi %sub3A_197, %add3A_238 : vector<16xi32>
          %jit3A_240 = arith.constant 0 : i32
          %broadcast_in_dim3A_241 = vector.broadcast %jit3A_240 : i32 to vector<16xi32>
          %select_n3A_242 = arith.select %lt3A_237, %add3A_239, %broadcast_in_dim3A_241 : vector<16xi1>, vector<16xi32>
          %gather3A_243 = tpu.vector_load_idx %arg14[%select_n3A_242] : memref<2560xf32, #tpu.memory_space<vmem>>[vector<16xi32>], vector<16xf32>,
          %gather3A_244 = tpu.vector_load_idx %arg15[%select_n3A_242] : memref<2560xf32, #tpu.memory_space<vmem>>[vector<16xi32>], vector<16xf32>,
          %gather3A_245 = tpu.vector_load_idx %arg16[%select_n3A_242] : memref<2560xf32, #tpu.memory_space<vmem>>[vector<16xi32>], vector<16xf32>,
          %gather3A_246 = tpu.vector_load_idx %arg17[%select_n3A_242] : memref<2560xi32, #tpu.memory_space<vmem>>[vector<16xi32>], vector<16xi32>,
          %gather3A_247 = tpu.vector_load_idx %arg18[%select_n3A_242] : memref<2560xi32, #tpu.memory_space<vmem>>[vector<16xi32>], vector<16xi32>,
          %gather3A_248 = tpu.vector_load_idx %arg11[%gather3A_247] : memref<50000xi32, #tpu.memory_space<vmem>>[vector<16xi32>], vector<16xi32>,
          %mul3A_249 = arith.mulf %gather3A_243, %gather3A_243 : vector<16xf32>
          %mul3A_250 = arith.mulf %gather3A_244, %gather3A_244 : vector<16xf32>
          %add3A_251 = arith.addf %mul3A_249, %mul3A_250 : vector<16xf32>
          %mul3A_252 = arith.mulf %gather3A_245, %gather3A_245 : vector<16xf32>
          %add3A_253 = arith.addf %add3A_251, %mul3A_252 : vector<16xf32>
          %max3A_254 = arith.constant 9.99999996E-13 : f32
          %max3A_255 = vector.broadcast %max3A_254 : f32 to vector<16xf32>
          %max3A_256 = arith.maximumf %add3A_253, %max3A_255 : vector<16xf32>
          %bitcast3A = vector.bitcast %max3A_256 : vector<16xf32> to vector<16xi32>
          %shift_right_logical3A = arith.constant 1 : i32
          %shift_right_logical3A_257 = vector.broadcast %shift_right_logical3A : i32 to vector<16xi32>
          %shift_right_logical3A_258 = arith.shrui %bitcast3A, %shift_right_logical3A_257 : vector<16xi32>
          %sub3A_259 = arith.constant 1597463007 : i32
          %sub3A_260 = vector.broadcast %sub3A_259 : i32 to vector<16xi32>
          %sub3A_261 = arith.subi %sub3A_260, %shift_right_logical3A_258 : vector<16xi32>
          %bitcast3A_262 = vector.bitcast %sub3A_261 : vector<16xi32> to vector<16xf32>
          %mul3A_263 = arith.constant 5.000000e-01 : f32
          %mul3A_264 = vector.broadcast %mul3A_263 : f32 to vector<16xf32>
          %mul3A_265 = arith.mulf %mul3A_264, %max3A_256 : vector<16xf32>
          %mul3A_266 = arith.mulf %mul3A_265, %bitcast3A_262 : vector<16xf32>
          %mul3A_267 = arith.mulf %mul3A_266, %bitcast3A_262 : vector<16xf32>
          %sub3A_268 = arith.constant 1.500000e+00 : f32
          %sub3A_269 = vector.broadcast %sub3A_268 : f32 to vector<16xf32>
          %sub3A_270 = arith.subf %sub3A_269, %mul3A_267 : vector<16xf32>
          %mul3A_271 = arith.mulf %bitcast3A_262, %sub3A_270 : vector<16xf32>
          %mul3A_272 = arith.mulf %mul3A_265, %mul3A_271 : vector<16xf32>
          %mul3A_273 = arith.mulf %mul3A_272, %mul3A_271 : vector<16xf32>
          %sub3A_274 = arith.constant 1.500000e+00 : f32
          %sub3A_275 = vector.broadcast %sub3A_274 : f32 to vector<16xf32>
          %sub3A_276 = arith.subf %sub3A_275, %mul3A_273 : vector<16xf32>
          %mul3A_277 = arith.mulf %mul3A_271, %sub3A_276 : vector<16xf32>
          %mul3A_278 = arith.mulf %mul3A_265, %mul3A_277 : vector<16xf32>
          %mul3A_279 = arith.mulf %mul3A_278, %mul3A_277 : vector<16xf32>
          %sub3A_280 = arith.constant 1.500000e+00 : f32
          %sub3A_281 = vector.broadcast %sub3A_280 : f32 to vector<16xf32>
          %sub3A_282 = arith.subf %sub3A_281, %mul3A_279 : vector<16xf32>
          %mul3A_283 = arith.mulf %mul3A_277, %sub3A_282 : vector<16xf32>
          %mul3A_284 = arith.mulf %max3A_256, %mul3A_283 : vector<16xf32>
          %mul3A_285 = arith.constant 0.261799395 : f32
          %mul3A_286 = vector.broadcast %mul3A_285 : f32 to vector<16xf32>
          %mul3A_287 = arith.mulf %mul3A_284, %mul3A_286 : vector<16xf32>
          %mul3A_288 = arith.constant 0.159154937 : f32
          %mul3A_289 = vector.broadcast %mul3A_288 : f32 to vector<16xf32>
          %mul3A_290 = arith.mulf %mul3A_287, %mul3A_289 : vector<16xf32>
          %add3A_291 = arith.constant 0x4B400000 : f32
          %add3A_292 = vector.broadcast %add3A_291 : f32 to vector<16xf32>
          %add3A_293 = arith.addf %mul3A_290, %add3A_292 : vector<16xf32>
          %sub3A_294 = arith.constant 0x4B400000 : f32
          %sub3A_295 = vector.broadcast %sub3A_294 : f32 to vector<16xf32>
          %sub3A_296 = arith.subf %add3A_293, %sub3A_295 : vector<16xf32>
          %mul3A_297 = arith.constant 6.28318548 : f32
          %mul3A_298 = vector.broadcast %mul3A_297 : f32 to vector<16xf32>
          %mul3A_299 = arith.mulf %sub3A_296, %mul3A_298 : vector<16xf32>
          %sub3A_300 = arith.subf %mul3A_287, %mul3A_299 : vector<16xf32>
          %mul3A_301 = arith.mulf %sub3A_300, %sub3A_300 : vector<16xf32>
          %mul3A_302 = arith.constant -9.72255609E-12 : f32
          %mul3A_303 = vector.broadcast %mul3A_302 : f32 to vector<16xf32>
          %mul3A_304 = arith.mulf %mul3A_303, %mul3A_301 : vector<16xf32>
          %add3A_305 = arith.constant 2.06035988E-9 : f32
          %add3A_306 = vector.broadcast %add3A_305 : f32 to vector<16xf32>
          %add3A_307 = arith.addf %mul3A_304, %add3A_306 : vector<16xf32>
          %mul3A_308 = arith.mulf %add3A_307, %mul3A_301 : vector<16xf32>
          %add3A_309 = arith.constant -2.753480e-07 : f32
          %add3A_310 = vector.broadcast %add3A_309 : f32 to vector<16xf32>
          %add3A_311 = arith.addf %mul3A_308, %add3A_310 : vector<16xf32>
          %mul3A_312 = arith.mulf %add3A_311, %mul3A_301 : vector<16xf32>
          %add3A_313 = arith.constant 2.48005526E-5 : f32
          %add3A_314 = vector.broadcast %add3A_313 : f32 to vector<16xf32>
          %add3A_315 = arith.addf %mul3A_312, %add3A_314 : vector<16xf32>
          %mul3A_316 = arith.mulf %add3A_315, %mul3A_301 : vector<16xf32>
          %add3A_317 = arith.constant -0.00138888624 : f32
          %add3A_318 = vector.broadcast %add3A_317 : f32 to vector<16xf32>
          %add3A_319 = arith.addf %mul3A_316, %add3A_318 : vector<16xf32>
          %mul3A_320 = arith.mulf %add3A_319, %mul3A_301 : vector<16xf32>
          %add3A_321 = arith.constant 0.0416666642 : f32
          %add3A_322 = vector.broadcast %add3A_321 : f32 to vector<16xf32>
          %add3A_323 = arith.addf %mul3A_320, %add3A_322 : vector<16xf32>
          %mul3A_324 = arith.mulf %add3A_323, %mul3A_301 : vector<16xf32>
          %add3A_325 = arith.constant -5.000000e-01 : f32
          %add3A_326 = vector.broadcast %add3A_325 : f32 to vector<16xf32>
          %add3A_327 = arith.addf %mul3A_324, %add3A_326 : vector<16xf32>
          %mul3A_328 = arith.mulf %add3A_327, %mul3A_301 : vector<16xf32>
          %add3A_329 = arith.constant 1.000000e+00 : f32
          %add3A_330 = vector.broadcast %add3A_329 : f32 to vector<16xf32>
          %add3A_331 = arith.addf %mul3A_328, %add3A_330 : vector<16xf32>
          %mul3A_332 = arith.mulf %add3A_331, %add3A_331 : vector<16xf32>
          %mul3A_333 = arith.mulf %mul3A_332, %mul3A_332 : vector<16xf32>
          %mul3A_334 = arith.constant 2 : i32
          %mul3A_335 = vector.broadcast %mul3A_334 : i32 to vector<16xi32>
          %mul3A_336 = arith.muli %gather3A_248, %mul3A_335 : vector<16xi32>
          %gather3A_337 = tpu.vector_load_idx %arg12[%mul3A_336] : memref<64xf32, #tpu.memory_space<vmem>>[vector<16xi32>], vector<16xf32>,
          %add3A_338 = arith.constant 1 : i32
          %add3A_339 = vector.broadcast %add3A_338 : i32 to vector<16xi32>
          %add3A_340 = arith.addi %mul3A_336, %add3A_339 : vector<16xi32>
          %gather3A_341 = tpu.vector_load_idx %arg12[%add3A_340] : memref<64xf32, #tpu.memory_space<vmem>>[vector<16xi32>], vector<16xf32>,
          %add3A_342 = arith.constant 6 : i32
          %add3A_343 = vector.broadcast %add3A_342 : i32 to vector<16xi32>
          %add3A_344 = arith.addi %mul3A_336, %add3A_343 : vector<16xi32>
          %gather3A_345 = tpu.vector_load_idx %arg12[%add3A_344] : memref<64xf32, #tpu.memory_space<vmem>>[vector<16xi32>], vector<16xf32>,
          %add3A_346 = arith.constant 7 : i32
          %add3A_347 = vector.broadcast %add3A_346 : i32 to vector<16xi32>
          %add3A_348 = arith.addi %mul3A_336, %add3A_347 : vector<16xi32>
          %gather3A_349 = tpu.vector_load_idx %arg12[%add3A_348] : memref<64xf32, #tpu.memory_space<vmem>>[vector<16xi32>], vector<16xf32>,
          %add3A_350 = arith.constant 12 : i32
          %add3A_351 = vector.broadcast %add3A_350 : i32 to vector<16xi32>
          %add3A_352 = arith.addi %mul3A_336, %add3A_351 : vector<16xi32>
          %gather3A_353 = tpu.vector_load_idx %arg12[%add3A_352] : memref<64xf32, #tpu.memory_space<vmem>>[vector<16xi32>], vector<16xf32>,
          %add3A_354 = arith.constant 13 : i32
          %add3A_355 = vector.broadcast %add3A_354 : i32 to vector<16xi32>
          %add3A_356 = arith.addi %mul3A_336, %add3A_355 : vector<16xi32>
          %gather3A_357 = tpu.vector_load_idx %arg12[%add3A_356] : memref<64xf32, #tpu.memory_space<vmem>>[vector<16xi32>], vector<16xf32>,
          %sub3A_358 = arith.subf %mul3A_284, %gather3A_345 : vector<16xf32>
          %sub3A_359 = arith.subf %mul3A_284, %gather3A_349 : vector<16xf32>
          %mul3A_360 = arith.mulf %mul3A_333, %gather3A_353 : vector<16xf32>
          %mul3A_361 = arith.mulf %gather3A_337, %sub3A_358 : vector<16xf32>
          %mul3A_362 = arith.mulf %mul3A_361, %sub3A_358 : vector<16xf32>
          %exp3A = math.exp %mul3A_362 : vector<16xf32>
          %mul3A_363 = arith.mulf %mul3A_360, %exp3A : vector<16xf32>
          %mul3A_364 = arith.mulf %mul3A_333, %gather3A_357 : vector<16xf32>
          %mul3A_365 = arith.mulf %gather3A_341, %sub3A_359 : vector<16xf32>
          %mul3A_366 = arith.mulf %mul3A_365, %sub3A_359 : vector<16xf32>
          %exp3A_367 = math.exp %mul3A_366 : vector<16xf32>
          %mul3A_368 = arith.mulf %mul3A_364, %exp3A_367 : vector<16xf32>
          %sub3A_369 = vector.broadcast %mul3A_2 : i32 to vector<16xi32>
          %sub3A_370 = arith.subi %gather3A_246, %sub3A_369 : vector<16xi32>
          %mul3A_371 = arith.constant 9 : i32
          %mul3A_372 = vector.broadcast %mul3A_371 : i32 to vector<16xi32>
          %mul3A_373 = arith.muli %sub3A_370, %mul3A_372 : vector<16xi32>
          %jit3A_374 = arith.constant 0 : i32
          %broadcast_in_dim3A_375 = vector.broadcast %jit3A_374 : i32 to vector<16xi32>
          %select_n3A_376 = arith.select %lt3A_237, %mul3A_373, %broadcast_in_dim3A_375 : vector<16xi1>, vector<16xi32>
          tpu.vector_store_idx %arg19[%select_n3A_376], %mul3A_363 masked %lt3A_237 {add = true} : memref<14400xf32, #tpu.memory_space<vmem>>[vector<16xi32>], vector<16xf32>, vector<16xi1>
          %add3A_377 = arith.constant 1 : i32
          %add3A_378 = vector.broadcast %add3A_377 : i32 to vector<16xi32>
          %add3A_379 = arith.addi %select_n3A_376, %add3A_378 : vector<16xi32>
          tpu.vector_store_idx %arg19[%add3A_379], %mul3A_368 masked %lt3A_237 {add = true} : memref<14400xf32, #tpu.memory_space<vmem>>[vector<16xi32>], vector<16xf32>, vector<16xi1>
          %add3A_380 = arith.constant 2 : i32
          %add3A_381 = vector.broadcast %add3A_380 : i32 to vector<16xi32>
          %add3A_382 = arith.addi %select_n3A_376, %add3A_381 : vector<16xi32>
          %mul3A_383 = arith.mulf %gather3A_243, %mul3A_363 : vector<16xf32>
          tpu.vector_store_idx %arg19[%add3A_382], %mul3A_383 masked %lt3A_237 {add = true} : memref<14400xf32, #tpu.memory_space<vmem>>[vector<16xi32>], vector<16xf32>, vector<16xi1>
          %add3A_384 = arith.constant 3 : i32
          %add3A_385 = vector.broadcast %add3A_384 : i32 to vector<16xi32>
          %add3A_386 = arith.addi %select_n3A_376, %add3A_385 : vector<16xi32>
          %mul3A_387 = arith.mulf %gather3A_243, %mul3A_368 : vector<16xf32>
          tpu.vector_store_idx %arg19[%add3A_386], %mul3A_387 masked %lt3A_237 {add = true} : memref<14400xf32, #tpu.memory_space<vmem>>[vector<16xi32>], vector<16xf32>, vector<16xi1>
          %add3A_388 = arith.constant 4 : i32
          %add3A_389 = vector.broadcast %add3A_388 : i32 to vector<16xi32>
          %add3A_390 = arith.addi %select_n3A_376, %add3A_389 : vector<16xi32>
          %mul3A_391 = arith.mulf %gather3A_244, %mul3A_363 : vector<16xf32>
          tpu.vector_store_idx %arg19[%add3A_390], %mul3A_391 masked %lt3A_237 {add = true} : memref<14400xf32, #tpu.memory_space<vmem>>[vector<16xi32>], vector<16xf32>, vector<16xi1>
          %add3A_392 = arith.constant 5 : i32
          %add3A_393 = vector.broadcast %add3A_392 : i32 to vector<16xi32>
          %add3A_394 = arith.addi %select_n3A_376, %add3A_393 : vector<16xi32>
          %mul3A_395 = arith.mulf %gather3A_244, %mul3A_368 : vector<16xf32>
          tpu.vector_store_idx %arg19[%add3A_394], %mul3A_395 masked %lt3A_237 {add = true} : memref<14400xf32, #tpu.memory_space<vmem>>[vector<16xi32>], vector<16xf32>, vector<16xi1>
          %add3A_396 = arith.constant 6 : i32
          %add3A_397 = vector.broadcast %add3A_396 : i32 to vector<16xi32>
          %add3A_398 = arith.addi %select_n3A_376, %add3A_397 : vector<16xi32>
          %mul3A_399 = arith.mulf %gather3A_245, %mul3A_363 : vector<16xf32>
          tpu.vector_store_idx %arg19[%add3A_398], %mul3A_399 masked %lt3A_237 {add = true} : memref<14400xf32, #tpu.memory_space<vmem>>[vector<16xi32>], vector<16xf32>, vector<16xi1>
          %add3A_400 = arith.constant 7 : i32
          %add3A_401 = vector.broadcast %add3A_400 : i32 to vector<16xi32>
          %add3A_402 = arith.addi %select_n3A_376, %add3A_401 : vector<16xi32>
          %mul3A_403 = arith.mulf %gather3A_245, %mul3A_368 : vector<16xf32>
          tpu.vector_store_idx %arg19[%add3A_402], %mul3A_403 masked %lt3A_237 {add = true} : memref<14400xf32, #tpu.memory_space<vmem>>[vector<16xi32>], vector<16xf32>, vector<16xi1>
          %add3A_404 = arith.constant 1 : i32
          %add3A_405 = arith.addi %mul3A_236, %add3A_404 : i32
          %lt3A_406 = vector.broadcast %add3A_405 : i32 to vector<16xi32>
          %lt3A_407 = arith.cmpi slt, %lt3A_406, %sub3A_187 : vector<16xi32>
          %add3A_408 = vector.broadcast %add3A_405 : i32 to vector<16xi32>
          %add3A_409 = arith.addi %sub3A_197, %add3A_408 : vector<16xi32>
          %jit3A_410 = arith.constant 0 : i32
          %broadcast_in_dim3A_411 = vector.broadcast %jit3A_410 : i32 to vector<16xi32>
          %select_n3A_412 = arith.select %lt3A_407, %add3A_409, %broadcast_in_dim3A_411 : vector<16xi1>, vector<16xi32>
          %gather3A_413 = tpu.vector_load_idx %arg14[%select_n3A_412] : memref<2560xf32, #tpu.memory_space<vmem>>[vector<16xi32>], vector<16xf32>,
          %gather3A_414 = tpu.vector_load_idx %arg15[%select_n3A_412] : memref<2560xf32, #tpu.memory_space<vmem>>[vector<16xi32>], vector<16xf32>,
          %gather3A_415 = tpu.vector_load_idx %arg16[%select_n3A_412] : memref<2560xf32, #tpu.memory_space<vmem>>[vector<16xi32>], vector<16xf32>,
          %gather3A_416 = tpu.vector_load_idx %arg17[%select_n3A_412] : memref<2560xi32, #tpu.memory_space<vmem>>[vector<16xi32>], vector<16xi32>,
          %gather3A_417 = tpu.vector_load_idx %arg18[%select_n3A_412] : memref<2560xi32, #tpu.memory_space<vmem>>[vector<16xi32>], vector<16xi32>,
          %gather3A_418 = tpu.vector_load_idx %arg11[%gather3A_417] : memref<50000xi32, #tpu.memory_space<vmem>>[vector<16xi32>], vector<16xi32>,
          %mul3A_419 = arith.mulf %gather3A_413, %gather3A_413 : vector<16xf32>
          %mul3A_420 = arith.mulf %gather3A_414, %gather3A_414 : vector<16xf32>
          %add3A_421 = arith.addf %mul3A_419, %mul3A_420 : vector<16xf32>
          %mul3A_422 = arith.mulf %gather3A_415, %gather3A_415 : vector<16xf32>
          %add3A_423 = arith.addf %add3A_421, %mul3A_422 : vector<16xf32>
          %max3A_424 = arith.constant 9.99999996E-13 : f32
          %max3A_425 = vector.broadcast %max3A_424 : f32 to vector<16xf32>
          %max3A_426 = arith.maximumf %add3A_423, %max3A_425 : vector<16xf32>
          %bitcast3A_427 = vector.bitcast %max3A_426 : vector<16xf32> to vector<16xi32>
          %shift_right_logical3A_428 = arith.constant 1 : i32
          %shift_right_logical3A_429 = vector.broadcast %shift_right_logical3A_428 : i32 to vector<16xi32>
          %shift_right_logical3A_430 = arith.shrui %bitcast3A_427, %shift_right_logical3A_429 : vector<16xi32>
          %sub3A_431 = arith.constant 1597463007 : i32
          %sub3A_432 = vector.broadcast %sub3A_431 : i32 to vector<16xi32>
          %sub3A_433 = arith.subi %sub3A_432, %shift_right_logical3A_430 : vector<16xi32>
          %bitcast3A_434 = vector.bitcast %sub3A_433 : vector<16xi32> to vector<16xf32>
          %mul3A_435 = arith.constant 5.000000e-01 : f32
          %mul3A_436 = vector.broadcast %mul3A_435 : f32 to vector<16xf32>
          %mul3A_437 = arith.mulf %mul3A_436, %max3A_426 : vector<16xf32>
          %mul3A_438 = arith.mulf %mul3A_437, %bitcast3A_434 : vector<16xf32>
          %mul3A_439 = arith.mulf %mul3A_438, %bitcast3A_434 : vector<16xf32>
          %sub3A_440 = arith.constant 1.500000e+00 : f32
          %sub3A_441 = vector.broadcast %sub3A_440 : f32 to vector<16xf32>
          %sub3A_442 = arith.subf %sub3A_441, %mul3A_439 : vector<16xf32>
          %mul3A_443 = arith.mulf %bitcast3A_434, %sub3A_442 : vector<16xf32>
          %mul3A_444 = arith.mulf %mul3A_437, %mul3A_443 : vector<16xf32>
          %mul3A_445 = arith.mulf %mul3A_444, %mul3A_443 : vector<16xf32>
          %sub3A_446 = arith.constant 1.500000e+00 : f32
          %sub3A_447 = vector.broadcast %sub3A_446 : f32 to vector<16xf32>
          %sub3A_448 = arith.subf %sub3A_447, %mul3A_445 : vector<16xf32>
          %mul3A_449 = arith.mulf %mul3A_443, %sub3A_448 : vector<16xf32>
          %mul3A_450 = arith.mulf %mul3A_437, %mul3A_449 : vector<16xf32>
          %mul3A_451 = arith.mulf %mul3A_450, %mul3A_449 : vector<16xf32>
          %sub3A_452 = arith.constant 1.500000e+00 : f32
          %sub3A_453 = vector.broadcast %sub3A_452 : f32 to vector<16xf32>
          %sub3A_454 = arith.subf %sub3A_453, %mul3A_451 : vector<16xf32>
          %mul3A_455 = arith.mulf %mul3A_449, %sub3A_454 : vector<16xf32>
          %mul3A_456 = arith.mulf %max3A_426, %mul3A_455 : vector<16xf32>
          %mul3A_457 = arith.constant 0.261799395 : f32
          %mul3A_458 = vector.broadcast %mul3A_457 : f32 to vector<16xf32>
          %mul3A_459 = arith.mulf %mul3A_456, %mul3A_458 : vector<16xf32>
          %mul3A_460 = arith.constant 0.159154937 : f32
          %mul3A_461 = vector.broadcast %mul3A_460 : f32 to vector<16xf32>
          %mul3A_462 = arith.mulf %mul3A_459, %mul3A_461 : vector<16xf32>
          %add3A_463 = arith.constant 0x4B400000 : f32
          %add3A_464 = vector.broadcast %add3A_463 : f32 to vector<16xf32>
          %add3A_465 = arith.addf %mul3A_462, %add3A_464 : vector<16xf32>
          %sub3A_466 = arith.constant 0x4B400000 : f32
          %sub3A_467 = vector.broadcast %sub3A_466 : f32 to vector<16xf32>
          %sub3A_468 = arith.subf %add3A_465, %sub3A_467 : vector<16xf32>
          %mul3A_469 = arith.constant 6.28318548 : f32
          %mul3A_470 = vector.broadcast %mul3A_469 : f32 to vector<16xf32>
          %mul3A_471 = arith.mulf %sub3A_468, %mul3A_470 : vector<16xf32>
          %sub3A_472 = arith.subf %mul3A_459, %mul3A_471 : vector<16xf32>
          %mul3A_473 = arith.mulf %sub3A_472, %sub3A_472 : vector<16xf32>
          %mul3A_474 = arith.constant -9.72255609E-12 : f32
          %mul3A_475 = vector.broadcast %mul3A_474 : f32 to vector<16xf32>
          %mul3A_476 = arith.mulf %mul3A_475, %mul3A_473 : vector<16xf32>
          %add3A_477 = arith.constant 2.06035988E-9 : f32
          %add3A_478 = vector.broadcast %add3A_477 : f32 to vector<16xf32>
          %add3A_479 = arith.addf %mul3A_476, %add3A_478 : vector<16xf32>
          %mul3A_480 = arith.mulf %add3A_479, %mul3A_473 : vector<16xf32>
          %add3A_481 = arith.constant -2.753480e-07 : f32
          %add3A_482 = vector.broadcast %add3A_481 : f32 to vector<16xf32>
          %add3A_483 = arith.addf %mul3A_480, %add3A_482 : vector<16xf32>
          %mul3A_484 = arith.mulf %add3A_483, %mul3A_473 : vector<16xf32>
          %add3A_485 = arith.constant 2.48005526E-5 : f32
          %add3A_486 = vector.broadcast %add3A_485 : f32 to vector<16xf32>
          %add3A_487 = arith.addf %mul3A_484, %add3A_486 : vector<16xf32>
          %mul3A_488 = arith.mulf %add3A_487, %mul3A_473 : vector<16xf32>
          %add3A_489 = arith.constant -0.00138888624 : f32
          %add3A_490 = vector.broadcast %add3A_489 : f32 to vector<16xf32>
          %add3A_491 = arith.addf %mul3A_488, %add3A_490 : vector<16xf32>
          %mul3A_492 = arith.mulf %add3A_491, %mul3A_473 : vector<16xf32>
          %add3A_493 = arith.constant 0.0416666642 : f32
          %add3A_494 = vector.broadcast %add3A_493 : f32 to vector<16xf32>
          %add3A_495 = arith.addf %mul3A_492, %add3A_494 : vector<16xf32>
          %mul3A_496 = arith.mulf %add3A_495, %mul3A_473 : vector<16xf32>
          %add3A_497 = arith.constant -5.000000e-01 : f32
          %add3A_498 = vector.broadcast %add3A_497 : f32 to vector<16xf32>
          %add3A_499 = arith.addf %mul3A_496, %add3A_498 : vector<16xf32>
          %mul3A_500 = arith.mulf %add3A_499, %mul3A_473 : vector<16xf32>
          %add3A_501 = arith.constant 1.000000e+00 : f32
          %add3A_502 = vector.broadcast %add3A_501 : f32 to vector<16xf32>
          %add3A_503 = arith.addf %mul3A_500, %add3A_502 : vector<16xf32>
          %mul3A_504 = arith.mulf %add3A_503, %add3A_503 : vector<16xf32>
          %mul3A_505 = arith.mulf %mul3A_504, %mul3A_504 : vector<16xf32>
          %mul3A_506 = arith.constant 2 : i32
          %mul3A_507 = vector.broadcast %mul3A_506 : i32 to vector<16xi32>
          %mul3A_508 = arith.muli %gather3A_418, %mul3A_507 : vector<16xi32>
          %gather3A_509 = tpu.vector_load_idx %arg12[%mul3A_508] : memref<64xf32, #tpu.memory_space<vmem>>[vector<16xi32>], vector<16xf32>,
          %add3A_510 = arith.constant 1 : i32
          %add3A_511 = vector.broadcast %add3A_510 : i32 to vector<16xi32>
          %add3A_512 = arith.addi %mul3A_508, %add3A_511 : vector<16xi32>
          %gather3A_513 = tpu.vector_load_idx %arg12[%add3A_512] : memref<64xf32, #tpu.memory_space<vmem>>[vector<16xi32>], vector<16xf32>,
          %add3A_514 = arith.constant 6 : i32
          %add3A_515 = vector.broadcast %add3A_514 : i32 to vector<16xi32>
          %add3A_516 = arith.addi %mul3A_508, %add3A_515 : vector<16xi32>
          %gather3A_517 = tpu.vector_load_idx %arg12[%add3A_516] : memref<64xf32, #tpu.memory_space<vmem>>[vector<16xi32>], vector<16xf32>,
          %add3A_518 = arith.constant 7 : i32
          %add3A_519 = vector.broadcast %add3A_518 : i32 to vector<16xi32>
          %add3A_520 = arith.addi %mul3A_508, %add3A_519 : vector<16xi32>
          %gather3A_521 = tpu.vector_load_idx %arg12[%add3A_520] : memref<64xf32, #tpu.memory_space<vmem>>[vector<16xi32>], vector<16xf32>,
          %add3A_522 = arith.constant 12 : i32
          %add3A_523 = vector.broadcast %add3A_522 : i32 to vector<16xi32>
          %add3A_524 = arith.addi %mul3A_508, %add3A_523 : vector<16xi32>
          %gather3A_525 = tpu.vector_load_idx %arg12[%add3A_524] : memref<64xf32, #tpu.memory_space<vmem>>[vector<16xi32>], vector<16xf32>,
          %add3A_526 = arith.constant 13 : i32
          %add3A_527 = vector.broadcast %add3A_526 : i32 to vector<16xi32>
          %add3A_528 = arith.addi %mul3A_508, %add3A_527 : vector<16xi32>
          %gather3A_529 = tpu.vector_load_idx %arg12[%add3A_528] : memref<64xf32, #tpu.memory_space<vmem>>[vector<16xi32>], vector<16xf32>,
          %sub3A_530 = arith.subf %mul3A_456, %gather3A_517 : vector<16xf32>
          %sub3A_531 = arith.subf %mul3A_456, %gather3A_521 : vector<16xf32>
          %mul3A_532 = arith.mulf %mul3A_505, %gather3A_525 : vector<16xf32>
          %mul3A_533 = arith.mulf %gather3A_509, %sub3A_530 : vector<16xf32>
          %mul3A_534 = arith.mulf %mul3A_533, %sub3A_530 : vector<16xf32>
          %exp3A_535 = math.exp %mul3A_534 : vector<16xf32>
          %mul3A_536 = arith.mulf %mul3A_532, %exp3A_535 : vector<16xf32>
          %mul3A_537 = arith.mulf %mul3A_505, %gather3A_529 : vector<16xf32>
          %mul3A_538 = arith.mulf %gather3A_513, %sub3A_531 : vector<16xf32>
          %mul3A_539 = arith.mulf %mul3A_538, %sub3A_531 : vector<16xf32>
          %exp3A_540 = math.exp %mul3A_539 : vector<16xf32>
          %mul3A_541 = arith.mulf %mul3A_537, %exp3A_540 : vector<16xf32>
          %sub3A_542 = vector.broadcast %mul3A_2 : i32 to vector<16xi32>
          %sub3A_543 = arith.subi %gather3A_416, %sub3A_542 : vector<16xi32>
          %mul3A_544 = arith.constant 9 : i32
          %mul3A_545 = vector.broadcast %mul3A_544 : i32 to vector<16xi32>
          %mul3A_546 = arith.muli %sub3A_543, %mul3A_545 : vector<16xi32>
          %jit3A_547 = arith.constant 0 : i32
          %broadcast_in_dim3A_548 = vector.broadcast %jit3A_547 : i32 to vector<16xi32>
          %select_n3A_549 = arith.select %lt3A_407, %mul3A_546, %broadcast_in_dim3A_548 : vector<16xi1>, vector<16xi32>
          tpu.vector_store_idx %arg19[%select_n3A_549], %mul3A_536 masked %lt3A_407 {add = true} : memref<14400xf32, #tpu.memory_space<vmem>>[vector<16xi32>], vector<16xf32>, vector<16xi1>
          %add3A_550 = arith.constant 1 : i32
          %add3A_551 = vector.broadcast %add3A_550 : i32 to vector<16xi32>
          %add3A_552 = arith.addi %select_n3A_549, %add3A_551 : vector<16xi32>
          tpu.vector_store_idx %arg19[%add3A_552], %mul3A_541 masked %lt3A_407 {add = true} : memref<14400xf32, #tpu.memory_space<vmem>>[vector<16xi32>], vector<16xf32>, vector<16xi1>
          %add3A_553 = arith.constant 2 : i32
          %add3A_554 = vector.broadcast %add3A_553 : i32 to vector<16xi32>
          %add3A_555 = arith.addi %select_n3A_549, %add3A_554 : vector<16xi32>
          %mul3A_556 = arith.mulf %gather3A_413, %mul3A_536 : vector<16xf32>
          tpu.vector_store_idx %arg19[%add3A_555], %mul3A_556 masked %lt3A_407 {add = true} : memref<14400xf32, #tpu.memory_space<vmem>>[vector<16xi32>], vector<16xf32>, vector<16xi1>
          %add3A_557 = arith.constant 3 : i32
          %add3A_558 = vector.broadcast %add3A_557 : i32 to vector<16xi32>
          %add3A_559 = arith.addi %select_n3A_549, %add3A_558 : vector<16xi32>
          %mul3A_560 = arith.mulf %gather3A_413, %mul3A_541 : vector<16xf32>
          tpu.vector_store_idx %arg19[%add3A_559], %mul3A_560 masked %lt3A_407 {add = true} : memref<14400xf32, #tpu.memory_space<vmem>>[vector<16xi32>], vector<16xf32>, vector<16xi1>
          %add3A_561 = arith.constant 4 : i32
          %add3A_562 = vector.broadcast %add3A_561 : i32 to vector<16xi32>
          %add3A_563 = arith.addi %select_n3A_549, %add3A_562 : vector<16xi32>
          %mul3A_564 = arith.mulf %gather3A_414, %mul3A_536 : vector<16xf32>
          tpu.vector_store_idx %arg19[%add3A_563], %mul3A_564 masked %lt3A_407 {add = true} : memref<14400xf32, #tpu.memory_space<vmem>>[vector<16xi32>], vector<16xf32>, vector<16xi1>
          %add3A_565 = arith.constant 5 : i32
          %add3A_566 = vector.broadcast %add3A_565 : i32 to vector<16xi32>
          %add3A_567 = arith.addi %select_n3A_549, %add3A_566 : vector<16xi32>
          %mul3A_568 = arith.mulf %gather3A_414, %mul3A_541 : vector<16xf32>
          tpu.vector_store_idx %arg19[%add3A_567], %mul3A_568 masked %lt3A_407 {add = true} : memref<14400xf32, #tpu.memory_space<vmem>>[vector<16xi32>], vector<16xf32>, vector<16xi1>
          %add3A_569 = arith.constant 6 : i32
          %add3A_570 = vector.broadcast %add3A_569 : i32 to vector<16xi32>
          %add3A_571 = arith.addi %select_n3A_549, %add3A_570 : vector<16xi32>
          %mul3A_572 = arith.mulf %gather3A_415, %mul3A_536 : vector<16xf32>
          tpu.vector_store_idx %arg19[%add3A_571], %mul3A_572 masked %lt3A_407 {add = true} : memref<14400xf32, #tpu.memory_space<vmem>>[vector<16xi32>], vector<16xf32>, vector<16xi1>
          %add3A_573 = arith.constant 7 : i32
          %add3A_574 = vector.broadcast %add3A_573 : i32 to vector<16xi32>
          %add3A_575 = arith.addi %select_n3A_549, %add3A_574 : vector<16xi32>
          %mul3A_576 = arith.mulf %gather3A_415, %mul3A_541 : vector<16xf32>
          tpu.vector_store_idx %arg19[%add3A_575], %mul3A_576 masked %lt3A_407 {add = true} : memref<14400xf32, #tpu.memory_space<vmem>>[vector<16xi32>], vector<16xf32>, vector<16xi1>
        }
      }
      %while3A_175 = arith.constant 1 : i32
      scf.for %while3A_176 = %while3A_173 to %while3A_169 step %while3A_175  : i32 {
        %mul3A_177 = arith.constant 2560 : i32
        %mul3A_178 = arith.muli %while3A_176, %mul3A_177 : i32
        %add3A_179 = arith.addi %and3A_144, %mul3A_178 : i32
        %min3A = arith.constant 1597440 : i32
        %min3A_180 = arith.minsi %add3A_179, %min3A : i32
        %multiple_of3A_181 = tpu.assume_multiple %min3A_180, 8 : i32
        "tpu.region"() ({
          %run_scoped3A = tpu.sem_alloc : memref<!tpu.dma_semaphore, #tpu.memory_space<semaphore_mem>>
          %dma_start3A = tpu.memref_slice %arg2[%multiple_of3A_181] : memref<1600000xf32, #tpu.memory_space<hbm>> -> memref<2560xf32, #tpu.memory_space<hbm>>
          %dma_start3A_234 = tpu.memref_slice %arg2[%multiple_of3A_181] : memref<1600000xf32, #tpu.memory_space<hbm>> -> memref<2560xf32, #tpu.memory_space<hbm>>
          tpu.enqueue_dma source(%dma_start3A_234 : memref<2560xf32, #tpu.memory_space<hbm>>) target(%arg14 : memref<2560xf32, #tpu.memory_space<vmem>>) target_semaphore(%run_scoped3A : memref<!tpu.dma_semaphore, #tpu.memory_space<semaphore_mem>>)
          %dma_wait3A = tpu.memref_slice %arg2[%multiple_of3A_181] : memref<1600000xf32, #tpu.memory_space<hbm>> -> memref<2560xf32, #tpu.memory_space<hbm>>
          %dma_wait3A_235 = tpu.memref_slice %arg2[%multiple_of3A_181] : memref<1600000xf32, #tpu.memory_space<hbm>> -> memref<2560xf32, #tpu.memory_space<hbm>>
          tpu.wait_dma2 semaphore(%run_scoped3A : memref<!tpu.dma_semaphore, #tpu.memory_space<semaphore_mem>>) src(%dma_wait3A_235 : memref<2560xf32, #tpu.memory_space<hbm>>) dst(%arg14 : memref<2560xf32, #tpu.memory_space<vmem>>)
          tpu.yield
        }) : () -> ()
        "tpu.region"() ({
          %run_scoped3A = tpu.sem_alloc : memref<!tpu.dma_semaphore, #tpu.memory_space<semaphore_mem>>
          %dma_start3A = tpu.memref_slice %arg3[%multiple_of3A_181] : memref<1600000xf32, #tpu.memory_space<hbm>> -> memref<2560xf32, #tpu.memory_space<hbm>>
          %dma_start3A_234 = tpu.memref_slice %arg3[%multiple_of3A_181] : memref<1600000xf32, #tpu.memory_space<hbm>> -> memref<2560xf32, #tpu.memory_space<hbm>>
          tpu.enqueue_dma source(%dma_start3A_234 : memref<2560xf32, #tpu.memory_space<hbm>>) target(%arg15 : memref<2560xf32, #tpu.memory_space<vmem>>) target_semaphore(%run_scoped3A : memref<!tpu.dma_semaphore, #tpu.memory_space<semaphore_mem>>)
          %dma_wait3A = tpu.memref_slice %arg3[%multiple_of3A_181] : memref<1600000xf32, #tpu.memory_space<hbm>> -> memref<2560xf32, #tpu.memory_space<hbm>>
          %dma_wait3A_235 = tpu.memref_slice %arg3[%multiple_of3A_181] : memref<1600000xf32, #tpu.memory_space<hbm>> -> memref<2560xf32, #tpu.memory_space<hbm>>
          tpu.wait_dma2 semaphore(%run_scoped3A : memref<!tpu.dma_semaphore, #tpu.memory_space<semaphore_mem>>) src(%dma_wait3A_235 : memref<2560xf32, #tpu.memory_space<hbm>>) dst(%arg15 : memref<2560xf32, #tpu.memory_space<vmem>>)
          tpu.yield
        }) : () -> ()
        "tpu.region"() ({
          %run_scoped3A = tpu.sem_alloc : memref<!tpu.dma_semaphore, #tpu.memory_space<semaphore_mem>>
          %dma_start3A = tpu.memref_slice %arg4[%multiple_of3A_181] : memref<1600000xf32, #tpu.memory_space<hbm>> -> memref<2560xf32, #tpu.memory_space<hbm>>
          %dma_start3A_234 = tpu.memref_slice %arg4[%multiple_of3A_181] : memref<1600000xf32, #tpu.memory_space<hbm>> -> memref<2560xf32, #tpu.memory_space<hbm>>
          tpu.enqueue_dma source(%dma_start3A_234 : memref<2560xf32, #tpu.memory_space<hbm>>) target(%arg16 : memref<2560xf32, #tpu.memory_space<vmem>>) target_semaphore(%run_scoped3A : memref<!tpu.dma_semaphore, #tpu.memory_space<semaphore_mem>>)
          %dma_wait3A = tpu.memref_slice %arg4[%multiple_of3A_181] : memref<1600000xf32, #tpu.memory_space<hbm>> -> memref<2560xf32, #tpu.memory_space<hbm>>
          %dma_wait3A_235 = tpu.memref_slice %arg4[%multiple_of3A_181] : memref<1600000xf32, #tpu.memory_space<hbm>> -> memref<2560xf32, #tpu.memory_space<hbm>>
          tpu.wait_dma2 semaphore(%run_scoped3A : memref<!tpu.dma_semaphore, #tpu.memory_space<semaphore_mem>>) src(%dma_wait3A_235 : memref<2560xf32, #tpu.memory_space<hbm>>) dst(%arg16 : memref<2560xf32, #tpu.memory_space<vmem>>)
          tpu.yield
        }) : () -> ()
        "tpu.region"() ({
          %run_scoped3A = tpu.sem_alloc : memref<!tpu.dma_semaphore, #tpu.memory_space<semaphore_mem>>
          %dma_start3A = tpu.memref_slice %arg5[%multiple_of3A_181] : memref<1600000xi32, #tpu.memory_space<hbm>> -> memref<2560xi32, #tpu.memory_space<hbm>>
          %dma_start3A_234 = tpu.memref_slice %arg5[%multiple_of3A_181] : memref<1600000xi32, #tpu.memory_space<hbm>> -> memref<2560xi32, #tpu.memory_space<hbm>>
          tpu.enqueue_dma source(%dma_start3A_234 : memref<2560xi32, #tpu.memory_space<hbm>>) target(%arg17 : memref<2560xi32, #tpu.memory_space<vmem>>) target_semaphore(%run_scoped3A : memref<!tpu.dma_semaphore, #tpu.memory_space<semaphore_mem>>)
          %dma_wait3A = tpu.memref_slice %arg5[%multiple_of3A_181] : memref<1600000xi32, #tpu.memory_space<hbm>> -> memref<2560xi32, #tpu.memory_space<hbm>>
          %dma_wait3A_235 = tpu.memref_slice %arg5[%multiple_of3A_181] : memref<1600000xi32, #tpu.memory_space<hbm>> -> memref<2560xi32, #tpu.memory_space<hbm>>
          tpu.wait_dma2 semaphore(%run_scoped3A : memref<!tpu.dma_semaphore, #tpu.memory_space<semaphore_mem>>) src(%dma_wait3A_235 : memref<2560xi32, #tpu.memory_space<hbm>>) dst(%arg17 : memref<2560xi32, #tpu.memory_space<vmem>>)
          tpu.yield
        }) : () -> ()
        "tpu.region"() ({
          %run_scoped3A = tpu.sem_alloc : memref<!tpu.dma_semaphore, #tpu.memory_space<semaphore_mem>>
          %dma_start3A = tpu.memref_slice %arg6[%multiple_of3A_181] : memref<1600000xi32, #tpu.memory_space<hbm>> -> memref<2560xi32, #tpu.memory_space<hbm>>
          %dma_start3A_234 = tpu.memref_slice %arg6[%multiple_of3A_181] : memref<1600000xi32, #tpu.memory_space<hbm>> -> memref<2560xi32, #tpu.memory_space<hbm>>
          tpu.enqueue_dma source(%dma_start3A_234 : memref<2560xi32, #tpu.memory_space<hbm>>) target(%arg18 : memref<2560xi32, #tpu.memory_space<vmem>>) target_semaphore(%run_scoped3A : memref<!tpu.dma_semaphore, #tpu.memory_space<semaphore_mem>>)
          %dma_wait3A = tpu.memref_slice %arg6[%multiple_of3A_181] : memref<1600000xi32, #tpu.memory_space<hbm>> -> memref<2560xi32, #tpu.memory_space<hbm>>
          %dma_wait3A_235 = tpu.memref_slice %arg6[%multiple_of3A_181] : memref<1600000xi32, #tpu.memory_space<hbm>> -> memref<2560xi32, #tpu.memory_space<hbm>>
          tpu.wait_dma2 semaphore(%run_scoped3A : memref<!tpu.dma_semaphore, #tpu.memory_space<semaphore_mem>>) src(%dma_wait3A_235 : memref<2560xi32, #tpu.memory_space<hbm>>) dst(%arg18 : memref<2560xi32, #tpu.memory_space<vmem>>)
          tpu.yield
        }) : () -> ()
        %max3A = vector.broadcast %multiple_of3A_181 : i32 to vector<16xi32>
        %max3A_182 = arith.maxsi %gather3A_124, %max3A : vector<16xi32>
        %add3A_183 = arith.constant 2560 : i32
        %add3A_184 = arith.addi %multiple_of3A_181, %add3A_183 : i32
        %min3A_185 = vector.broadcast %add3A_184 : i32 to vector<16xi32>
        %min3A_186 = arith.minsi %gather3A_129, %min3A_185 : vector<16xi32>
        %sub3A_187 = arith.subi %min3A_186, %max3A_182 : vector<16xi32>
        %reduce_max3A_188 = arith.constant true
        %reduce_max3A_189 = vector.broadcast %reduce_max3A_188 : i1 to vector<16xi1>
        %reduce_max3A_190 = arith.constant -2147483648 : i32
        %reduce_max3A_191 = vector.broadcast %reduce_max3A_190 : i32 to vector<16xi32>
        %reduce_max3A_192 = arith.xori %sub3A_187, %reduce_max3A_191 : vector<16xi32>
        %reduce_max3A_193 = tpu.scan <max>, %reduce_max3A_192 masked %reduce_max3A_189 : vector<16xi32>, vector<16xi1> -> vector<16xi32>
        %reduce_max3A_194 = arith.xori %reduce_max3A_193, %reduce_max3A_191 : vector<16xi32>
        %reduce_max3A_195 = vector.extract %reduce_max3A_194[15] : i32 from vector<16xi32>
        %sub3A_196 = vector.broadcast %multiple_of3A_181 : i32 to vector<16xi32>
        %sub3A_197 = arith.subi %max3A_182, %sub3A_196 : vector<16xi32>
        %add3A_198 = arith.constant 1 : i32
        %add3A_199 = arith.addi %reduce_max3A_195, %add3A_198 : i32
        %jit3A_200 = arith.constant 2 : i32
        %div3A_201 = arith.divsi %add3A_199, %jit3A_200 : i32
        %sign3A_202 = arith.constant 0 : i32
        %sign3A_203 = arith.cmpi sgt, %add3A_199, %sign3A_202 : i32
        %sign3A_204 = arith.extui %sign3A_203 : i1 to i32
        %sign3A_205 = arith.constant 0 : i32
        %sign3A_206 = arith.cmpi slt, %add3A_199, %sign3A_205 : i32
        %sign3A_207 = arith.extui %sign3A_206 : i1 to i32
        %sign3A_208 = arith.subi %sign3A_204, %sign3A_207 : i32
        %sign3A_209 = arith.constant 0 : i32
        %sign3A_210 = arith.cmpi sgt, %jit3A_200, %sign3A_209 : i32
        %sign3A_211 = arith.extui %sign3A_210 : i1 to i32
        %sign3A_212 = arith.constant 0 : i32
        %sign3A_213 = arith.cmpi slt, %jit3A_200, %sign3A_212 : i32
        %sign3A_214 = arith.extui %sign3A_213 : i1 to i32
        %sign3A_215 = arith.subi %sign3A_211, %sign3A_214 : i32
        %ne3A_216 = arith.cmpi ne, %sign3A_208, %sign3A_215 : i32
        %rem3A_217 = arith.remsi %add3A_199, %jit3A_200 : i32
        %ne3A_218 = arith.constant 0 : i32
        %ne3A_219 = arith.cmpi ne, %rem3A_217, %ne3A_218 : i32
        %and3A_220 = arith.andi %ne3A_216, %ne3A_219 : i1
        %sub3A_221 = arith.constant 1 : i32
        %sub3A_222 = arith.subi %div3A_201, %sub3A_221 : i32
        %select_n3A_223 = arith.select %and3A_220, %sub3A_222, %div3A_201 : i32
        %while3A_224 = arith.constant 0 : i32
        %while3A_225 = arith.constant 0 : i32
        %while3A_226 = arith.subi %select_n3A_223, %while3A_225 : i32
        %while3A_227 = arith.addi %while3A_225, %while3A_226 : i32
        %while3A_228 = arith.constant 1 : i32
        %while3A_229 = arith.divsi %while3A_226, %while3A_228 : i32
        %while3A_230 = arith.muli %while3A_229, %while3A_228 : i32
        %while3A_231 = arith.addi %while3A_225, %while3A_230 : i32
        %while3A_232 = arith.constant 1 : i32
        scf.for %while3A_234 = %while3A_225 to %while3A_231 step %while3A_232  : i32 {
          %mul3A_235 = arith.constant 2 : i32
          %mul3A_236 = arith.muli %while3A_234, %mul3A_235 : i32
          %lt3A = vector.broadcast %mul3A_236 : i32 to vector<16xi32>
          %lt3A_237 = arith.cmpi slt, %lt3A, %sub3A_187 : vector<16xi32>
          %add3A_238 = vector.broadcast %mul3A_236 : i32 to vector<16xi32>
          %add3A_239 = arith.addi %sub3A_197, %add3A_238 : vector<16xi32>
          %jit3A_240 = arith.constant 0 : i32
          %broadcast_in_dim3A_241 = vector.broadcast %jit3A_240 : i32 to vector<16xi32>
          %select_n3A_242 = arith.select %lt3A_237, %add3A_239, %broadcast_in_dim3A_241 : vector<16xi1>, vector<16xi32>
          %gather3A_243 = tpu.vector_load_idx %arg14[%select_n3A_242] : memref<2560xf32, #tpu.memory_space<vmem>>[vector<16xi32>], vector<16xf32>,
          %gather3A_244 = tpu.vector_load_idx %arg15[%select_n3A_242] : memref<2560xf32, #tpu.memory_space<vmem>>[vector<16xi32>], vector<16xf32>,
          %gather3A_245 = tpu.vector_load_idx %arg16[%select_n3A_242] : memref<2560xf32, #tpu.memory_space<vmem>>[vector<16xi32>], vector<16xf32>,
          %gather3A_246 = tpu.vector_load_idx %arg17[%select_n3A_242] : memref<2560xi32, #tpu.memory_space<vmem>>[vector<16xi32>], vector<16xi32>,
          %gather3A_247 = tpu.vector_load_idx %arg18[%select_n3A_242] : memref<2560xi32, #tpu.memory_space<vmem>>[vector<16xi32>], vector<16xi32>,
          %gather3A_248 = tpu.vector_load_idx %arg11[%gather3A_247] : memref<50000xi32, #tpu.memory_space<vmem>>[vector<16xi32>], vector<16xi32>,
          %mul3A_249 = arith.mulf %gather3A_243, %gather3A_243 : vector<16xf32>
          %mul3A_250 = arith.mulf %gather3A_244, %gather3A_244 : vector<16xf32>
          %add3A_251 = arith.addf %mul3A_249, %mul3A_250 : vector<16xf32>
          %mul3A_252 = arith.mulf %gather3A_245, %gather3A_245 : vector<16xf32>
          %add3A_253 = arith.addf %add3A_251, %mul3A_252 : vector<16xf32>
          %max3A_254 = arith.constant 9.99999996E-13 : f32
          %max3A_255 = vector.broadcast %max3A_254 : f32 to vector<16xf32>
          %max3A_256 = arith.maximumf %add3A_253, %max3A_255 : vector<16xf32>
          %bitcast3A = vector.bitcast %max3A_256 : vector<16xf32> to vector<16xi32>
          %shift_right_logical3A = arith.constant 1 : i32
          %shift_right_logical3A_257 = vector.broadcast %shift_right_logical3A : i32 to vector<16xi32>
          %shift_right_logical3A_258 = arith.shrui %bitcast3A, %shift_right_logical3A_257 : vector<16xi32>
          %sub3A_259 = arith.constant 1597463007 : i32
          %sub3A_260 = vector.broadcast %sub3A_259 : i32 to vector<16xi32>
          %sub3A_261 = arith.subi %sub3A_260, %shift_right_logical3A_258 : vector<16xi32>
          %bitcast3A_262 = vector.bitcast %sub3A_261 : vector<16xi32> to vector<16xf32>
          %mul3A_263 = arith.constant 5.000000e-01 : f32
          %mul3A_264 = vector.broadcast %mul3A_263 : f32 to vector<16xf32>
          %mul3A_265 = arith.mulf %mul3A_264, %max3A_256 : vector<16xf32>
          %mul3A_266 = arith.mulf %mul3A_265, %bitcast3A_262 : vector<16xf32>
          %mul3A_267 = arith.mulf %mul3A_266, %bitcast3A_262 : vector<16xf32>
          %sub3A_268 = arith.constant 1.500000e+00 : f32
          %sub3A_269 = vector.broadcast %sub3A_268 : f32 to vector<16xf32>
          %sub3A_270 = arith.subf %sub3A_269, %mul3A_267 : vector<16xf32>
          %mul3A_271 = arith.mulf %bitcast3A_262, %sub3A_270 : vector<16xf32>
          %mul3A_272 = arith.mulf %mul3A_265, %mul3A_271 : vector<16xf32>
          %mul3A_273 = arith.mulf %mul3A_272, %mul3A_271 : vector<16xf32>
          %sub3A_274 = arith.constant 1.500000e+00 : f32
          %sub3A_275 = vector.broadcast %sub3A_274 : f32 to vector<16xf32>
          %sub3A_276 = arith.subf %sub3A_275, %mul3A_273 : vector<16xf32>
          %mul3A_277 = arith.mulf %mul3A_271, %sub3A_276 : vector<16xf32>
          %mul3A_278 = arith.mulf %mul3A_265, %mul3A_277 : vector<16xf32>
          %mul3A_279 = arith.mulf %mul3A_278, %mul3A_277 : vector<16xf32>
          %sub3A_280 = arith.constant 1.500000e+00 : f32
          %sub3A_281 = vector.broadcast %sub3A_280 : f32 to vector<16xf32>
          %sub3A_282 = arith.subf %sub3A_281, %mul3A_279 : vector<16xf32>
          %mul3A_283 = arith.mulf %mul3A_277, %sub3A_282 : vector<16xf32>
          %mul3A_284 = arith.mulf %max3A_256, %mul3A_283 : vector<16xf32>
          %mul3A_285 = arith.constant 0.261799395 : f32
          %mul3A_286 = vector.broadcast %mul3A_285 : f32 to vector<16xf32>
          %mul3A_287 = arith.mulf %mul3A_284, %mul3A_286 : vector<16xf32>
          %mul3A_288 = arith.constant 0.159154937 : f32
          %mul3A_289 = vector.broadcast %mul3A_288 : f32 to vector<16xf32>
          %mul3A_290 = arith.mulf %mul3A_287, %mul3A_289 : vector<16xf32>
          %add3A_291 = arith.constant 0x4B400000 : f32
          %add3A_292 = vector.broadcast %add3A_291 : f32 to vector<16xf32>
          %add3A_293 = arith.addf %mul3A_290, %add3A_292 : vector<16xf32>
          %sub3A_294 = arith.constant 0x4B400000 : f32
          %sub3A_295 = vector.broadcast %sub3A_294 : f32 to vector<16xf32>
          %sub3A_296 = arith.subf %add3A_293, %sub3A_295 : vector<16xf32>
          %mul3A_297 = arith.constant 6.28318548 : f32
          %mul3A_298 = vector.broadcast %mul3A_297 : f32 to vector<16xf32>
          %mul3A_299 = arith.mulf %sub3A_296, %mul3A_298 : vector<16xf32>
          %sub3A_300 = arith.subf %mul3A_287, %mul3A_299 : vector<16xf32>
          %mul3A_301 = arith.mulf %sub3A_300, %sub3A_300 : vector<16xf32>
          %mul3A_302 = arith.constant -9.72255609E-12 : f32
          %mul3A_303 = vector.broadcast %mul3A_302 : f32 to vector<16xf32>
          %mul3A_304 = arith.mulf %mul3A_303, %mul3A_301 : vector<16xf32>
          %add3A_305 = arith.constant 2.06035988E-9 : f32
          %add3A_306 = vector.broadcast %add3A_305 : f32 to vector<16xf32>
          %add3A_307 = arith.addf %mul3A_304, %add3A_306 : vector<16xf32>
          %mul3A_308 = arith.mulf %add3A_307, %mul3A_301 : vector<16xf32>
          %add3A_309 = arith.constant -2.753480e-07 : f32
          %add3A_310 = vector.broadcast %add3A_309 : f32 to vector<16xf32>
          %add3A_311 = arith.addf %mul3A_308, %add3A_310 : vector<16xf32>
          %mul3A_312 = arith.mulf %add3A_311, %mul3A_301 : vector<16xf32>
          %add3A_313 = arith.constant 2.48005526E-5 : f32
          %add3A_314 = vector.broadcast %add3A_313 : f32 to vector<16xf32>
          %add3A_315 = arith.addf %mul3A_312, %add3A_314 : vector<16xf32>
          %mul3A_316 = arith.mulf %add3A_315, %mul3A_301 : vector<16xf32>
          %add3A_317 = arith.constant -0.00138888624 : f32
          %add3A_318 = vector.broadcast %add3A_317 : f32 to vector<16xf32>
          %add3A_319 = arith.addf %mul3A_316, %add3A_318 : vector<16xf32>
          %mul3A_320 = arith.mulf %add3A_319, %mul3A_301 : vector<16xf32>
          %add3A_321 = arith.constant 0.0416666642 : f32
          %add3A_322 = vector.broadcast %add3A_321 : f32 to vector<16xf32>
          %add3A_323 = arith.addf %mul3A_320, %add3A_322 : vector<16xf32>
          %mul3A_324 = arith.mulf %add3A_323, %mul3A_301 : vector<16xf32>
          %add3A_325 = arith.constant -5.000000e-01 : f32
          %add3A_326 = vector.broadcast %add3A_325 : f32 to vector<16xf32>
          %add3A_327 = arith.addf %mul3A_324, %add3A_326 : vector<16xf32>
          %mul3A_328 = arith.mulf %add3A_327, %mul3A_301 : vector<16xf32>
          %add3A_329 = arith.constant 1.000000e+00 : f32
          %add3A_330 = vector.broadcast %add3A_329 : f32 to vector<16xf32>
          %add3A_331 = arith.addf %mul3A_328, %add3A_330 : vector<16xf32>
          %mul3A_332 = arith.mulf %add3A_331, %add3A_331 : vector<16xf32>
          %mul3A_333 = arith.mulf %mul3A_332, %mul3A_332 : vector<16xf32>
          %mul3A_334 = arith.constant 2 : i32
          %mul3A_335 = vector.broadcast %mul3A_334 : i32 to vector<16xi32>
          %mul3A_336 = arith.muli %gather3A_248, %mul3A_335 : vector<16xi32>
          %gather3A_337 = tpu.vector_load_idx %arg12[%mul3A_336] : memref<64xf32, #tpu.memory_space<vmem>>[vector<16xi32>], vector<16xf32>,
          %add3A_338 = arith.constant 1 : i32
          %add3A_339 = vector.broadcast %add3A_338 : i32 to vector<16xi32>
          %add3A_340 = arith.addi %mul3A_336, %add3A_339 : vector<16xi32>
          %gather3A_341 = tpu.vector_load_idx %arg12[%add3A_340] : memref<64xf32, #tpu.memory_space<vmem>>[vector<16xi32>], vector<16xf32>,
          %add3A_342 = arith.constant 6 : i32
          %add3A_343 = vector.broadcast %add3A_342 : i32 to vector<16xi32>
          %add3A_344 = arith.addi %mul3A_336, %add3A_343 : vector<16xi32>
          %gather3A_345 = tpu.vector_load_idx %arg12[%add3A_344] : memref<64xf32, #tpu.memory_space<vmem>>[vector<16xi32>], vector<16xf32>,
          %add3A_346 = arith.constant 7 : i32
          %add3A_347 = vector.broadcast %add3A_346 : i32 to vector<16xi32>
          %add3A_348 = arith.addi %mul3A_336, %add3A_347 : vector<16xi32>
          %gather3A_349 = tpu.vector_load_idx %arg12[%add3A_348] : memref<64xf32, #tpu.memory_space<vmem>>[vector<16xi32>], vector<16xf32>,
          %add3A_350 = arith.constant 12 : i32
          %add3A_351 = vector.broadcast %add3A_350 : i32 to vector<16xi32>
          %add3A_352 = arith.addi %mul3A_336, %add3A_351 : vector<16xi32>
          %gather3A_353 = tpu.vector_load_idx %arg12[%add3A_352] : memref<64xf32, #tpu.memory_space<vmem>>[vector<16xi32>], vector<16xf32>,
          %add3A_354 = arith.constant 13 : i32
          %add3A_355 = vector.broadcast %add3A_354 : i32 to vector<16xi32>
          %add3A_356 = arith.addi %mul3A_336, %add3A_355 : vector<16xi32>
          %gather3A_357 = tpu.vector_load_idx %arg12[%add3A_356] : memref<64xf32, #tpu.memory_space<vmem>>[vector<16xi32>], vector<16xf32>,
          %sub3A_358 = arith.subf %mul3A_284, %gather3A_345 : vector<16xf32>
          %sub3A_359 = arith.subf %mul3A_284, %gather3A_349 : vector<16xf32>
          %mul3A_360 = arith.mulf %mul3A_333, %gather3A_353 : vector<16xf32>
          %mul3A_361 = arith.mulf %gather3A_337, %sub3A_358 : vector<16xf32>
          %mul3A_362 = arith.mulf %mul3A_361, %sub3A_358 : vector<16xf32>
          %exp3A = math.exp %mul3A_362 : vector<16xf32>
          %mul3A_363 = arith.mulf %mul3A_360, %exp3A : vector<16xf32>
          %mul3A_364 = arith.mulf %mul3A_333, %gather3A_357 : vector<16xf32>
          %mul3A_365 = arith.mulf %gather3A_341, %sub3A_359 : vector<16xf32>
          %mul3A_366 = arith.mulf %mul3A_365, %sub3A_359 : vector<16xf32>
          %exp3A_367 = math.exp %mul3A_366 : vector<16xf32>
          %mul3A_368 = arith.mulf %mul3A_364, %exp3A_367 : vector<16xf32>
          %sub3A_369 = vector.broadcast %mul3A_2 : i32 to vector<16xi32>
          %sub3A_370 = arith.subi %gather3A_246, %sub3A_369 : vector<16xi32>
          %mul3A_371 = arith.constant 9 : i32
          %mul3A_372 = vector.broadcast %mul3A_371 : i32 to vector<16xi32>
          %mul3A_373 = arith.muli %sub3A_370, %mul3A_372 : vector<16xi32>
          %jit3A_374 = arith.constant 0 : i32
          %broadcast_in_dim3A_375 = vector.broadcast %jit3A_374 : i32 to vector<16xi32>
          %select_n3A_376 = arith.select %lt3A_237, %mul3A_373, %broadcast_in_dim3A_375 : vector<16xi1>, vector<16xi32>
          tpu.vector_store_idx %arg19[%select_n3A_376], %mul3A_363 masked %lt3A_237 {add = true} : memref<14400xf32, #tpu.memory_space<vmem>>[vector<16xi32>], vector<16xf32>, vector<16xi1>
          %add3A_377 = arith.constant 1 : i32
          %add3A_378 = vector.broadcast %add3A_377 : i32 to vector<16xi32>
          %add3A_379 = arith.addi %select_n3A_376, %add3A_378 : vector<16xi32>
          tpu.vector_store_idx %arg19[%add3A_379], %mul3A_368 masked %lt3A_237 {add = true} : memref<14400xf32, #tpu.memory_space<vmem>>[vector<16xi32>], vector<16xf32>, vector<16xi1>
          %add3A_380 = arith.constant 2 : i32
          %add3A_381 = vector.broadcast %add3A_380 : i32 to vector<16xi32>
          %add3A_382 = arith.addi %select_n3A_376, %add3A_381 : vector<16xi32>
          %mul3A_383 = arith.mulf %gather3A_243, %mul3A_363 : vector<16xf32>
          tpu.vector_store_idx %arg19[%add3A_382], %mul3A_383 masked %lt3A_237 {add = true} : memref<14400xf32, #tpu.memory_space<vmem>>[vector<16xi32>], vector<16xf32>, vector<16xi1>
          %add3A_384 = arith.constant 3 : i32
          %add3A_385 = vector.broadcast %add3A_384 : i32 to vector<16xi32>
          %add3A_386 = arith.addi %select_n3A_376, %add3A_385 : vector<16xi32>
          %mul3A_387 = arith.mulf %gather3A_243, %mul3A_368 : vector<16xf32>
          tpu.vector_store_idx %arg19[%add3A_386], %mul3A_387 masked %lt3A_237 {add = true} : memref<14400xf32, #tpu.memory_space<vmem>>[vector<16xi32>], vector<16xf32>, vector<16xi1>
          %add3A_388 = arith.constant 4 : i32
          %add3A_389 = vector.broadcast %add3A_388 : i32 to vector<16xi32>
          %add3A_390 = arith.addi %select_n3A_376, %add3A_389 : vector<16xi32>
          %mul3A_391 = arith.mulf %gather3A_244, %mul3A_363 : vector<16xf32>
          tpu.vector_store_idx %arg19[%add3A_390], %mul3A_391 masked %lt3A_237 {add = true} : memref<14400xf32, #tpu.memory_space<vmem>>[vector<16xi32>], vector<16xf32>, vector<16xi1>
          %add3A_392 = arith.constant 5 : i32
          %add3A_393 = vector.broadcast %add3A_392 : i32 to vector<16xi32>
          %add3A_394 = arith.addi %select_n3A_376, %add3A_393 : vector<16xi32>
          %mul3A_395 = arith.mulf %gather3A_244, %mul3A_368 : vector<16xf32>
          tpu.vector_store_idx %arg19[%add3A_394], %mul3A_395 masked %lt3A_237 {add = true} : memref<14400xf32, #tpu.memory_space<vmem>>[vector<16xi32>], vector<16xf32>, vector<16xi1>
          %add3A_396 = arith.constant 6 : i32
          %add3A_397 = vector.broadcast %add3A_396 : i32 to vector<16xi32>
          %add3A_398 = arith.addi %select_n3A_376, %add3A_397 : vector<16xi32>
          %mul3A_399 = arith.mulf %gather3A_245, %mul3A_363 : vector<16xf32>
          tpu.vector_store_idx %arg19[%add3A_398], %mul3A_399 masked %lt3A_237 {add = true} : memref<14400xf32, #tpu.memory_space<vmem>>[vector<16xi32>], vector<16xf32>, vector<16xi1>
          %add3A_400 = arith.constant 7 : i32
          %add3A_401 = vector.broadcast %add3A_400 : i32 to vector<16xi32>
          %add3A_402 = arith.addi %select_n3A_376, %add3A_401 : vector<16xi32>
          %mul3A_403 = arith.mulf %gather3A_245, %mul3A_368 : vector<16xf32>
          tpu.vector_store_idx %arg19[%add3A_402], %mul3A_403 masked %lt3A_237 {add = true} : memref<14400xf32, #tpu.memory_space<vmem>>[vector<16xi32>], vector<16xf32>, vector<16xi1>
          %add3A_404 = arith.constant 1 : i32
          %add3A_405 = arith.addi %mul3A_236, %add3A_404 : i32
          %lt3A_406 = vector.broadcast %add3A_405 : i32 to vector<16xi32>
          %lt3A_407 = arith.cmpi slt, %lt3A_406, %sub3A_187 : vector<16xi32>
          %add3A_408 = vector.broadcast %add3A_405 : i32 to vector<16xi32>
          %add3A_409 = arith.addi %sub3A_197, %add3A_408 : vector<16xi32>
          %jit3A_410 = arith.constant 0 : i32
          %broadcast_in_dim3A_411 = vector.broadcast %jit3A_410 : i32 to vector<16xi32>
          %select_n3A_412 = arith.select %lt3A_407, %add3A_409, %broadcast_in_dim3A_411 : vector<16xi1>, vector<16xi32>
          %gather3A_413 = tpu.vector_load_idx %arg14[%select_n3A_412] : memref<2560xf32, #tpu.memory_space<vmem>>[vector<16xi32>], vector<16xf32>,
          %gather3A_414 = tpu.vector_load_idx %arg15[%select_n3A_412] : memref<2560xf32, #tpu.memory_space<vmem>>[vector<16xi32>], vector<16xf32>,
          %gather3A_415 = tpu.vector_load_idx %arg16[%select_n3A_412] : memref<2560xf32, #tpu.memory_space<vmem>>[vector<16xi32>], vector<16xf32>,
          %gather3A_416 = tpu.vector_load_idx %arg17[%select_n3A_412] : memref<2560xi32, #tpu.memory_space<vmem>>[vector<16xi32>], vector<16xi32>,
          %gather3A_417 = tpu.vector_load_idx %arg18[%select_n3A_412] : memref<2560xi32, #tpu.memory_space<vmem>>[vector<16xi32>], vector<16xi32>,
          %gather3A_418 = tpu.vector_load_idx %arg11[%gather3A_417] : memref<50000xi32, #tpu.memory_space<vmem>>[vector<16xi32>], vector<16xi32>,
          %mul3A_419 = arith.mulf %gather3A_413, %gather3A_413 : vector<16xf32>
          %mul3A_420 = arith.mulf %gather3A_414, %gather3A_414 : vector<16xf32>
          %add3A_421 = arith.addf %mul3A_419, %mul3A_420 : vector<16xf32>
          %mul3A_422 = arith.mulf %gather3A_415, %gather3A_415 : vector<16xf32>
          %add3A_423 = arith.addf %add3A_421, %mul3A_422 : vector<16xf32>
          %max3A_424 = arith.constant 9.99999996E-13 : f32
          %max3A_425 = vector.broadcast %max3A_424 : f32 to vector<16xf32>
          %max3A_426 = arith.maximumf %add3A_423, %max3A_425 : vector<16xf32>
          %bitcast3A_427 = vector.bitcast %max3A_426 : vector<16xf32> to vector<16xi32>
          %shift_right_logical3A_428 = arith.constant 1 : i32
          %shift_right_logical3A_429 = vector.broadcast %shift_right_logical3A_428 : i32 to vector<16xi32>
          %shift_right_logical3A_430 = arith.shrui %bitcast3A_427, %shift_right_logical3A_429 : vector<16xi32>
          %sub3A_431 = arith.constant 1597463007 : i32
          %sub3A_432 = vector.broadcast %sub3A_431 : i32 to vector<16xi32>
          %sub3A_433 = arith.subi %sub3A_432, %shift_right_logical3A_430 : vector<16xi32>
          %bitcast3A_434 = vector.bitcast %sub3A_433 : vector<16xi32> to vector<16xf32>
          %mul3A_435 = arith.constant 5.000000e-01 : f32
          %mul3A_436 = vector.broadcast %mul3A_435 : f32 to vector<16xf32>
          %mul3A_437 = arith.mulf %mul3A_436, %max3A_426 : vector<16xf32>
          %mul3A_438 = arith.mulf %mul3A_437, %bitcast3A_434 : vector<16xf32>
          %mul3A_439 = arith.mulf %mul3A_438, %bitcast3A_434 : vector<16xf32>
          %sub3A_440 = arith.constant 1.500000e+00 : f32
          %sub3A_441 = vector.broadcast %sub3A_440 : f32 to vector<16xf32>
          %sub3A_442 = arith.subf %sub3A_441, %mul3A_439 : vector<16xf32>
          %mul3A_443 = arith.mulf %bitcast3A_434, %sub3A_442 : vector<16xf32>
          %mul3A_444 = arith.mulf %mul3A_437, %mul3A_443 : vector<16xf32>
          %mul3A_445 = arith.mulf %mul3A_444, %mul3A_443 : vector<16xf32>
          %sub3A_446 = arith.constant 1.500000e+00 : f32
          %sub3A_447 = vector.broadcast %sub3A_446 : f32 to vector<16xf32>
          %sub3A_448 = arith.subf %sub3A_447, %mul3A_445 : vector<16xf32>
          %mul3A_449 = arith.mulf %mul3A_443, %sub3A_448 : vector<16xf32>
          %mul3A_450 = arith.mulf %mul3A_437, %mul3A_449 : vector<16xf32>
          %mul3A_451 = arith.mulf %mul3A_450, %mul3A_449 : vector<16xf32>
          %sub3A_452 = arith.constant 1.500000e+00 : f32
          %sub3A_453 = vector.broadcast %sub3A_452 : f32 to vector<16xf32>
          %sub3A_454 = arith.subf %sub3A_453, %mul3A_451 : vector<16xf32>
          %mul3A_455 = arith.mulf %mul3A_449, %sub3A_454 : vector<16xf32>
          %mul3A_456 = arith.mulf %max3A_426, %mul3A_455 : vector<16xf32>
          %mul3A_457 = arith.constant 0.261799395 : f32
          %mul3A_458 = vector.broadcast %mul3A_457 : f32 to vector<16xf32>
          %mul3A_459 = arith.mulf %mul3A_456, %mul3A_458 : vector<16xf32>
          %mul3A_460 = arith.constant 0.159154937 : f32
          %mul3A_461 = vector.broadcast %mul3A_460 : f32 to vector<16xf32>
          %mul3A_462 = arith.mulf %mul3A_459, %mul3A_461 : vector<16xf32>
          %add3A_463 = arith.constant 0x4B400000 : f32
          %add3A_464 = vector.broadcast %add3A_463 : f32 to vector<16xf32>
          %add3A_465 = arith.addf %mul3A_462, %add3A_464 : vector<16xf32>
          %sub3A_466 = arith.constant 0x4B400000 : f32
          %sub3A_467 = vector.broadcast %sub3A_466 : f32 to vector<16xf32>
          %sub3A_468 = arith.subf %add3A_465, %sub3A_467 : vector<16xf32>
          %mul3A_469 = arith.constant 6.28318548 : f32
          %mul3A_470 = vector.broadcast %mul3A_469 : f32 to vector<16xf32>
          %mul3A_471 = arith.mulf %sub3A_468, %mul3A_470 : vector<16xf32>
          %sub3A_472 = arith.subf %mul3A_459, %mul3A_471 : vector<16xf32>
          %mul3A_473 = arith.mulf %sub3A_472, %sub3A_472 : vector<16xf32>
          %mul3A_474 = arith.constant -9.72255609E-12 : f32
          %mul3A_475 = vector.broadcast %mul3A_474 : f32 to vector<16xf32>
          %mul3A_476 = arith.mulf %mul3A_475, %mul3A_473 : vector<16xf32>
          %add3A_477 = arith.constant 2.06035988E-9 : f32
          %add3A_478 = vector.broadcast %add3A_477 : f32 to vector<16xf32>
          %add3A_479 = arith.addf %mul3A_476, %add3A_478 : vector<16xf32>
          %mul3A_480 = arith.mulf %add3A_479, %mul3A_473 : vector<16xf32>
          %add3A_481 = arith.constant -2.753480e-07 : f32
          %add3A_482 = vector.broadcast %add3A_481 : f32 to vector<16xf32>
          %add3A_483 = arith.addf %mul3A_480, %add3A_482 : vector<16xf32>
          %mul3A_484 = arith.mulf %add3A_483, %mul3A_473 : vector<16xf32>
          %add3A_485 = arith.constant 2.48005526E-5 : f32
          %add3A_486 = vector.broadcast %add3A_485 : f32 to vector<16xf32>
          %add3A_487 = arith.addf %mul3A_484, %add3A_486 : vector<16xf32>
          %mul3A_488 = arith.mulf %add3A_487, %mul3A_473 : vector<16xf32>
          %add3A_489 = arith.constant -0.00138888624 : f32
          %add3A_490 = vector.broadcast %add3A_489 : f32 to vector<16xf32>
          %add3A_491 = arith.addf %mul3A_488, %add3A_490 : vector<16xf32>
          %mul3A_492 = arith.mulf %add3A_491, %mul3A_473 : vector<16xf32>
          %add3A_493 = arith.constant 0.0416666642 : f32
          %add3A_494 = vector.broadcast %add3A_493 : f32 to vector<16xf32>
          %add3A_495 = arith.addf %mul3A_492, %add3A_494 : vector<16xf32>
          %mul3A_496 = arith.mulf %add3A_495, %mul3A_473 : vector<16xf32>
          %add3A_497 = arith.constant -5.000000e-01 : f32
          %add3A_498 = vector.broadcast %add3A_497 : f32 to vector<16xf32>
          %add3A_499 = arith.addf %mul3A_496, %add3A_498 : vector<16xf32>
          %mul3A_500 = arith.mulf %add3A_499, %mul3A_473 : vector<16xf32>
          %add3A_501 = arith.constant 1.000000e+00 : f32
          %add3A_502 = vector.broadcast %add3A_501 : f32 to vector<16xf32>
          %add3A_503 = arith.addf %mul3A_500, %add3A_502 : vector<16xf32>
          %mul3A_504 = arith.mulf %add3A_503, %add3A_503 : vector<16xf32>
          %mul3A_505 = arith.mulf %mul3A_504, %mul3A_504 : vector<16xf32>
          %mul3A_506 = arith.constant 2 : i32
          %mul3A_507 = vector.broadcast %mul3A_506 : i32 to vector<16xi32>
          %mul3A_508 = arith.muli %gather3A_418, %mul3A_507 : vector<16xi32>
          %gather3A_509 = tpu.vector_load_idx %arg12[%mul3A_508] : memref<64xf32, #tpu.memory_space<vmem>>[vector<16xi32>], vector<16xf32>,
          %add3A_510 = arith.constant 1 : i32
          %add3A_511 = vector.broadcast %add3A_510 : i32 to vector<16xi32>
          %add3A_512 = arith.addi %mul3A_508, %add3A_511 : vector<16xi32>
          %gather3A_513 = tpu.vector_load_idx %arg12[%add3A_512] : memref<64xf32, #tpu.memory_space<vmem>>[vector<16xi32>], vector<16xf32>,
          %add3A_514 = arith.constant 6 : i32
          %add3A_515 = vector.broadcast %add3A_514 : i32 to vector<16xi32>
          %add3A_516 = arith.addi %mul3A_508, %add3A_515 : vector<16xi32>
          %gather3A_517 = tpu.vector_load_idx %arg12[%add3A_516] : memref<64xf32, #tpu.memory_space<vmem>>[vector<16xi32>], vector<16xf32>,
          %add3A_518 = arith.constant 7 : i32
          %add3A_519 = vector.broadcast %add3A_518 : i32 to vector<16xi32>
          %add3A_520 = arith.addi %mul3A_508, %add3A_519 : vector<16xi32>
          %gather3A_521 = tpu.vector_load_idx %arg12[%add3A_520] : memref<64xf32, #tpu.memory_space<vmem>>[vector<16xi32>], vector<16xf32>,
          %add3A_522 = arith.constant 12 : i32
          %add3A_523 = vector.broadcast %add3A_522 : i32 to vector<16xi32>
          %add3A_524 = arith.addi %mul3A_508, %add3A_523 : vector<16xi32>
          %gather3A_525 = tpu.vector_load_idx %arg12[%add3A_524] : memref<64xf32, #tpu.memory_space<vmem>>[vector<16xi32>], vector<16xf32>,
          %add3A_526 = arith.constant 13 : i32
          %add3A_527 = vector.broadcast %add3A_526 : i32 to vector<16xi32>
          %add3A_528 = arith.addi %mul3A_508, %add3A_527 : vector<16xi32>
          %gather3A_529 = tpu.vector_load_idx %arg12[%add3A_528] : memref<64xf32, #tpu.memory_space<vmem>>[vector<16xi32>], vector<16xf32>,
          %sub3A_530 = arith.subf %mul3A_456, %gather3A_517 : vector<16xf32>
          %sub3A_531 = arith.subf %mul3A_456, %gather3A_521 : vector<16xf32>
          %mul3A_532 = arith.mulf %mul3A_505, %gather3A_525 : vector<16xf32>
          %mul3A_533 = arith.mulf %gather3A_509, %sub3A_530 : vector<16xf32>
          %mul3A_534 = arith.mulf %mul3A_533, %sub3A_530 : vector<16xf32>
          %exp3A_535 = math.exp %mul3A_534 : vector<16xf32>
          %mul3A_536 = arith.mulf %mul3A_532, %exp3A_535 : vector<16xf32>
          %mul3A_537 = arith.mulf %mul3A_505, %gather3A_529 : vector<16xf32>
          %mul3A_538 = arith.mulf %gather3A_513, %sub3A_531 : vector<16xf32>
          %mul3A_539 = arith.mulf %mul3A_538, %sub3A_531 : vector<16xf32>
          %exp3A_540 = math.exp %mul3A_539 : vector<16xf32>
          %mul3A_541 = arith.mulf %mul3A_537, %exp3A_540 : vector<16xf32>
          %sub3A_542 = vector.broadcast %mul3A_2 : i32 to vector<16xi32>
          %sub3A_543 = arith.subi %gather3A_416, %sub3A_542 : vector<16xi32>
          %mul3A_544 = arith.constant 9 : i32
          %mul3A_545 = vector.broadcast %mul3A_544 : i32 to vector<16xi32>
          %mul3A_546 = arith.muli %sub3A_543, %mul3A_545 : vector<16xi32>
          %jit3A_547 = arith.constant 0 : i32
          %broadcast_in_dim3A_548 = vector.broadcast %jit3A_547 : i32 to vector<16xi32>
          %select_n3A_549 = arith.select %lt3A_407, %mul3A_546, %broadcast_in_dim3A_548 : vector<16xi1>, vector<16xi32>
          tpu.vector_store_idx %arg19[%select_n3A_549], %mul3A_536 masked %lt3A_407 {add = true} : memref<14400xf32, #tpu.memory_space<vmem>>[vector<16xi32>], vector<16xf32>, vector<16xi1>
          %add3A_550 = arith.constant 1 : i32
          %add3A_551 = vector.broadcast %add3A_550 : i32 to vector<16xi32>
          %add3A_552 = arith.addi %select_n3A_549, %add3A_551 : vector<16xi32>
          tpu.vector_store_idx %arg19[%add3A_552], %mul3A_541 masked %lt3A_407 {add = true} : memref<14400xf32, #tpu.memory_space<vmem>>[vector<16xi32>], vector<16xf32>, vector<16xi1>
          %add3A_553 = arith.constant 2 : i32
          %add3A_554 = vector.broadcast %add3A_553 : i32 to vector<16xi32>
          %add3A_555 = arith.addi %select_n3A_549, %add3A_554 : vector<16xi32>
          %mul3A_556 = arith.mulf %gather3A_413, %mul3A_536 : vector<16xf32>
          tpu.vector_store_idx %arg19[%add3A_555], %mul3A_556 masked %lt3A_407 {add = true} : memref<14400xf32, #tpu.memory_space<vmem>>[vector<16xi32>], vector<16xf32>, vector<16xi1>
          %add3A_557 = arith.constant 3 : i32
          %add3A_558 = vector.broadcast %add3A_557 : i32 to vector<16xi32>
          %add3A_559 = arith.addi %select_n3A_549, %add3A_558 : vector<16xi32>
          %mul3A_560 = arith.mulf %gather3A_413, %mul3A_541 : vector<16xf32>
          tpu.vector_store_idx %arg19[%add3A_559], %mul3A_560 masked %lt3A_407 {add = true} : memref<14400xf32, #tpu.memory_space<vmem>>[vector<16xi32>], vector<16xf32>, vector<16xi1>
          %add3A_561 = arith.constant 4 : i32
          %add3A_562 = vector.broadcast %add3A_561 : i32 to vector<16xi32>
          %add3A_563 = arith.addi %select_n3A_549, %add3A_562 : vector<16xi32>
          %mul3A_564 = arith.mulf %gather3A_414, %mul3A_536 : vector<16xf32>
          tpu.vector_store_idx %arg19[%add3A_563], %mul3A_564 masked %lt3A_407 {add = true} : memref<14400xf32, #tpu.memory_space<vmem>>[vector<16xi32>], vector<16xf32>, vector<16xi1>
          %add3A_565 = arith.constant 5 : i32
          %add3A_566 = vector.broadcast %add3A_565 : i32 to vector<16xi32>
          %add3A_567 = arith.addi %select_n3A_549, %add3A_566 : vector<16xi32>
          %mul3A_568 = arith.mulf %gather3A_414, %mul3A_541 : vector<16xf32>
          tpu.vector_store_idx %arg19[%add3A_567], %mul3A_568 masked %lt3A_407 {add = true} : memref<14400xf32, #tpu.memory_space<vmem>>[vector<16xi32>], vector<16xf32>, vector<16xi1>
          %add3A_569 = arith.constant 6 : i32
          %add3A_570 = vector.broadcast %add3A_569 : i32 to vector<16xi32>
          %add3A_571 = arith.addi %select_n3A_549, %add3A_570 : vector<16xi32>
          %mul3A_572 = arith.mulf %gather3A_415, %mul3A_536 : vector<16xf32>
          tpu.vector_store_idx %arg19[%add3A_571], %mul3A_572 masked %lt3A_407 {add = true} : memref<14400xf32, #tpu.memory_space<vmem>>[vector<16xi32>], vector<16xf32>, vector<16xi1>
          %add3A_573 = arith.constant 7 : i32
          %add3A_574 = vector.broadcast %add3A_573 : i32 to vector<16xi32>
          %add3A_575 = arith.addi %select_n3A_549, %add3A_574 : vector<16xi32>
          %mul3A_576 = arith.mulf %gather3A_415, %mul3A_541 : vector<16xf32>
          tpu.vector_store_idx %arg19[%add3A_575], %mul3A_576 masked %lt3A_407 {add = true} : memref<14400xf32, #tpu.memory_space<vmem>>[vector<16xi32>], vector<16xf32>, vector<16xi1>
        }
        %while3A_233 = arith.constant 1 : i32
        scf.for %while3A_234 = %while3A_231 to %while3A_227 step %while3A_233  : i32 {
          %mul3A_235 = arith.constant 2 : i32
          %mul3A_236 = arith.muli %while3A_234, %mul3A_235 : i32
          %lt3A = vector.broadcast %mul3A_236 : i32 to vector<16xi32>
          %lt3A_237 = arith.cmpi slt, %lt3A, %sub3A_187 : vector<16xi32>
          %add3A_238 = vector.broadcast %mul3A_236 : i32 to vector<16xi32>
          %add3A_239 = arith.addi %sub3A_197, %add3A_238 : vector<16xi32>
          %jit3A_240 = arith.constant 0 : i32
          %broadcast_in_dim3A_241 = vector.broadcast %jit3A_240 : i32 to vector<16xi32>
          %select_n3A_242 = arith.select %lt3A_237, %add3A_239, %broadcast_in_dim3A_241 : vector<16xi1>, vector<16xi32>
          %gather3A_243 = tpu.vector_load_idx %arg14[%select_n3A_242] : memref<2560xf32, #tpu.memory_space<vmem>>[vector<16xi32>], vector<16xf32>,
          %gather3A_244 = tpu.vector_load_idx %arg15[%select_n3A_242] : memref<2560xf32, #tpu.memory_space<vmem>>[vector<16xi32>], vector<16xf32>,
          %gather3A_245 = tpu.vector_load_idx %arg16[%select_n3A_242] : memref<2560xf32, #tpu.memory_space<vmem>>[vector<16xi32>], vector<16xf32>,
          %gather3A_246 = tpu.vector_load_idx %arg17[%select_n3A_242] : memref<2560xi32, #tpu.memory_space<vmem>>[vector<16xi32>], vector<16xi32>,
          %gather3A_247 = tpu.vector_load_idx %arg18[%select_n3A_242] : memref<2560xi32, #tpu.memory_space<vmem>>[vector<16xi32>], vector<16xi32>,
          %gather3A_248 = tpu.vector_load_idx %arg11[%gather3A_247] : memref<50000xi32, #tpu.memory_space<vmem>>[vector<16xi32>], vector<16xi32>,
          %mul3A_249 = arith.mulf %gather3A_243, %gather3A_243 : vector<16xf32>
          %mul3A_250 = arith.mulf %gather3A_244, %gather3A_244 : vector<16xf32>
          %add3A_251 = arith.addf %mul3A_249, %mul3A_250 : vector<16xf32>
          %mul3A_252 = arith.mulf %gather3A_245, %gather3A_245 : vector<16xf32>
          %add3A_253 = arith.addf %add3A_251, %mul3A_252 : vector<16xf32>
          %max3A_254 = arith.constant 9.99999996E-13 : f32
          %max3A_255 = vector.broadcast %max3A_254 : f32 to vector<16xf32>
          %max3A_256 = arith.maximumf %add3A_253, %max3A_255 : vector<16xf32>
          %bitcast3A = vector.bitcast %max3A_256 : vector<16xf32> to vector<16xi32>
          %shift_right_logical3A = arith.constant 1 : i32
          %shift_right_logical3A_257 = vector.broadcast %shift_right_logical3A : i32 to vector<16xi32>
          %shift_right_logical3A_258 = arith.shrui %bitcast3A, %shift_right_logical3A_257 : vector<16xi32>
          %sub3A_259 = arith.constant 1597463007 : i32
          %sub3A_260 = vector.broadcast %sub3A_259 : i32 to vector<16xi32>
          %sub3A_261 = arith.subi %sub3A_260, %shift_right_logical3A_258 : vector<16xi32>
          %bitcast3A_262 = vector.bitcast %sub3A_261 : vector<16xi32> to vector<16xf32>
          %mul3A_263 = arith.constant 5.000000e-01 : f32
          %mul3A_264 = vector.broadcast %mul3A_263 : f32 to vector<16xf32>
          %mul3A_265 = arith.mulf %mul3A_264, %max3A_256 : vector<16xf32>
          %mul3A_266 = arith.mulf %mul3A_265, %bitcast3A_262 : vector<16xf32>
          %mul3A_267 = arith.mulf %mul3A_266, %bitcast3A_262 : vector<16xf32>
          %sub3A_268 = arith.constant 1.500000e+00 : f32
          %sub3A_269 = vector.broadcast %sub3A_268 : f32 to vector<16xf32>
          %sub3A_270 = arith.subf %sub3A_269, %mul3A_267 : vector<16xf32>
          %mul3A_271 = arith.mulf %bitcast3A_262, %sub3A_270 : vector<16xf32>
          %mul3A_272 = arith.mulf %mul3A_265, %mul3A_271 : vector<16xf32>
          %mul3A_273 = arith.mulf %mul3A_272, %mul3A_271 : vector<16xf32>
          %sub3A_274 = arith.constant 1.500000e+00 : f32
          %sub3A_275 = vector.broadcast %sub3A_274 : f32 to vector<16xf32>
          %sub3A_276 = arith.subf %sub3A_275, %mul3A_273 : vector<16xf32>
          %mul3A_277 = arith.mulf %mul3A_271, %sub3A_276 : vector<16xf32>
          %mul3A_278 = arith.mulf %mul3A_265, %mul3A_277 : vector<16xf32>
          %mul3A_279 = arith.mulf %mul3A_278, %mul3A_277 : vector<16xf32>
          %sub3A_280 = arith.constant 1.500000e+00 : f32
          %sub3A_281 = vector.broadcast %sub3A_280 : f32 to vector<16xf32>
          %sub3A_282 = arith.subf %sub3A_281, %mul3A_279 : vector<16xf32>
          %mul3A_283 = arith.mulf %mul3A_277, %sub3A_282 : vector<16xf32>
          %mul3A_284 = arith.mulf %max3A_256, %mul3A_283 : vector<16xf32>
          %mul3A_285 = arith.constant 0.261799395 : f32
          %mul3A_286 = vector.broadcast %mul3A_285 : f32 to vector<16xf32>
          %mul3A_287 = arith.mulf %mul3A_284, %mul3A_286 : vector<16xf32>
          %mul3A_288 = arith.constant 0.159154937 : f32
          %mul3A_289 = vector.broadcast %mul3A_288 : f32 to vector<16xf32>
          %mul3A_290 = arith.mulf %mul3A_287, %mul3A_289 : vector<16xf32>
          %add3A_291 = arith.constant 0x4B400000 : f32
          %add3A_292 = vector.broadcast %add3A_291 : f32 to vector<16xf32>
          %add3A_293 = arith.addf %mul3A_290, %add3A_292 : vector<16xf32>
          %sub3A_294 = arith.constant 0x4B400000 : f32
          %sub3A_295 = vector.broadcast %sub3A_294 : f32 to vector<16xf32>
          %sub3A_296 = arith.subf %add3A_293, %sub3A_295 : vector<16xf32>
          %mul3A_297 = arith.constant 6.28318548 : f32
          %mul3A_298 = vector.broadcast %mul3A_297 : f32 to vector<16xf32>
          %mul3A_299 = arith.mulf %sub3A_296, %mul3A_298 : vector<16xf32>
          %sub3A_300 = arith.subf %mul3A_287, %mul3A_299 : vector<16xf32>
          %mul3A_301 = arith.mulf %sub3A_300, %sub3A_300 : vector<16xf32>
          %mul3A_302 = arith.constant -9.72255609E-12 : f32
          %mul3A_303 = vector.broadcast %mul3A_302 : f32 to vector<16xf32>
          %mul3A_304 = arith.mulf %mul3A_303, %mul3A_301 : vector<16xf32>
          %add3A_305 = arith.constant 2.06035988E-9 : f32
          %add3A_306 = vector.broadcast %add3A_305 : f32 to vector<16xf32>
          %add3A_307 = arith.addf %mul3A_304, %add3A_306 : vector<16xf32>
          %mul3A_308 = arith.mulf %add3A_307, %mul3A_301 : vector<16xf32>
          %add3A_309 = arith.constant -2.753480e-07 : f32
          %add3A_310 = vector.broadcast %add3A_309 : f32 to vector<16xf32>
          %add3A_311 = arith.addf %mul3A_308, %add3A_310 : vector<16xf32>
          %mul3A_312 = arith.mulf %add3A_311, %mul3A_301 : vector<16xf32>
          %add3A_313 = arith.constant 2.48005526E-5 : f32
          %add3A_314 = vector.broadcast %add3A_313 : f32 to vector<16xf32>
          %add3A_315 = arith.addf %mul3A_312, %add3A_314 : vector<16xf32>
          %mul3A_316 = arith.mulf %add3A_315, %mul3A_301 : vector<16xf32>
          %add3A_317 = arith.constant -0.00138888624 : f32
          %add3A_318 = vector.broadcast %add3A_317 : f32 to vector<16xf32>
          %add3A_319 = arith.addf %mul3A_316, %add3A_318 : vector<16xf32>
          %mul3A_320 = arith.mulf %add3A_319, %mul3A_301 : vector<16xf32>
          %add3A_321 = arith.constant 0.0416666642 : f32
          %add3A_322 = vector.broadcast %add3A_321 : f32 to vector<16xf32>
          %add3A_323 = arith.addf %mul3A_320, %add3A_322 : vector<16xf32>
          %mul3A_324 = arith.mulf %add3A_323, %mul3A_301 : vector<16xf32>
          %add3A_325 = arith.constant -5.000000e-01 : f32
          %add3A_326 = vector.broadcast %add3A_325 : f32 to vector<16xf32>
          %add3A_327 = arith.addf %mul3A_324, %add3A_326 : vector<16xf32>
          %mul3A_328 = arith.mulf %add3A_327, %mul3A_301 : vector<16xf32>
          %add3A_329 = arith.constant 1.000000e+00 : f32
          %add3A_330 = vector.broadcast %add3A_329 : f32 to vector<16xf32>
          %add3A_331 = arith.addf %mul3A_328, %add3A_330 : vector<16xf32>
          %mul3A_332 = arith.mulf %add3A_331, %add3A_331 : vector<16xf32>
          %mul3A_333 = arith.mulf %mul3A_332, %mul3A_332 : vector<16xf32>
          %mul3A_334 = arith.constant 2 : i32
          %mul3A_335 = vector.broadcast %mul3A_334 : i32 to vector<16xi32>
          %mul3A_336 = arith.muli %gather3A_248, %mul3A_335 : vector<16xi32>
          %gather3A_337 = tpu.vector_load_idx %arg12[%mul3A_336] : memref<64xf32, #tpu.memory_space<vmem>>[vector<16xi32>], vector<16xf32>,
          %add3A_338 = arith.constant 1 : i32
          %add3A_339 = vector.broadcast %add3A_338 : i32 to vector<16xi32>
          %add3A_340 = arith.addi %mul3A_336, %add3A_339 : vector<16xi32>
          %gather3A_341 = tpu.vector_load_idx %arg12[%add3A_340] : memref<64xf32, #tpu.memory_space<vmem>>[vector<16xi32>], vector<16xf32>,
          %add3A_342 = arith.constant 6 : i32
          %add3A_343 = vector.broadcast %add3A_342 : i32 to vector<16xi32>
          %add3A_344 = arith.addi %mul3A_336, %add3A_343 : vector<16xi32>
          %gather3A_345 = tpu.vector_load_idx %arg12[%add3A_344] : memref<64xf32, #tpu.memory_space<vmem>>[vector<16xi32>], vector<16xf32>,
          %add3A_346 = arith.constant 7 : i32
          %add3A_347 = vector.broadcast %add3A_346 : i32 to vector<16xi32>
          %add3A_348 = arith.addi %mul3A_336, %add3A_347 : vector<16xi32>
          %gather3A_349 = tpu.vector_load_idx %arg12[%add3A_348] : memref<64xf32, #tpu.memory_space<vmem>>[vector<16xi32>], vector<16xf32>,
          %add3A_350 = arith.constant 12 : i32
          %add3A_351 = vector.broadcast %add3A_350 : i32 to vector<16xi32>
          %add3A_352 = arith.addi %mul3A_336, %add3A_351 : vector<16xi32>
          %gather3A_353 = tpu.vector_load_idx %arg12[%add3A_352] : memref<64xf32, #tpu.memory_space<vmem>>[vector<16xi32>], vector<16xf32>,
          %add3A_354 = arith.constant 13 : i32
          %add3A_355 = vector.broadcast %add3A_354 : i32 to vector<16xi32>
          %add3A_356 = arith.addi %mul3A_336, %add3A_355 : vector<16xi32>
          %gather3A_357 = tpu.vector_load_idx %arg12[%add3A_356] : memref<64xf32, #tpu.memory_space<vmem>>[vector<16xi32>], vector<16xf32>,
          %sub3A_358 = arith.subf %mul3A_284, %gather3A_345 : vector<16xf32>
          %sub3A_359 = arith.subf %mul3A_284, %gather3A_349 : vector<16xf32>
          %mul3A_360 = arith.mulf %mul3A_333, %gather3A_353 : vector<16xf32>
          %mul3A_361 = arith.mulf %gather3A_337, %sub3A_358 : vector<16xf32>
          %mul3A_362 = arith.mulf %mul3A_361, %sub3A_358 : vector<16xf32>
          %exp3A = math.exp %mul3A_362 : vector<16xf32>
          %mul3A_363 = arith.mulf %mul3A_360, %exp3A : vector<16xf32>
          %mul3A_364 = arith.mulf %mul3A_333, %gather3A_357 : vector<16xf32>
          %mul3A_365 = arith.mulf %gather3A_341, %sub3A_359 : vector<16xf32>
          %mul3A_366 = arith.mulf %mul3A_365, %sub3A_359 : vector<16xf32>
          %exp3A_367 = math.exp %mul3A_366 : vector<16xf32>
          %mul3A_368 = arith.mulf %mul3A_364, %exp3A_367 : vector<16xf32>
          %sub3A_369 = vector.broadcast %mul3A_2 : i32 to vector<16xi32>
          %sub3A_370 = arith.subi %gather3A_246, %sub3A_369 : vector<16xi32>
          %mul3A_371 = arith.constant 9 : i32
          %mul3A_372 = vector.broadcast %mul3A_371 : i32 to vector<16xi32>
          %mul3A_373 = arith.muli %sub3A_370, %mul3A_372 : vector<16xi32>
          %jit3A_374 = arith.constant 0 : i32
          %broadcast_in_dim3A_375 = vector.broadcast %jit3A_374 : i32 to vector<16xi32>
          %select_n3A_376 = arith.select %lt3A_237, %mul3A_373, %broadcast_in_dim3A_375 : vector<16xi1>, vector<16xi32>
          tpu.vector_store_idx %arg19[%select_n3A_376], %mul3A_363 masked %lt3A_237 {add = true} : memref<14400xf32, #tpu.memory_space<vmem>>[vector<16xi32>], vector<16xf32>, vector<16xi1>
          %add3A_377 = arith.constant 1 : i32
          %add3A_378 = vector.broadcast %add3A_377 : i32 to vector<16xi32>
          %add3A_379 = arith.addi %select_n3A_376, %add3A_378 : vector<16xi32>
          tpu.vector_store_idx %arg19[%add3A_379], %mul3A_368 masked %lt3A_237 {add = true} : memref<14400xf32, #tpu.memory_space<vmem>>[vector<16xi32>], vector<16xf32>, vector<16xi1>
          %add3A_380 = arith.constant 2 : i32
          %add3A_381 = vector.broadcast %add3A_380 : i32 to vector<16xi32>
          %add3A_382 = arith.addi %select_n3A_376, %add3A_381 : vector<16xi32>
          %mul3A_383 = arith.mulf %gather3A_243, %mul3A_363 : vector<16xf32>
          tpu.vector_store_idx %arg19[%add3A_382], %mul3A_383 masked %lt3A_237 {add = true} : memref<14400xf32, #tpu.memory_space<vmem>>[vector<16xi32>], vector<16xf32>, vector<16xi1>
          %add3A_384 = arith.constant 3 : i32
          %add3A_385 = vector.broadcast %add3A_384 : i32 to vector<16xi32>
          %add3A_386 = arith.addi %select_n3A_376, %add3A_385 : vector<16xi32>
          %mul3A_387 = arith.mulf %gather3A_243, %mul3A_368 : vector<16xf32>
          tpu.vector_store_idx %arg19[%add3A_386], %mul3A_387 masked %lt3A_237 {add = true} : memref<14400xf32, #tpu.memory_space<vmem>>[vector<16xi32>], vector<16xf32>, vector<16xi1>
          %add3A_388 = arith.constant 4 : i32
          %add3A_389 = vector.broadcast %add3A_388 : i32 to vector<16xi32>
          %add3A_390 = arith.addi %select_n3A_376, %add3A_389 : vector<16xi32>
          %mul3A_391 = arith.mulf %gather3A_244, %mul3A_363 : vector<16xf32>
          tpu.vector_store_idx %arg19[%add3A_390], %mul3A_391 masked %lt3A_237 {add = true} : memref<14400xf32, #tpu.memory_space<vmem>>[vector<16xi32>], vector<16xf32>, vector<16xi1>
          %add3A_392 = arith.constant 5 : i32
          %add3A_393 = vector.broadcast %add3A_392 : i32 to vector<16xi32>
          %add3A_394 = arith.addi %select_n3A_376, %add3A_393 : vector<16xi32>
          %mul3A_395 = arith.mulf %gather3A_244, %mul3A_368 : vector<16xf32>
          tpu.vector_store_idx %arg19[%add3A_394], %mul3A_395 masked %lt3A_237 {add = true} : memref<14400xf32, #tpu.memory_space<vmem>>[vector<16xi32>], vector<16xf32>, vector<16xi1>
          %add3A_396 = arith.constant 6 : i32
          %add3A_397 = vector.broadcast %add3A_396 : i32 to vector<16xi32>
          %add3A_398 = arith.addi %select_n3A_376, %add3A_397 : vector<16xi32>
          %mul3A_399 = arith.mulf %gather3A_245, %mul3A_363 : vector<16xf32>
          tpu.vector_store_idx %arg19[%add3A_398], %mul3A_399 masked %lt3A_237 {add = true} : memref<14400xf32, #tpu.memory_space<vmem>>[vector<16xi32>], vector<16xf32>, vector<16xi1>
          %add3A_400 = arith.constant 7 : i32
          %add3A_401 = vector.broadcast %add3A_400 : i32 to vector<16xi32>
          %add3A_402 = arith.addi %select_n3A_376, %add3A_401 : vector<16xi32>
          %mul3A_403 = arith.mulf %gather3A_245, %mul3A_368 : vector<16xf32>
          tpu.vector_store_idx %arg19[%add3A_402], %mul3A_403 masked %lt3A_237 {add = true} : memref<14400xf32, #tpu.memory_space<vmem>>[vector<16xi32>], vector<16xf32>, vector<16xi1>
          %add3A_404 = arith.constant 1 : i32
          %add3A_405 = arith.addi %mul3A_236, %add3A_404 : i32
          %lt3A_406 = vector.broadcast %add3A_405 : i32 to vector<16xi32>
          %lt3A_407 = arith.cmpi slt, %lt3A_406, %sub3A_187 : vector<16xi32>
          %add3A_408 = vector.broadcast %add3A_405 : i32 to vector<16xi32>
          %add3A_409 = arith.addi %sub3A_197, %add3A_408 : vector<16xi32>
          %jit3A_410 = arith.constant 0 : i32
          %broadcast_in_dim3A_411 = vector.broadcast %jit3A_410 : i32 to vector<16xi32>
          %select_n3A_412 = arith.select %lt3A_407, %add3A_409, %broadcast_in_dim3A_411 : vector<16xi1>, vector<16xi32>
          %gather3A_413 = tpu.vector_load_idx %arg14[%select_n3A_412] : memref<2560xf32, #tpu.memory_space<vmem>>[vector<16xi32>], vector<16xf32>,
          %gather3A_414 = tpu.vector_load_idx %arg15[%select_n3A_412] : memref<2560xf32, #tpu.memory_space<vmem>>[vector<16xi32>], vector<16xf32>,
          %gather3A_415 = tpu.vector_load_idx %arg16[%select_n3A_412] : memref<2560xf32, #tpu.memory_space<vmem>>[vector<16xi32>], vector<16xf32>,
          %gather3A_416 = tpu.vector_load_idx %arg17[%select_n3A_412] : memref<2560xi32, #tpu.memory_space<vmem>>[vector<16xi32>], vector<16xi32>,
          %gather3A_417 = tpu.vector_load_idx %arg18[%select_n3A_412] : memref<2560xi32, #tpu.memory_space<vmem>>[vector<16xi32>], vector<16xi32>,
          %gather3A_418 = tpu.vector_load_idx %arg11[%gather3A_417] : memref<50000xi32, #tpu.memory_space<vmem>>[vector<16xi32>], vector<16xi32>,
          %mul3A_419 = arith.mulf %gather3A_413, %gather3A_413 : vector<16xf32>
          %mul3A_420 = arith.mulf %gather3A_414, %gather3A_414 : vector<16xf32>
          %add3A_421 = arith.addf %mul3A_419, %mul3A_420 : vector<16xf32>
          %mul3A_422 = arith.mulf %gather3A_415, %gather3A_415 : vector<16xf32>
          %add3A_423 = arith.addf %add3A_421, %mul3A_422 : vector<16xf32>
          %max3A_424 = arith.constant 9.99999996E-13 : f32
          %max3A_425 = vector.broadcast %max3A_424 : f32 to vector<16xf32>
          %max3A_426 = arith.maximumf %add3A_423, %max3A_425 : vector<16xf32>
          %bitcast3A_427 = vector.bitcast %max3A_426 : vector<16xf32> to vector<16xi32>
          %shift_right_logical3A_428 = arith.constant 1 : i32
          %shift_right_logical3A_429 = vector.broadcast %shift_right_logical3A_428 : i32 to vector<16xi32>
          %shift_right_logical3A_430 = arith.shrui %bitcast3A_427, %shift_right_logical3A_429 : vector<16xi32>
          %sub3A_431 = arith.constant 1597463007 : i32
          %sub3A_432 = vector.broadcast %sub3A_431 : i32 to vector<16xi32>
          %sub3A_433 = arith.subi %sub3A_432, %shift_right_logical3A_430 : vector<16xi32>
          %bitcast3A_434 = vector.bitcast %sub3A_433 : vector<16xi32> to vector<16xf32>
          %mul3A_435 = arith.constant 5.000000e-01 : f32
          %mul3A_436 = vector.broadcast %mul3A_435 : f32 to vector<16xf32>
          %mul3A_437 = arith.mulf %mul3A_436, %max3A_426 : vector<16xf32>
          %mul3A_438 = arith.mulf %mul3A_437, %bitcast3A_434 : vector<16xf32>
          %mul3A_439 = arith.mulf %mul3A_438, %bitcast3A_434 : vector<16xf32>
          %sub3A_440 = arith.constant 1.500000e+00 : f32
          %sub3A_441 = vector.broadcast %sub3A_440 : f32 to vector<16xf32>
          %sub3A_442 = arith.subf %sub3A_441, %mul3A_439 : vector<16xf32>
          %mul3A_443 = arith.mulf %bitcast3A_434, %sub3A_442 : vector<16xf32>
          %mul3A_444 = arith.mulf %mul3A_437, %mul3A_443 : vector<16xf32>
          %mul3A_445 = arith.mulf %mul3A_444, %mul3A_443 : vector<16xf32>
          %sub3A_446 = arith.constant 1.500000e+00 : f32
          %sub3A_447 = vector.broadcast %sub3A_446 : f32 to vector<16xf32>
          %sub3A_448 = arith.subf %sub3A_447, %mul3A_445 : vector<16xf32>
          %mul3A_449 = arith.mulf %mul3A_443, %sub3A_448 : vector<16xf32>
          %mul3A_450 = arith.mulf %mul3A_437, %mul3A_449 : vector<16xf32>
          %mul3A_451 = arith.mulf %mul3A_450, %mul3A_449 : vector<16xf32>
          %sub3A_452 = arith.constant 1.500000e+00 : f32
          %sub3A_453 = vector.broadcast %sub3A_452 : f32 to vector<16xf32>
          %sub3A_454 = arith.subf %sub3A_453, %mul3A_451 : vector<16xf32>
          %mul3A_455 = arith.mulf %mul3A_449, %sub3A_454 : vector<16xf32>
          %mul3A_456 = arith.mulf %max3A_426, %mul3A_455 : vector<16xf32>
          %mul3A_457 = arith.constant 0.261799395 : f32
          %mul3A_458 = vector.broadcast %mul3A_457 : f32 to vector<16xf32>
          %mul3A_459 = arith.mulf %mul3A_456, %mul3A_458 : vector<16xf32>
          %mul3A_460 = arith.constant 0.159154937 : f32
          %mul3A_461 = vector.broadcast %mul3A_460 : f32 to vector<16xf32>
          %mul3A_462 = arith.mulf %mul3A_459, %mul3A_461 : vector<16xf32>
          %add3A_463 = arith.constant 0x4B400000 : f32
          %add3A_464 = vector.broadcast %add3A_463 : f32 to vector<16xf32>
          %add3A_465 = arith.addf %mul3A_462, %add3A_464 : vector<16xf32>
          %sub3A_466 = arith.constant 0x4B400000 : f32
          %sub3A_467 = vector.broadcast %sub3A_466 : f32 to vector<16xf32>
          %sub3A_468 = arith.subf %add3A_465, %sub3A_467 : vector<16xf32>
          %mul3A_469 = arith.constant 6.28318548 : f32
          %mul3A_470 = vector.broadcast %mul3A_469 : f32 to vector<16xf32>
          %mul3A_471 = arith.mulf %sub3A_468, %mul3A_470 : vector<16xf32>
          %sub3A_472 = arith.subf %mul3A_459, %mul3A_471 : vector<16xf32>
          %mul3A_473 = arith.mulf %sub3A_472, %sub3A_472 : vector<16xf32>
          %mul3A_474 = arith.constant -9.72255609E-12 : f32
          %mul3A_475 = vector.broadcast %mul3A_474 : f32 to vector<16xf32>
          %mul3A_476 = arith.mulf %mul3A_475, %mul3A_473 : vector<16xf32>
          %add3A_477 = arith.constant 2.06035988E-9 : f32
          %add3A_478 = vector.broadcast %add3A_477 : f32 to vector<16xf32>
          %add3A_479 = arith.addf %mul3A_476, %add3A_478 : vector<16xf32>
          %mul3A_480 = arith.mulf %add3A_479, %mul3A_473 : vector<16xf32>
          %add3A_481 = arith.constant -2.753480e-07 : f32
          %add3A_482 = vector.broadcast %add3A_481 : f32 to vector<16xf32>
          %add3A_483 = arith.addf %mul3A_480, %add3A_482 : vector<16xf32>
          %mul3A_484 = arith.mulf %add3A_483, %mul3A_473 : vector<16xf32>
          %add3A_485 = arith.constant 2.48005526E-5 : f32
          %add3A_486 = vector.broadcast %add3A_485 : f32 to vector<16xf32>
          %add3A_487 = arith.addf %mul3A_484, %add3A_486 : vector<16xf32>
          %mul3A_488 = arith.mulf %add3A_487, %mul3A_473 : vector<16xf32>
          %add3A_489 = arith.constant -0.00138888624 : f32
          %add3A_490 = vector.broadcast %add3A_489 : f32 to vector<16xf32>
          %add3A_491 = arith.addf %mul3A_488, %add3A_490 : vector<16xf32>
          %mul3A_492 = arith.mulf %add3A_491, %mul3A_473 : vector<16xf32>
          %add3A_493 = arith.constant 0.0416666642 : f32
          %add3A_494 = vector.broadcast %add3A_493 : f32 to vector<16xf32>
          %add3A_495 = arith.addf %mul3A_492, %add3A_494 : vector<16xf32>
          %mul3A_496 = arith.mulf %add3A_495, %mul3A_473 : vector<16xf32>
          %add3A_497 = arith.constant -5.000000e-01 : f32
          %add3A_498 = vector.broadcast %add3A_497 : f32 to vector<16xf32>
          %add3A_499 = arith.addf %mul3A_496, %add3A_498 : vector<16xf32>
          %mul3A_500 = arith.mulf %add3A_499, %mul3A_473 : vector<16xf32>
          %add3A_501 = arith.constant 1.000000e+00 : f32
          %add3A_502 = vector.broadcast %add3A_501 : f32 to vector<16xf32>
          %add3A_503 = arith.addf %mul3A_500, %add3A_502 : vector<16xf32>
          %mul3A_504 = arith.mulf %add3A_503, %add3A_503 : vector<16xf32>
          %mul3A_505 = arith.mulf %mul3A_504, %mul3A_504 : vector<16xf32>
          %mul3A_506 = arith.constant 2 : i32
          %mul3A_507 = vector.broadcast %mul3A_506 : i32 to vector<16xi32>
          %mul3A_508 = arith.muli %gather3A_418, %mul3A_507 : vector<16xi32>
          %gather3A_509 = tpu.vector_load_idx %arg12[%mul3A_508] : memref<64xf32, #tpu.memory_space<vmem>>[vector<16xi32>], vector<16xf32>,
          %add3A_510 = arith.constant 1 : i32
          %add3A_511 = vector.broadcast %add3A_510 : i32 to vector<16xi32>
          %add3A_512 = arith.addi %mul3A_508, %add3A_511 : vector<16xi32>
          %gather3A_513 = tpu.vector_load_idx %arg12[%add3A_512] : memref<64xf32, #tpu.memory_space<vmem>>[vector<16xi32>], vector<16xf32>,
          %add3A_514 = arith.constant 6 : i32
          %add3A_515 = vector.broadcast %add3A_514 : i32 to vector<16xi32>
          %add3A_516 = arith.addi %mul3A_508, %add3A_515 : vector<16xi32>
          %gather3A_517 = tpu.vector_load_idx %arg12[%add3A_516] : memref<64xf32, #tpu.memory_space<vmem>>[vector<16xi32>], vector<16xf32>,
          %add3A_518 = arith.constant 7 : i32
          %add3A_519 = vector.broadcast %add3A_518 : i32 to vector<16xi32>
          %add3A_520 = arith.addi %mul3A_508, %add3A_519 : vector<16xi32>
          %gather3A_521 = tpu.vector_load_idx %arg12[%add3A_520] : memref<64xf32, #tpu.memory_space<vmem>>[vector<16xi32>], vector<16xf32>,
          %add3A_522 = arith.constant 12 : i32
          %add3A_523 = vector.broadcast %add3A_522 : i32 to vector<16xi32>
          %add3A_524 = arith.addi %mul3A_508, %add3A_523 : vector<16xi32>
          %gather3A_525 = tpu.vector_load_idx %arg12[%add3A_524] : memref<64xf32, #tpu.memory_space<vmem>>[vector<16xi32>], vector<16xf32>,
          %add3A_526 = arith.constant 13 : i32
          %add3A_527 = vector.broadcast %add3A_526 : i32 to vector<16xi32>
          %add3A_528 = arith.addi %mul3A_508, %add3A_527 : vector<16xi32>
          %gather3A_529 = tpu.vector_load_idx %arg12[%add3A_528] : memref<64xf32, #tpu.memory_space<vmem>>[vector<16xi32>], vector<16xf32>,
          %sub3A_530 = arith.subf %mul3A_456, %gather3A_517 : vector<16xf32>
          %sub3A_531 = arith.subf %mul3A_456, %gather3A_521 : vector<16xf32>
          %mul3A_532 = arith.mulf %mul3A_505, %gather3A_525 : vector<16xf32>
          %mul3A_533 = arith.mulf %gather3A_509, %sub3A_530 : vector<16xf32>
          %mul3A_534 = arith.mulf %mul3A_533, %sub3A_530 : vector<16xf32>
          %exp3A_535 = math.exp %mul3A_534 : vector<16xf32>
          %mul3A_536 = arith.mulf %mul3A_532, %exp3A_535 : vector<16xf32>
          %mul3A_537 = arith.mulf %mul3A_505, %gather3A_529 : vector<16xf32>
          %mul3A_538 = arith.mulf %gather3A_513, %sub3A_531 : vector<16xf32>
          %mul3A_539 = arith.mulf %mul3A_538, %sub3A_531 : vector<16xf32>
          %exp3A_540 = math.exp %mul3A_539 : vector<16xf32>
          %mul3A_541 = arith.mulf %mul3A_537, %exp3A_540 : vector<16xf32>
          %sub3A_542 = vector.broadcast %mul3A_2 : i32 to vector<16xi32>
          %sub3A_543 = arith.subi %gather3A_416, %sub3A_542 : vector<16xi32>
          %mul3A_544 = arith.constant 9 : i32
          %mul3A_545 = vector.broadcast %mul3A_544 : i32 to vector<16xi32>
          %mul3A_546 = arith.muli %sub3A_543, %mul3A_545 : vector<16xi32>
          %jit3A_547 = arith.constant 0 : i32
          %broadcast_in_dim3A_548 = vector.broadcast %jit3A_547 : i32 to vector<16xi32>
          %select_n3A_549 = arith.select %lt3A_407, %mul3A_546, %broadcast_in_dim3A_548 : vector<16xi1>, vector<16xi32>
          tpu.vector_store_idx %arg19[%select_n3A_549], %mul3A_536 masked %lt3A_407 {add = true} : memref<14400xf32, #tpu.memory_space<vmem>>[vector<16xi32>], vector<16xf32>, vector<16xi1>
          %add3A_550 = arith.constant 1 : i32
          %add3A_551 = vector.broadcast %add3A_550 : i32 to vector<16xi32>
          %add3A_552 = arith.addi %select_n3A_549, %add3A_551 : vector<16xi32>
          tpu.vector_store_idx %arg19[%add3A_552], %mul3A_541 masked %lt3A_407 {add = true} : memref<14400xf32, #tpu.memory_space<vmem>>[vector<16xi32>], vector<16xf32>, vector<16xi1>
          %add3A_553 = arith.constant 2 : i32
          %add3A_554 = vector.broadcast %add3A_553 : i32 to vector<16xi32>
          %add3A_555 = arith.addi %select_n3A_549, %add3A_554 : vector<16xi32>
          %mul3A_556 = arith.mulf %gather3A_413, %mul3A_536 : vector<16xf32>
          tpu.vector_store_idx %arg19[%add3A_555], %mul3A_556 masked %lt3A_407 {add = true} : memref<14400xf32, #tpu.memory_space<vmem>>[vector<16xi32>], vector<16xf32>, vector<16xi1>
          %add3A_557 = arith.constant 3 : i32
          %add3A_558 = vector.broadcast %add3A_557 : i32 to vector<16xi32>
          %add3A_559 = arith.addi %select_n3A_549, %add3A_558 : vector<16xi32>
          %mul3A_560 = arith.mulf %gather3A_413, %mul3A_541 : vector<16xf32>
          tpu.vector_store_idx %arg19[%add3A_559], %mul3A_560 masked %lt3A_407 {add = true} : memref<14400xf32, #tpu.memory_space<vmem>>[vector<16xi32>], vector<16xf32>, vector<16xi1>
          %add3A_561 = arith.constant 4 : i32
          %add3A_562 = vector.broadcast %add3A_561 : i32 to vector<16xi32>
          %add3A_563 = arith.addi %select_n3A_549, %add3A_562 : vector<16xi32>
          %mul3A_564 = arith.mulf %gather3A_414, %mul3A_536 : vector<16xf32>
          tpu.vector_store_idx %arg19[%add3A_563], %mul3A_564 masked %lt3A_407 {add = true} : memref<14400xf32, #tpu.memory_space<vmem>>[vector<16xi32>], vector<16xf32>, vector<16xi1>
          %add3A_565 = arith.constant 5 : i32
          %add3A_566 = vector.broadcast %add3A_565 : i32 to vector<16xi32>
          %add3A_567 = arith.addi %select_n3A_549, %add3A_566 : vector<16xi32>
          %mul3A_568 = arith.mulf %gather3A_414, %mul3A_541 : vector<16xf32>
          tpu.vector_store_idx %arg19[%add3A_567], %mul3A_568 masked %lt3A_407 {add = true} : memref<14400xf32, #tpu.memory_space<vmem>>[vector<16xi32>], vector<16xf32>, vector<16xi1>
          %add3A_569 = arith.constant 6 : i32
          %add3A_570 = vector.broadcast %add3A_569 : i32 to vector<16xi32>
          %add3A_571 = arith.addi %select_n3A_549, %add3A_570 : vector<16xi32>
          %mul3A_572 = arith.mulf %gather3A_415, %mul3A_536 : vector<16xf32>
          tpu.vector_store_idx %arg19[%add3A_571], %mul3A_572 masked %lt3A_407 {add = true} : memref<14400xf32, #tpu.memory_space<vmem>>[vector<16xi32>], vector<16xf32>, vector<16xi1>
          %add3A_573 = arith.constant 7 : i32
          %add3A_574 = vector.broadcast %add3A_573 : i32 to vector<16xi32>
          %add3A_575 = arith.addi %select_n3A_549, %add3A_574 : vector<16xi32>
          %mul3A_576 = arith.mulf %gather3A_415, %mul3A_541 : vector<16xf32>
          tpu.vector_store_idx %arg19[%add3A_575], %mul3A_576 masked %lt3A_407 {add = true} : memref<14400xf32, #tpu.memory_space<vmem>>[vector<16xi32>], vector<16xf32>, vector<16xi1>
        }
      }
    }
    %scan3A_13 = arith.constant 25 : i32
    %broadcast_in_dim3A = arith.constant 18 : i32
    %broadcast_in_dim3A_14 = vector.broadcast %broadcast_in_dim3A : i32 to vector<16xi32>
    %gather3A = tpu.vector_load_idx %arg12[%broadcast_in_dim3A_14] : memref<64xf32, #tpu.memory_space<vmem>>[vector<16xi32>], vector<16xf32>,
    %broadcast_in_dim3A_15 = arith.constant 19 : i32
    %broadcast_in_dim3A_16 = vector.broadcast %broadcast_in_dim3A_15 : i32 to vector<16xi32>
    %gather3A_17 = tpu.vector_load_idx %arg12[%broadcast_in_dim3A_16] : memref<64xf32, #tpu.memory_space<vmem>>[vector<16xi32>], vector<16xf32>,
    %broadcast_in_dim3A_18 = arith.constant 20 : i32
    %broadcast_in_dim3A_19 = vector.broadcast %broadcast_in_dim3A_18 : i32 to vector<16xi32>
    %gather3A_20 = tpu.vector_load_idx %arg12[%broadcast_in_dim3A_19] : memref<64xf32, #tpu.memory_space<vmem>>[vector<16xi32>], vector<16xf32>,
    %broadcast_in_dim3A_21 = arith.constant 21 : i32
    %broadcast_in_dim3A_22 = vector.broadcast %broadcast_in_dim3A_21 : i32 to vector<16xi32>
    %gather3A_23 = tpu.vector_load_idx %arg12[%broadcast_in_dim3A_22] : memref<64xf32, #tpu.memory_space<vmem>>[vector<16xi32>], vector<16xf32>,
    %broadcast_in_dim3A_24 = arith.constant 22 : i32
    %broadcast_in_dim3A_25 = vector.broadcast %broadcast_in_dim3A_24 : i32 to vector<16xi32>
    %gather3A_26 = tpu.vector_load_idx %arg12[%broadcast_in_dim3A_25] : memref<64xf32, #tpu.memory_space<vmem>>[vector<16xi32>], vector<16xf32>,
    %broadcast_in_dim3A_27 = arith.constant 23 : i32
    %broadcast_in_dim3A_28 = vector.broadcast %broadcast_in_dim3A_27 : i32 to vector<16xi32>
    %gather3A_29 = tpu.vector_load_idx %arg12[%broadcast_in_dim3A_28] : memref<64xf32, #tpu.memory_space<vmem>>[vector<16xi32>], vector<16xf32>,
    %broadcast_in_dim3A_30 = arith.constant 24 : i32
    %broadcast_in_dim3A_31 = vector.broadcast %broadcast_in_dim3A_30 : i32 to vector<16xi32>
    %gather3A_32 = tpu.vector_load_idx %arg12[%broadcast_in_dim3A_31] : memref<64xf32, #tpu.memory_space<vmem>>[vector<16xi32>], vector<16xf32>,
    %broadcast_in_dim3A_33 = arith.constant 25 : i32
    %broadcast_in_dim3A_34 = vector.broadcast %broadcast_in_dim3A_33 : i32 to vector<16xi32>
    %gather3A_35 = tpu.vector_load_idx %arg12[%broadcast_in_dim3A_34] : memref<64xf32, #tpu.memory_space<vmem>>[vector<16xi32>], vector<16xf32>,
    %broadcast_in_dim3A_36 = arith.constant 26 : i32
    %broadcast_in_dim3A_37 = vector.broadcast %broadcast_in_dim3A_36 : i32 to vector<16xi32>
    %gather3A_38 = tpu.vector_load_idx %arg12[%broadcast_in_dim3A_37] : memref<64xf32, #tpu.memory_space<vmem>>[vector<16xi32>], vector<16xf32>,
    %broadcast_in_dim3A_39 = arith.constant 27 : i32
    %broadcast_in_dim3A_40 = vector.broadcast %broadcast_in_dim3A_39 : i32 to vector<16xi32>
    %gather3A_41 = tpu.vector_load_idx %arg12[%broadcast_in_dim3A_40] : memref<64xf32, #tpu.memory_space<vmem>>[vector<16xi32>], vector<16xf32>,
    %broadcast_in_dim3A_42 = arith.constant 28 : i32
    %broadcast_in_dim3A_43 = vector.broadcast %broadcast_in_dim3A_42 : i32 to vector<16xi32>
    %gather3A_44 = tpu.vector_load_idx %arg12[%broadcast_in_dim3A_43] : memref<64xf32, #tpu.memory_space<vmem>>[vector<16xi32>], vector<16xf32>,
    %broadcast_in_dim3A_45 = arith.constant 29 : i32
    %broadcast_in_dim3A_46 = vector.broadcast %broadcast_in_dim3A_45 : i32 to vector<16xi32>
    %gather3A_47 = tpu.vector_load_idx %arg12[%broadcast_in_dim3A_46] : memref<64xf32, #tpu.memory_space<vmem>>[vector<16xi32>], vector<16xf32>,
    %broadcast_in_dim3A_48 = arith.constant 30 : i32
    %broadcast_in_dim3A_49 = vector.broadcast %broadcast_in_dim3A_48 : i32 to vector<16xi32>
    %gather3A_50 = tpu.vector_load_idx %arg12[%broadcast_in_dim3A_49] : memref<64xf32, #tpu.memory_space<vmem>>[vector<16xi32>], vector<16xf32>,
    %broadcast_in_dim3A_51 = arith.constant 31 : i32
    %broadcast_in_dim3A_52 = vector.broadcast %broadcast_in_dim3A_51 : i32 to vector<16xi32>
    %gather3A_53 = tpu.vector_load_idx %arg12[%broadcast_in_dim3A_52] : memref<64xf32, #tpu.memory_space<vmem>>[vector<16xi32>], vector<16xf32>,
    %broadcast_in_dim3A_54 = arith.constant 32 : i32
    %broadcast_in_dim3A_55 = vector.broadcast %broadcast_in_dim3A_54 : i32 to vector<16xi32>
    %gather3A_56 = tpu.vector_load_idx %arg12[%broadcast_in_dim3A_55] : memref<64xf32, #tpu.memory_space<vmem>>[vector<16xi32>], vector<16xf32>,
    %broadcast_in_dim3A_57 = arith.constant 33 : i32
    %broadcast_in_dim3A_58 = vector.broadcast %broadcast_in_dim3A_57 : i32 to vector<16xi32>
    %gather3A_59 = tpu.vector_load_idx %arg12[%broadcast_in_dim3A_58] : memref<64xf32, #tpu.memory_space<vmem>>[vector<16xi32>], vector<16xf32>,
    %broadcast_in_dim3A_60 = arith.constant 34 : i32
    %broadcast_in_dim3A_61 = vector.broadcast %broadcast_in_dim3A_60 : i32 to vector<16xi32>
    %gather3A_62 = tpu.vector_load_idx %arg12[%broadcast_in_dim3A_61] : memref<64xf32, #tpu.memory_space<vmem>>[vector<16xi32>], vector<16xf32>,
    %broadcast_in_dim3A_63 = arith.constant 35 : i32
    %broadcast_in_dim3A_64 = vector.broadcast %broadcast_in_dim3A_63 : i32 to vector<16xi32>
    %gather3A_65 = tpu.vector_load_idx %arg12[%broadcast_in_dim3A_64] : memref<64xf32, #tpu.memory_space<vmem>>[vector<16xi32>], vector<16xf32>,
    %broadcast_in_dim3A_66 = arith.constant 36 : i32
    %broadcast_in_dim3A_67 = vector.broadcast %broadcast_in_dim3A_66 : i32 to vector<16xi32>
    %gather3A_68 = tpu.vector_load_idx %arg12[%broadcast_in_dim3A_67] : memref<64xf32, #tpu.memory_space<vmem>>[vector<16xi32>], vector<16xf32>,
    %broadcast_in_dim3A_69 = arith.constant 37 : i32
    %broadcast_in_dim3A_70 = vector.broadcast %broadcast_in_dim3A_69 : i32 to vector<16xi32>
    %gather3A_71 = tpu.vector_load_idx %arg12[%broadcast_in_dim3A_70] : memref<64xf32, #tpu.memory_space<vmem>>[vector<16xi32>], vector<16xf32>,
    %broadcast_in_dim3A_72 = arith.constant 38 : i32
    %broadcast_in_dim3A_73 = vector.broadcast %broadcast_in_dim3A_72 : i32 to vector<16xi32>
    %gather3A_74 = tpu.vector_load_idx %arg12[%broadcast_in_dim3A_73] : memref<64xf32, #tpu.memory_space<vmem>>[vector<16xi32>], vector<16xf32>,
    %broadcast_in_dim3A_75 = arith.constant 39 : i32
    %broadcast_in_dim3A_76 = vector.broadcast %broadcast_in_dim3A_75 : i32 to vector<16xi32>
    %gather3A_77 = tpu.vector_load_idx %arg12[%broadcast_in_dim3A_76] : memref<64xf32, #tpu.memory_space<vmem>>[vector<16xi32>], vector<16xf32>,
    %broadcast_in_dim3A_78 = arith.constant 40 : i32
    %broadcast_in_dim3A_79 = vector.broadcast %broadcast_in_dim3A_78 : i32 to vector<16xi32>
    %gather3A_80 = tpu.vector_load_idx %arg12[%broadcast_in_dim3A_79] : memref<64xf32, #tpu.memory_space<vmem>>[vector<16xi32>], vector<16xf32>,
    %broadcast_in_dim3A_81 = arith.constant 41 : i32
    %broadcast_in_dim3A_82 = vector.broadcast %broadcast_in_dim3A_81 : i32 to vector<16xi32>
    %gather3A_83 = tpu.vector_load_idx %arg12[%broadcast_in_dim3A_82] : memref<64xf32, #tpu.memory_space<vmem>>[vector<16xi32>], vector<16xf32>,
    %broadcast_in_dim3A_84 = arith.constant 42 : i32
    %broadcast_in_dim3A_85 = vector.broadcast %broadcast_in_dim3A_84 : i32 to vector<16xi32>
    %gather3A_86 = tpu.vector_load_idx %arg12[%broadcast_in_dim3A_85] : memref<64xf32, #tpu.memory_space<vmem>>[vector<16xi32>], vector<16xf32>,
    %broadcast_in_dim3A_87 = arith.constant 43 : i32
    %broadcast_in_dim3A_88 = vector.broadcast %broadcast_in_dim3A_87 : i32 to vector<16xi32>
    %gather3A_89 = tpu.vector_load_idx %arg12[%broadcast_in_dim3A_88] : memref<64xf32, #tpu.memory_space<vmem>>[vector<16xi32>], vector<16xf32>,
    %broadcast_in_dim3A_90 = arith.constant 44 : i32
    %broadcast_in_dim3A_91 = vector.broadcast %broadcast_in_dim3A_90 : i32 to vector<16xi32>
    %gather3A_92 = tpu.vector_load_idx %arg12[%broadcast_in_dim3A_91] : memref<64xf32, #tpu.memory_space<vmem>>[vector<16xi32>], vector<16xf32>,
    %broadcast_in_dim3A_93 = arith.constant 45 : i32
    %broadcast_in_dim3A_94 = vector.broadcast %broadcast_in_dim3A_93 : i32 to vector<16xi32>
    %gather3A_95 = tpu.vector_load_idx %arg12[%broadcast_in_dim3A_94] : memref<64xf32, #tpu.memory_space<vmem>>[vector<16xi32>], vector<16xf32>,
    %broadcast_in_dim3A_96 = arith.constant 46 : i32
    %broadcast_in_dim3A_97 = vector.broadcast %broadcast_in_dim3A_96 : i32 to vector<16xi32>
    %gather3A_98 = tpu.vector_load_idx %arg12[%broadcast_in_dim3A_97] : memref<64xf32, #tpu.memory_space<vmem>>[vector<16xi32>], vector<16xf32>,
    %broadcast_in_dim3A_99 = arith.constant 47 : i32
    %broadcast_in_dim3A_100 = vector.broadcast %broadcast_in_dim3A_99 : i32 to vector<16xi32>
    %gather3A_101 = tpu.vector_load_idx %arg12[%broadcast_in_dim3A_100] : memref<64xf32, #tpu.memory_space<vmem>>[vector<16xi32>], vector<16xf32>,
    %broadcast_in_dim3A_102 = arith.constant 48 : i32
    %broadcast_in_dim3A_103 = vector.broadcast %broadcast_in_dim3A_102 : i32 to vector<16xi32>
    %gather3A_104 = tpu.vector_load_idx %arg12[%broadcast_in_dim3A_103] : memref<64xf32, #tpu.memory_space<vmem>>[vector<16xi32>], vector<16xf32>,
    %broadcast_in_dim3A_105 = arith.constant 49 : i32
    %broadcast_in_dim3A_106 = vector.broadcast %broadcast_in_dim3A_105 : i32 to vector<16xi32>
    %gather3A_107 = tpu.vector_load_idx %arg12[%broadcast_in_dim3A_106] : memref<64xf32, #tpu.memory_space<vmem>>[vector<16xi32>], vector<16xf32>,
    %scan3A_108 = arith.constant 0 : i32
    %scan3A_109 = arith.constant 0 : i32
    %scan3A_110 = arith.constant 100 : i32
    %scan3A_111 = arith.addi %scan3A_109, %scan3A_110 : i32
    %scan3A_112 = arith.constant 1 : i32
    scf.for %scan3A_116 = %scan3A_109 to %scan3A_111 step %scan3A_112  : i32 {
      %mul3A_117 = arith.constant 144 : i32
      %mul3A_118 = arith.muli %scan3A_116, %mul3A_117 : i32
      %mul3A_119 = arith.constant 9 : i32
      %mul3A_120 = vector.broadcast %mul3A_119 : i32 to vector<16xi32>
      %mul3A_121 = arith.muli %iota3A, %mul3A_120 : vector<16xi32>
      %add3A_122 = vector.broadcast %mul3A_118 : i32 to vector<16xi32>
      %add3A_123 = arith.addi %add3A_122, %mul3A_121 : vector<16xi32>
      %add3A_124 = arith.constant 0 : i32
      %add3A_125 = vector.broadcast %add3A_124 : i32 to vector<16xi32>
      %add3A_126 = arith.addi %add3A_123, %add3A_125 : vector<16xi32>
      %gather3A_127 = tpu.vector_load_idx %arg19[%add3A_126] : memref<14400xf32, #tpu.memory_space<vmem>>[vector<16xi32>], vector<16xf32>,
      %mul3A_128 = arith.constant 9 : i32
      %mul3A_129 = vector.broadcast %mul3A_128 : i32 to vector<16xi32>
      %mul3A_130 = arith.muli %iota3A, %mul3A_129 : vector<16xi32>
      %add3A_131 = vector.broadcast %mul3A_118 : i32 to vector<16xi32>
      %add3A_132 = arith.addi %add3A_131, %mul3A_130 : vector<16xi32>
      %add3A_133 = arith.constant 1 : i32
      %add3A_134 = vector.broadcast %add3A_133 : i32 to vector<16xi32>
      %add3A_135 = arith.addi %add3A_132, %add3A_134 : vector<16xi32>
      %gather3A_136 = tpu.vector_load_idx %arg19[%add3A_135] : memref<14400xf32, #tpu.memory_space<vmem>>[vector<16xi32>], vector<16xf32>,
      %mul3A_137 = arith.constant 9 : i32
      %mul3A_138 = vector.broadcast %mul3A_137 : i32 to vector<16xi32>
      %mul3A_139 = arith.muli %iota3A, %mul3A_138 : vector<16xi32>
      %add3A_140 = vector.broadcast %mul3A_118 : i32 to vector<16xi32>
      %add3A_141 = arith.addi %add3A_140, %mul3A_139 : vector<16xi32>
      %add3A_142 = arith.constant 2 : i32
      %add3A_143 = vector.broadcast %add3A_142 : i32 to vector<16xi32>
      %add3A_144 = arith.addi %add3A_141, %add3A_143 : vector<16xi32>
      %gather3A_145 = tpu.vector_load_idx %arg19[%add3A_144] : memref<14400xf32, #tpu.memory_space<vmem>>[vector<16xi32>], vector<16xf32>,
      %mul3A_146 = arith.constant 9 : i32
      %mul3A_147 = vector.broadcast %mul3A_146 : i32 to vector<16xi32>
      %mul3A_148 = arith.muli %iota3A, %mul3A_147 : vector<16xi32>
      %add3A_149 = vector.broadcast %mul3A_118 : i32 to vector<16xi32>
      %add3A_150 = arith.addi %add3A_149, %mul3A_148 : vector<16xi32>
      %add3A_151 = arith.constant 3 : i32
      %add3A_152 = vector.broadcast %add3A_151 : i32 to vector<16xi32>
      %add3A_153 = arith.addi %add3A_150, %add3A_152 : vector<16xi32>
      %gather3A_154 = tpu.vector_load_idx %arg19[%add3A_153] : memref<14400xf32, #tpu.memory_space<vmem>>[vector<16xi32>], vector<16xf32>,
      %mul3A_155 = arith.constant 9 : i32
      %mul3A_156 = vector.broadcast %mul3A_155 : i32 to vector<16xi32>
      %mul3A_157 = arith.muli %iota3A, %mul3A_156 : vector<16xi32>
      %add3A_158 = vector.broadcast %mul3A_118 : i32 to vector<16xi32>
      %add3A_159 = arith.addi %add3A_158, %mul3A_157 : vector<16xi32>
      %add3A_160 = arith.constant 4 : i32
      %add3A_161 = vector.broadcast %add3A_160 : i32 to vector<16xi32>
      %add3A_162 = arith.addi %add3A_159, %add3A_161 : vector<16xi32>
      %gather3A_163 = tpu.vector_load_idx %arg19[%add3A_162] : memref<14400xf32, #tpu.memory_space<vmem>>[vector<16xi32>], vector<16xf32>,
      %mul3A_164 = arith.constant 9 : i32
      %mul3A_165 = vector.broadcast %mul3A_164 : i32 to vector<16xi32>
      %mul3A_166 = arith.muli %iota3A, %mul3A_165 : vector<16xi32>
      %add3A_167 = vector.broadcast %mul3A_118 : i32 to vector<16xi32>
      %add3A_168 = arith.addi %add3A_167, %mul3A_166 : vector<16xi32>
      %add3A_169 = arith.constant 5 : i32
      %add3A_170 = vector.broadcast %add3A_169 : i32 to vector<16xi32>
      %add3A_171 = arith.addi %add3A_168, %add3A_170 : vector<16xi32>
      %gather3A_172 = tpu.vector_load_idx %arg19[%add3A_171] : memref<14400xf32, #tpu.memory_space<vmem>>[vector<16xi32>], vector<16xf32>,
      %mul3A_173 = arith.constant 9 : i32
      %mul3A_174 = vector.broadcast %mul3A_173 : i32 to vector<16xi32>
      %mul3A_175 = arith.muli %iota3A, %mul3A_174 : vector<16xi32>
      %add3A_176 = vector.broadcast %mul3A_118 : i32 to vector<16xi32>
      %add3A_177 = arith.addi %add3A_176, %mul3A_175 : vector<16xi32>
      %add3A_178 = arith.constant 6 : i32
      %add3A_179 = vector.broadcast %add3A_178 : i32 to vector<16xi32>
      %add3A_180 = arith.addi %add3A_177, %add3A_179 : vector<16xi32>
      %gather3A_181 = tpu.vector_load_idx %arg19[%add3A_180] : memref<14400xf32, #tpu.memory_space<vmem>>[vector<16xi32>], vector<16xf32>,
      %mul3A_182 = arith.constant 9 : i32
      %mul3A_183 = vector.broadcast %mul3A_182 : i32 to vector<16xi32>
      %mul3A_184 = arith.muli %iota3A, %mul3A_183 : vector<16xi32>
      %add3A_185 = vector.broadcast %mul3A_118 : i32 to vector<16xi32>
      %add3A_186 = arith.addi %add3A_185, %mul3A_184 : vector<16xi32>
      %add3A_187 = arith.constant 7 : i32
      %add3A_188 = vector.broadcast %add3A_187 : i32 to vector<16xi32>
      %add3A_189 = arith.addi %add3A_186, %add3A_188 : vector<16xi32>
      %gather3A_190 = tpu.vector_load_idx %arg19[%add3A_189] : memref<14400xf32, #tpu.memory_space<vmem>>[vector<16xi32>], vector<16xf32>,
      %mul3A_191 = arith.mulf %gather3A, %gather3A_127 : vector<16xf32>
      %mul3A_192 = arith.mulf %gather3A_26, %gather3A_136 : vector<16xf32>
      %add3A_193 = arith.addf %mul3A_191, %mul3A_192 : vector<16xf32>
      %mul3A_194 = arith.mulf %add3A_193, %add3A_193 : vector<16xf32>
      %mul3A_195 = arith.mulf %gather3A_38, %gather3A_145 : vector<16xf32>
      %mul3A_196 = arith.mulf %gather3A_50, %gather3A_154 : vector<16xf32>
      %add3A_197 = arith.addf %mul3A_195, %mul3A_196 : vector<16xf32>
      %mul3A_198 = arith.mulf %add3A_197, %add3A_197 : vector<16xf32>
      %add3A_199 = arith.addf %mul3A_194, %mul3A_198 : vector<16xf32>
      %mul3A_200 = arith.mulf %gather3A_62, %gather3A_163 : vector<16xf32>
      %mul3A_201 = arith.mulf %gather3A_74, %gather3A_172 : vector<16xf32>
      %add3A_202 = arith.addf %mul3A_200, %mul3A_201 : vector<16xf32>
      %mul3A_203 = arith.mulf %add3A_202, %add3A_202 : vector<16xf32>
      %add3A_204 = arith.addf %add3A_199, %mul3A_203 : vector<16xf32>
      %mul3A_205 = arith.mulf %gather3A_86, %gather3A_181 : vector<16xf32>
      %mul3A_206 = arith.mulf %gather3A_98, %gather3A_190 : vector<16xf32>
      %add3A_207 = arith.addf %mul3A_205, %mul3A_206 : vector<16xf32>
      %mul3A_208 = arith.mulf %add3A_207, %add3A_207 : vector<16xf32>
      %add3A_209 = arith.addf %add3A_204, %mul3A_208 : vector<16xf32>
      %mul3A_210 = arith.constant 64 : i32
      %mul3A_211 = arith.muli %scan3A_116, %mul3A_210 : i32
      %mul3A_212 = arith.constant 4 : i32
      %mul3A_213 = vector.broadcast %mul3A_212 : i32 to vector<16xi32>
      %mul3A_214 = arith.muli %iota3A, %mul3A_213 : vector<16xi32>
      %add3A_215 = vector.broadcast %mul3A_211 : i32 to vector<16xi32>
      %add3A_216 = arith.addi %add3A_215, %mul3A_214 : vector<16xi32>
      %add3A_217 = arith.constant 0 : i32
      %add3A_218 = vector.broadcast %add3A_217 : i32 to vector<16xi32>
      %add3A_219 = arith.addi %add3A_216, %add3A_218 : vector<16xi32>
      tpu.vector_store_idx %arg20[%add3A_219], %add3A_209 : memref<6400xf32, #tpu.memory_space<vmem>>[vector<16xi32>], vector<16xf32>,
      %mul3A_220 = arith.mulf %gather3A_17, %gather3A_127 : vector<16xf32>
      %mul3A_221 = arith.mulf %gather3A_29, %gather3A_136 : vector<16xf32>
      %add3A_222 = arith.addf %mul3A_220, %mul3A_221 : vector<16xf32>
      %mul3A_223 = arith.mulf %add3A_222, %add3A_222 : vector<16xf32>
      %mul3A_224 = arith.mulf %gather3A_41, %gather3A_145 : vector<16xf32>
      %mul3A_225 = arith.mulf %gather3A_53, %gather3A_154 : vector<16xf32>
      %add3A_226 = arith.addf %mul3A_224, %mul3A_225 : vector<16xf32>
      %mul3A_227 = arith.mulf %add3A_226, %add3A_226 : vector<16xf32>
      %add3A_228 = arith.addf %mul3A_223, %mul3A_227 : vector<16xf32>
      %mul3A_229 = arith.mulf %gather3A_65, %gather3A_163 : vector<16xf32>
      %mul3A_230 = arith.mulf %gather3A_77, %gather3A_172 : vector<16xf32>
      %add3A_231 = arith.addf %mul3A_229, %mul3A_230 : vector<16xf32>
      %mul3A_232 = arith.mulf %add3A_231, %add3A_231 : vector<16xf32>
      %add3A_233 = arith.addf %add3A_228, %mul3A_232 : vector<16xf32>
      %mul3A_234 = arith.mulf %gather3A_89, %gather3A_181 : vector<16xf32>
      %mul3A_235 = arith.mulf %gather3A_101, %gather3A_190 : vector<16xf32>
      %add3A_236 = arith.addf %mul3A_234, %mul3A_235 : vector<16xf32>
      %mul3A_237 = arith.mulf %add3A_236, %add3A_236 : vector<16xf32>
      %add3A_238 = arith.addf %add3A_233, %mul3A_237 : vector<16xf32>
      %mul3A_239 = arith.constant 64 : i32
      %mul3A_240 = arith.muli %scan3A_116, %mul3A_239 : i32
      %mul3A_241 = arith.constant 4 : i32
      %mul3A_242 = vector.broadcast %mul3A_241 : i32 to vector<16xi32>
      %mul3A_243 = arith.muli %iota3A, %mul3A_242 : vector<16xi32>
      %add3A_244 = vector.broadcast %mul3A_240 : i32 to vector<16xi32>
      %add3A_245 = arith.addi %add3A_244, %mul3A_243 : vector<16xi32>
      %add3A_246 = arith.constant 1 : i32
      %add3A_247 = vector.broadcast %add3A_246 : i32 to vector<16xi32>
      %add3A_248 = arith.addi %add3A_245, %add3A_247 : vector<16xi32>
      tpu.vector_store_idx %arg20[%add3A_248], %add3A_238 : memref<6400xf32, #tpu.memory_space<vmem>>[vector<16xi32>], vector<16xf32>,
      %mul3A_249 = arith.mulf %gather3A_20, %gather3A_127 : vector<16xf32>
      %mul3A_250 = arith.mulf %gather3A_32, %gather3A_136 : vector<16xf32>
      %add3A_251 = arith.addf %mul3A_249, %mul3A_250 : vector<16xf32>
      %mul3A_252 = arith.mulf %add3A_251, %add3A_251 : vector<16xf32>
      %mul3A_253 = arith.mulf %gather3A_44, %gather3A_145 : vector<16xf32>
      %mul3A_254 = arith.mulf %gather3A_56, %gather3A_154 : vector<16xf32>
      %add3A_255 = arith.addf %mul3A_253, %mul3A_254 : vector<16xf32>
      %mul3A_256 = arith.mulf %add3A_255, %add3A_255 : vector<16xf32>
      %add3A_257 = arith.addf %mul3A_252, %mul3A_256 : vector<16xf32>
      %mul3A_258 = arith.mulf %gather3A_68, %gather3A_163 : vector<16xf32>
      %mul3A_259 = arith.mulf %gather3A_80, %gather3A_172 : vector<16xf32>
      %add3A_260 = arith.addf %mul3A_258, %mul3A_259 : vector<16xf32>
      %mul3A_261 = arith.mulf %add3A_260, %add3A_260 : vector<16xf32>
      %add3A_262 = arith.addf %add3A_257, %mul3A_261 : vector<16xf32>
      %mul3A_263 = arith.mulf %gather3A_92, %gather3A_181 : vector<16xf32>
      %mul3A_264 = arith.mulf %gather3A_104, %gather3A_190 : vector<16xf32>
      %add3A_265 = arith.addf %mul3A_263, %mul3A_264 : vector<16xf32>
      %mul3A_266 = arith.mulf %add3A_265, %add3A_265 : vector<16xf32>
      %add3A_267 = arith.addf %add3A_262, %mul3A_266 : vector<16xf32>
      %mul3A_268 = arith.constant 64 : i32
      %mul3A_269 = arith.muli %scan3A_116, %mul3A_268 : i32
      %mul3A_270 = arith.constant 4 : i32
      %mul3A_271 = vector.broadcast %mul3A_270 : i32 to vector<16xi32>
      %mul3A_272 = arith.muli %iota3A, %mul3A_271 : vector<16xi32>
      %add3A_273 = vector.broadcast %mul3A_269 : i32 to vector<16xi32>
      %add3A_274 = arith.addi %add3A_273, %mul3A_272 : vector<16xi32>
      %add3A_275 = arith.constant 2 : i32
      %add3A_276 = vector.broadcast %add3A_275 : i32 to vector<16xi32>
      %add3A_277 = arith.addi %add3A_274, %add3A_276 : vector<16xi32>
      tpu.vector_store_idx %arg20[%add3A_277], %add3A_267 : memref<6400xf32, #tpu.memory_space<vmem>>[vector<16xi32>], vector<16xf32>,
      %mul3A_278 = arith.mulf %gather3A_23, %gather3A_127 : vector<16xf32>
      %mul3A_279 = arith.mulf %gather3A_35, %gather3A_136 : vector<16xf32>
      %add3A_280 = arith.addf %mul3A_278, %mul3A_279 : vector<16xf32>
      %mul3A_281 = arith.mulf %add3A_280, %add3A_280 : vector<16xf32>
      %mul3A_282 = arith.mulf %gather3A_47, %gather3A_145 : vector<16xf32>
      %mul3A_283 = arith.mulf %gather3A_59, %gather3A_154 : vector<16xf32>
      %add3A_284 = arith.addf %mul3A_282, %mul3A_283 : vector<16xf32>
      %mul3A_285 = arith.mulf %add3A_284, %add3A_284 : vector<16xf32>
      %add3A_286 = arith.addf %mul3A_281, %mul3A_285 : vector<16xf32>
      %mul3A_287 = arith.mulf %gather3A_71, %gather3A_163 : vector<16xf32>
      %mul3A_288 = arith.mulf %gather3A_83, %gather3A_172 : vector<16xf32>
      %add3A_289 = arith.addf %mul3A_287, %mul3A_288 : vector<16xf32>
      %mul3A_290 = arith.mulf %add3A_289, %add3A_289 : vector<16xf32>
      %add3A_291 = arith.addf %add3A_286, %mul3A_290 : vector<16xf32>
      %mul3A_292 = arith.mulf %gather3A_95, %gather3A_181 : vector<16xf32>
      %mul3A_293 = arith.mulf %gather3A_107, %gather3A_190 : vector<16xf32>
      %add3A_294 = arith.addf %mul3A_292, %mul3A_293 : vector<16xf32>
      %mul3A_295 = arith.mulf %add3A_294, %add3A_294 : vector<16xf32>
      %add3A_296 = arith.addf %add3A_291, %mul3A_295 : vector<16xf32>
      %mul3A_297 = arith.constant 64 : i32
      %mul3A_298 = arith.muli %scan3A_116, %mul3A_297 : i32
      %mul3A_299 = arith.constant 4 : i32
      %mul3A_300 = vector.broadcast %mul3A_299 : i32 to vector<16xi32>
      %mul3A_301 = arith.muli %iota3A, %mul3A_300 : vector<16xi32>
      %add3A_302 = vector.broadcast %mul3A_298 : i32 to vector<16xi32>
      %add3A_303 = arith.addi %add3A_302, %mul3A_301 : vector<16xi32>
      %add3A_304 = arith.constant 3 : i32
      %add3A_305 = vector.broadcast %add3A_304 : i32 to vector<16xi32>
      %add3A_306 = arith.addi %add3A_303, %add3A_305 : vector<16xi32>
      tpu.vector_store_idx %arg20[%add3A_306], %add3A_296 : memref<6400xf32, #tpu.memory_space<vmem>>[vector<16xi32>], vector<16xf32>,
    }
    %scan3A_113 = arith.constant 100 : i32
    %mul3A_114 = arith.constant 6400 : i32
    %mul3A_115 = arith.muli %add3A, %mul3A_114 : i32
    %multiple_of3A = tpu.assume_multiple %mul3A_115, 8 : i32
    "tpu.region"() ({
      %run_scoped3A = tpu.sem_alloc : memref<!tpu.dma_semaphore, #tpu.memory_space<semaphore_mem>>
      %dma_start3A = tpu.memref_slice %arg10[%multiple_of3A] : memref<204800xf32, #tpu.memory_space<hbm>> -> memref<6400xf32, #tpu.memory_space<hbm>>
      %dma_start3A_116 = tpu.memref_slice %arg10[%multiple_of3A] : memref<204800xf32, #tpu.memory_space<hbm>> -> memref<6400xf32, #tpu.memory_space<hbm>>
      tpu.enqueue_dma source(%arg20 : memref<6400xf32, #tpu.memory_space<vmem>>) target(%dma_start3A_116 : memref<6400xf32, #tpu.memory_space<hbm>>) target_semaphore(%run_scoped3A : memref<!tpu.dma_semaphore, #tpu.memory_space<semaphore_mem>>)
      %dma_wait3A = tpu.memref_slice %arg10[%multiple_of3A] : memref<204800xf32, #tpu.memory_space<hbm>> -> memref<6400xf32, #tpu.memory_space<hbm>>
      %dma_wait3A_117 = tpu.memref_slice %arg10[%multiple_of3A] : memref<204800xf32, #tpu.memory_space<hbm>> -> memref<6400xf32, #tpu.memory_space<hbm>>
      tpu.wait_dma2 semaphore(%run_scoped3A : memref<!tpu.dma_semaphore, #tpu.memory_space<semaphore_mem>>) src(%arg20 : memref<6400xf32, #tpu.memory_space<vmem>>) dst(%dma_wait3A_117 : memref<6400xf32, #tpu.memory_space<hbm>>)
      tpu.yield
    }) : () -> ()
    return
  }
}

</mosaic_0001>

<sc_bundles>
// kernel: kernel.3.cloned.1.call-start
scs
__scs_entry_jumppad:
0x0: {  	(pc) =	sbr.rel $0x88, $3  }
0x1: {  	(tag) =	ssettag $0x0;
	lr =	simm.s32 $0x1  }
0x2: {  	[smem:$0x3F99] =	sst lr;
	_ =	strace $0xD0000000  }
0x3: {  	_ = 	snop  }
0x4: {  	_ = 	snop  }
0x5: {  	_ = 	snop  }
0x6: {  	_ = 	snop  }
0x7: {  	_ = 	snop  }
__scs_overlays_trampoline_lowered:
0x8: {  	[smem:$0x3FA8] =	sst s0  }
0x9: {  	[smem:$0x3FA9] =	sst s1  }
0xa: {  	[smem:$0x3FAA] =	sst s2  }
0xb: {  	[smem:$0x3FAB] =	sst s3  }
0xc: {  	[smem:$0x3FAC] =	sst s4  }
0xd: {  	[smem:$0x3FAD] =	sst s5  }
0xe: {  	[smem:$0x3FAE] =	sst s6  }
0xf: {  	[smem:$0x3FAF] =	sst s7  }
0x10: {  	[smem:$0x3FB0] =	sst s8  }
0x11: {  	[smem:$0x3FB1] =	sst s9;
	s0 =	simm.s32 @!p0 $0x0  }
0x12: {  	s1 =	sld [smem:$0x3F97];
	s0 =	simm.s32 @p0 $0x1  }
0x13: {  	[smem:$0x3FB2] =	sst s0;
	s0 =	simm.s32 @!p1 $0x0  }
0x14: {  	s2 =	sld [smem:$0x3F96];
	s0 =	simm.s32 @p1 $0x1  }
0x15: {  	[smem:$0x3FB3] =	sst s0;
	s0 =	simm.s32 @!p2 $0x0  }
0x16: {  	s3 =	sld [smem:$0x3FDB];
	s0 =	simm.s32 @p2 $0x1  }
0x17: {  	s4 =	simm.s32 $0x1BF5;
	[smem:$0x3FB5] =	sst s0  }
0x18: {  	s0 =	sld [smem:$0x3F98];
	_ =	swait.ge [sflag:s4], $0x0  }
0x19: {  	s7 =	sld [smem:$0x3F99]  }
0x1a: {  	s8 =	sadd.s32 $0xFFFFE003, lr  }
0x1b: {  	s9 =	sadd.s32 $0xFFFFFEF7, lr;
	s5 =	simm.s32 $0xFFFFFFFF;
	p2 =	slt.u32 s8, $0xFFFFF086  }
0x1c: {  	p1 =	slt.u32 s9, $0xF7A;
	s5 =	simm.s32 @!p2 $0x0  }
0x1d: {  	s5 =	simm.s32 @p1 $0x1;
	p0 =	seq.s32 s7, s2  }
0x1e: {  	s7 =	smul.u32 @!p0 $0xF7A, s2;
	p2 =	seq.s32 @!p0 s5, $0x0  }
0x1f: {  	s9 =	smul.u32 $0xF7A, s1;
	s8 =	simm.s32 @!p0 $0x1BF5;
	p2 =	por !p2, p0  }
0x20: {  	[sflag:s8] =	ssyncset.s32 @!p0 $0xFFFFF086;
	s6 =	sadd.s32 @!p0 s3, s7;
	s7 =	simm.s32 @!p0 $0x108  }
0x21: {  	s3 =	sadd.s32 s3, s9;
	s6 =	sadd.s32 @!p0 $0x88, s6;
	s7 =	simm.s32 @p2 $0x1082  }
0x22: {  	[simem:s7], [sflag:s8] =	dma.local @!p0 [hbm:s6], $0xF7A  }
0x23: {  	s9 =	sor.u32 $0xD0000000, s2;
	s6 =	simm.s32 $0x108;
	_ =	swait.ge @!p0 [sflag:s8], $0x0  }
0x24: {  	s3 =	sadd.s32 $0x88, s3;
	s6 =	simm.s32 @!p1 $0x1082;
	[sflag:s4] =	ssyncset.s32 $0xFFFFF086  }
0x25: {  	[simem:s6], [sflag:s4] =	dma.local [hbm:s3], $0xF7A  }
0x26: {  	[smem:$0x3F99] =	sst s1;
	(tag) =	ssettag s2;
	_ =	strace s9  }
0x27: {  	s1 =	sld [smem:$0x3FA9]  }
0x28: {  	s2 =	sld [smem:$0x3FAA]  }
0x29: {  	s4 =	sld [smem:$0x3FAC]  }
0x2a: {  	p0 =	seq.s32 s5, $0x0;
	s5 =	sld [smem:$0x3FAD]  }
0x2b: {  	s6 =	sld [smem:$0x3FAE]  }
0x2c: {  	s7 =	sld [smem:$0x3FAF]  }
0x2d: {  	s3 =	simm.s32 $0x108;
	s8 =	sld [smem:$0x3FB0]  }
0x2e: {  	s3 =	simm.s32 @!p0 $0x1082;
	s9 =	sld [smem:$0x3FB1]  }
0x2f: {  	lr =	sadd.s32 s0, s3;
	s0 =	sld [smem:$0x3FA8]  }
0x30: {  	s3 =	sld [smem:$0x3FAB]  }
0x31: {  	[smem:$0x3FB4] =	sst s10  }
0x32: {  	s10 =	sld [smem:$0x3FB2];
	_ =	sdelay $0x3  }
0x33: {  	p0 =	seq.s32 s10, $0x1;
	s10 =	sld [smem:$0x3FB4];
	_ =	sdelay $0x3  }
0x34: {  	[smem:$0x3FB4] =	sst s10  }
0x35: {  	s10 =	sld [smem:$0x3FB3];
	_ =	sdelay $0x3  }
0x36: {  	p1 =	seq.s32 s10, $0x1;
	s10 =	sld [smem:$0x3FB4];
	_ =	sdelay $0x3  }
0x37: {  	[smem:$0x3FB4] =	sst s10  }
0x38: {  	s10 =	sld [smem:$0x3FB5]  }
0x39: {  	_ = 	snop;
	(pc) =	sbr.ind lr, $3  }
0x3a: {  	_ = 	snop  }
0x3b: {  	_ = 	snop  }
0x3c: {  	p2 =	seq.s32 s10, $0x1;
	s10 =	sld [smem:$0x3FB4]  }
0x3d: {  	_ =	shalt  }
0x3e: {  	_ =	shalt  }
0x3f: {  	_ =	shalt  }
0x40: {  	_ =	shalt  }
0x41: {  	_ =	shalt  }
0x42: {  	_ =	shalt  }
0x43: {  	_ =	shalt  }
0x44: {  	_ =	shalt  }
0x45: {  	_ =	shalt  }
0x46: {  	_ =	shalt  }
0x47: {  	_ =	shalt  }
0x48: {  	_ =	shalt  }
0x49: {  	_ =	shalt  }
0x4a: {  	_ =	shalt  }
0x4b: {  	_ =	shalt  }
0x4c: {  	_ =	shalt  }
0x4d: {  	_ =	shalt  }
0x4e: {  	_ =	shalt  }
0x4f: {  	_ =	shalt  }
0x50: {  	_ =	shalt  }
0x51: {  	_ =	shalt  }
0x52: {  	_ =	shalt  }
0x53: {  	_ =	shalt  }
0x54: {  	_ =	shalt  }
0x55: {  	_ =	shalt  }
0x56: {  	_ =	shalt  }
0x57: {  	_ =	shalt  }
0x58: {  	_ =	shalt  }
0x59: {  	_ =	shalt  }
0x5a: {  	_ =	shalt  }
0x5b: {  	_ =	shalt  }
0x5c: {  	_ =	shalt  }
0x5d: {  	_ =	shalt  }
0x5e: {  	_ =	shalt  }
0x5f: {  	_ =	shalt  }
0x60: {  	_ =	shalt  }
0x61: {  	_ =	shalt  }
0x62: {  	_ =	shalt  }
0x63: {  	_ =	shalt  }
0x64: {  	_ =	shalt  }
0x65: {  	_ =	shalt  }
0x66: {  	_ =	shalt  }
0x67: {  	_ =	shalt  }
0x68: {  	_ =	shalt  }
0x69: {  	_ =	shalt  }
0x6a: {  	_ =	shalt  }
0x6b: {  	_ =	shalt  }
0x6c: {  	_ =	shalt  }
0x6d: {  	_ =	shalt  }
0x6e: {  	_ =	shalt  }
0x6f: {  	_ =	shalt  }
0x70: {  	_ =	shalt  }
0x71: {  	_ =	shalt  }
0x72: {  	_ =	shalt  }
0x73: {  	_ =	shalt  }
0x74: {  	_ =	shalt  }
0x75: {  	_ =	shalt  }
0x76: {  	_ =	shalt  }
0x77: {  	_ =	shalt  }
0x78: {  	_ =	shalt  }
0x79: {  	_ =	shalt  }
0x7a: {  	_ =	shalt  }
0x7b: {  	_ =	shalt  }
0x7c: {  	_ =	shalt  }
0x7d: {  	_ =	shalt  }
0x7e: {  	_ =	shalt  }
0x7f: {  	_ =	shalt  }
0x80: {  	_ =	shalt  }
0x81: {  	_ =	shalt  }
0x82: {  	_ =	shalt  }
0x83: {  	_ =	shalt  }
0x84: {  	_ =	shalt  }
0x85: {  	_ =	shalt  }
0x86: {  	_ =	shalt  }
0x87: {  	_ =	shalt  }
.Lfunc_end0:
.L_simem_size_0:
called_computation.1_lowered:
.L_overlay_start_0:
0x88: {  	s2 =	sld [smem:$0x3FD9]  }
0x89: {  	s3 =	sld [smem:$0x3FFE];
	_ =	sdelay $0x1  }
0x8a: {  	s1 =	srdreg.scid  }
0x8b: {  	s0 =	sand.u32 $0x1, s1  }
0x8c: {  	s17 =	sshll.u32 s0, $0xA;
	s2 =	sadd.s32 s3, s2  }
0x8d: {  	s2 =	sadd.s32 s2, s17  }
0x8e: {  	[smem:$0x3FC0] =	sst s2  }
0x8f: {  	_ = 	snop  }
0x90: {  	s2 =	sld [smem:$0x3FC8]  }
0x91: {  	s18 =	sld [smem:$0x3FC7]  }
0x92: {  	s4 =	sld [smem:$0x3FC6]  }
0x93: {  	s5 =	sld [smem:$0x3FD0];
	(tm) =	ssettm $0x1  }
0x94: {  	s6 =	sld [smem:$0x3FFB];
	_ =	sdelay $0x3  }
0x95: {  	_ =	strace s6  }
0x96: {  	s6 =	sld [smem:$0x3FFC];
	_ =	sdelay $0x3  }
0x97: {  	_ =	strace s6  }
0x98: {  	s6 =	sld [smem:$0x3FFD];
	_ =	sdelay $0x3  }
0x99: {  	_ =	strace s6  }
0x9a: {  	_ =	strace $0x8FFFFFFF  }
0x9b: {  	s19 =	sld [smem:$0x3FDB];
	_ =	sdelay $0x1  }
0x9c: {  	s7 =	simm.s32 $_scs_section_size  }
0x9d: {  	s8 =	simm.s32 $_size__tile_overlayer_lowered;
	s9 =	simm.s32 $_tile_overlayer_lowered  }
0x9e: {  	s22 =	simm.s32 $0x1BFF;
	s21 =	sshll.u32 s9, $0x1;
	s6 =	sadd.s32 s7, s19  }
0x9f: {  	s10 =	simm.s32 $0x0;
	s20 =	sshll.u32 s8, $0x1;
	s8 =	sadd.s32 s21, s6  }
0xa0: {  	[timem:s10], [sflag:s22] =	dma.local [hbm:s8], s20  }
0xa1: {  	_ =	swait.ge [sflag:s22], s20  }
0xa2: {  	s7 =	ssub.s32 $0x0, s20;
	[sflag:s22] =	ssyncset.done $0x0  }
0xa3: {  	[sflag:s22] =	ssyncadd.s32 s7;
	_ =	sdelay $0x1  }
0xa4: {  	s23 =	simm.s32 $0x1B8B  }
0xa5: {  	_ =	swait.ge [sflag:s23], $0x1  }
0xa6: {  	[sflag:s23] =	ssyncset.done $0x0  }
0xa7: {  	s25 =	simm.s32 $0x1B8E;
	s24 =	sld [smem:$0x3FFE];
	[sflag:s23] =	ssyncadd.s32 $0xFFFFFFFF  }
0xa8: {  	s26 =	simm.s32 $execute0_lowered;
	[smem:$0x3FD2] =	sst s25  }
0xa9: {  	s8 =	sshll.u32 s26, $0x1;
	_ =	strace $0x80000049;
	[dreg:$0x1] =	wrdreg $0xFFFFFFFF  }
0xaa: {  	s28 =	simm.s32 $_size_execute0_lowered;
	s6 =	sadd.s32 s6, s8;
	[dreg:$0x0] =	wrdreg $0x0  }
0xab: {  	s8 =	sshll.u32 s28, $0x1;
	[dreg:$0x2] =	wrdreg s6  }
0xac: {  	[dreg:$0x3] =	wrdreg s8  }
0xad: {  	[dreg:$0x4] =	wrdreg $0xC0  }
0xae: {  	_ =	task [dreg:s10], $0x5FFFF  }
0xaf: {  	[dreg:$0x1] =	wrdreg $0xFFFFFFFF  }
0xb0: {  	[dreg:$0x0] =	wrdreg $0x60  }
0xb1: {  	[dreg:$0x2] =	wrdreg s24  }
0xb2: {  	[dreg:$0x3] =	wrdreg s2  }
0xb3: {  	[dreg:$0x4] =	wrdreg s18  }
0xb4: {  	[dreg:$0x5] =	wrdreg s4  }
0xb5: {  	[dreg:$0x6] =	wrdreg s5  }
0xb6: {  	[dreg:$0x7] =	wrdreg $0x9  }
0xb7: {  	_ =	task.clear_ibuf [dreg:s10], $0x8FFFF;
	_ =	strace $0x90000049  }
0xb8: {  	s29 =	simm.s32 $0x9;
	_ =	strace $0x8000004B  }
0xb9: {  	_ =	swait.ge [sflag:s29], $0x1  }
0xba: {  	[sflag:s29] =	ssyncadd.s32 $0xFFFFFFFF  }
0xbb: {  	_ =	strace $0x9000004B  }
0xbc: {  	_ =	sfence  }
0xbd: {  	s30 =	sld [smem:$0x0];
	_ =	sdelay $0x2  }
0xbe: {  	s31 =	sshll.u32 s1, $0xD;
	s1 =	sshrl.u32 s1, $0x2  }
0xbf: {  	s3 =	sand.u32 $0x4000, s31;
	s1 =	sadd.s32 s1, s30  }
0xc0: {  	s0 =	sor.u32 s3, s0;
	s1 =	sshll.u32 s1, $0x11  }
0xc1: {  	s0 =	sor.u32 s1, s0  }
0xc2: {  	s0 =	sadd.s32 $0x8F2B, s0  }
0xc3: {  	[sflag:s0] =	ssyncadd.remote.s32 $0x1  }
0xc4: {  	_ =	sfence.sel $0xFFFF  }
0xc5: {  	[dreg:$0x0] =	wrdreg $0xFFFFFFFF;
	(pc) =	sbr.abs _section_cstart, $3  }
0xc6: {  	[dreg:$0x1] =	wrdreg $0xFFFFFFFF  }
0xc7: {  	_ =	task.clear_ibuf [dreg:s10], $0x2FFFF;
	_ =	strace $0x9FFFFFFF  }
0xc8: {  	(tm) =	ssettm $0x7FFFFFFF  }
0xc9: {  	_ =	shalt  }
tec
execute0_lowered:
.L_overlay_start_1:
0x0: {  	(tag) =	ssettag $0x1  }
0x1: {  	s1 =	srdreg.scid;
	s0 =	stileid.u32  }
0x2: {  	s3 =	rddreg [dreg:$0x2];
	s7 =	simm.s32 $0x0;
	s14 =	simm.s32 $0x1  }
0x3: {  	s15 =	simm.s32 $0xC380;
	s16 =	simm.s32 $0xC400;
	s17 =	simm.s32 $0xF680  }
0x4: {  	s18 =	simm.s32 $0x10080;
	s19 =	simm.s32 $0x10A80;
	s20 =	simm.s32 $0x11480  }
0x5: {  	s21 =	simm.s32 $0x11E80;
	s22 =	simm.s32 $0x12880;
	s23 =	simm.s32 $0x16100  }
0x6: {  	s5 =	sand.u32 $0x1, s1;
	s2 =	sshll.u32 s0, $0x1;
	s1 =	rddreg [dreg:$0x0]  }
0x7: {  	s24 =	simm.s32 $0x0;
	[smem:$0x7FF] =	sst s7;
	s11 =	sor.u32 s5, s2  }
0x8: {  	s2 =	rddreg [dreg:$0x1];
	s8 =	sadd.s32 $0x93200, s1;
	s6 =	smul.u32 $0x640, s11  }
0x9: {  	s9 =	sadd.s32 $0x62400, s1;
	s5 =	ssub.s32 $0x2, s5;
	s12 =	smul.u32 $0x320, s11  }
0xa: {  	s10 =	sadd.s32 $0x31600, s1;
	s13 =	sshrl.u32 s5, $0x1;
	s11 =	smul.u32 $0x190, s11  }
0xb: {  	s5 =	ssub.s32 s5, s13;
	v0 =	vmov s6;
	s6 =	rddreg [dreg:$0x4];
	s12 =	sadd.s32 s12, s1  }
0xc: {  	v1 =	vimm.f32 $0.0e+00;
	v16 =	vlaneseq.u32;
	_ =	strace $0x8000004A;
	s13 =	smax.u32 s5, $0x1;
	s12 =	sadd.s32 $0x200, s12  }
.LBB2_1:
0xd: {  	s0 =	rddreg [dreg:$0x3]  }
0xe: {  	[tilespmem:s7], [sflag:$0x1] =	stream.linear.gather [hbm4b:s0+s7], $0xC380, $0x38;
	[tilespmem:$0x17A00] =	vst v63  }
0xf: {  	_ =	swait.ge [sflag:s14], $0xC380  }
0x10: {  	[sflag:s14] =	ssyncset.done $0x0  }
0x11: {  	[sflag:s14] =	ssyncadd.s32 $0xFFFF3C80  }
0x12: {  	[tilespmem:s15], [sflag:$0x1] =	stream.linear.gather [hbm4b:s1+s7], $0x80, $0x38;
	[tilespmem:$0x17A00] =	vst v63  }
0x13: {  	_ =	swait.ge [sflag:s14], $0x80  }
0x14: {  	[sflag:s14] =	ssyncset.done $0x0  }
0x15: {  	[sflag:s14] =	ssyncadd.s32 $0xFFFFFF80  }
0x16: {  	[tilespmem:s16], [sflag:$0x1] =	stream.linear.gather [hbm4b:s6+s7], $0x3280, $0x38;
	[tilespmem:$0x17A00] =	vst v63  }
0x17: {  	_ =	swait.ge [sflag:s14], $0x3280  }
0x18: {  	[sflag:s14] =	ssyncset.done $0x0  }
0x19: {  	s25 =	simm.s32 $0x40;
	s5 =	simm.s32 $0x0;
	[sflag:s14] =	ssyncadd.s32 $0xFFFFCD80  }
.LBB2_2:
0x1a: {  	p0 =	sne.s32 s25, $0xE0C0;
	[tilespmem:s5+$0x12880] =	vst v1;
	s5 =	smov.u32 s25;
	s25 =	sadd.s32 $0x40, s25  }
.Ltmp0:
0x1b: {  	(pc) =	sbr.rel @p0 .LBB2_2-.Ltmp0, $2  }
0x1c: {  	_ =	sdelay $0x2  }
0x1d: {  	s5 =	sshra.s32 s5, $0x2  }
.Ltmp1:
0x1e: {  	(pc) =	sbr.rel .LBB2_4-.Ltmp1, $2  }
0x1f: {  	_ =	sdelay $0x2  }
0x20: {  	[tilespmem:s5+$0x12880] =	vst v1;
	s25 =	simm.s32 $0x0  }
.LBB2_12:
0x21: {  	s25 =	sadd.s32 $0x1, s25  }
0x22: {  	p0 =	sne.s32 s25, $0x19  }
.Ltmp2:
0x23: {  	_ = 	snop;
	(pc) =	sbr.rel @!p0 .LBB2_13-.Ltmp2, $1  }
0x24: {  	_ =	sdelay $0x3  }
.LBB2_4:
0x25: {  	s5 =	sshll.u32 s25, $0x4  }
0x26: {  	s5 =	sadd.s32 s11, s5  }
0x27: {  	v1 =	vor.u32 s5, v16;
	s5 =	sor.u32 $0x1, s5  }
0x28: {  	v2 =	vadd.s32 s5, v16;
	_ =	sdelay $0x3  }
0x29: {  	v35 =	vld.idx.msk [tilespmem:v1+s16+$0x0], $0xffff  }
0x2a: {  	v36 =	vld.idx.msk [tilespmem:v2+s16+$0x0], $0xffff;
	_ =	sdelay $0x3  }
0x2b: {  	v1 =	vxor.u32 $0x80000000, v35  }
0x2c: {  	(xrf0) =	vmin.scan.msk.u32 $0xffff, v1;
	v1 =	vxor.u32 $0x80000000, v36  }
0x2d: {  	(xrf0) =	vmax.scan.msk.u32 $0xffff, v1;
	_ =	sdelay $0x4  }
0x2e: {  	v1, _, _ =	vpop (xrf0)  }
0x2f: {  	(v2sf) =	vpush v1, $0xF;
	v1, _, _ =	vpop (xrf0)  }
0x30: {  	(v2sf) =	vpush v1, $0xF;
	_ =	sdelay $0xd  }
0x31: {  	s31 =	spop (v2sf)  }
0x32: {  	s26 =	spop (v2sf);
	s5 =	sand.u32 $0xFFFFFFF8, s31  }
0x33: {  	s28 =	sxor.u32 $0x80000000, s26;
	s26 =	sxor.u32 $0x80000000, s5  }
0x34: {  	s5 =	ssub.s32 s28, s26  }
0x35: {  	s28 =	sadd.s32 $0x9FF, s5  }
0x36: {  	s29 =	smulhi.u32 $0x66666667, s28;
	s30 =	sshra.s32 s28, $0x1F  }
0x37: {  	s30 =	smul.u32 $0x66666667, s30;
	_ =	sdelay $0x1  }
0x38: {  	s29 =	sadd.s32 s30, s29  }
0x39: {  	s30 =	sshrl.u32 s29, $0x1F;
	s29 =	sshra.s32 s29, $0xA  }
0x3a: {  	s29 =	sadd.s32 s30, s29  }
0x3b: {  	s30 =	smul.u32 $0xFFFFF600, s29  }
0x3c: {  	s5 =	ssub.s32 $0xFFFFF601, s5  }
0x3d: {  	p0 =	slt.s32 s28, $0x1;
	p1 =	sne.s32 s30, s5  }
0x3e: {  	p0 =	por !p0, !p1  }
0x3f: {  	s5 =	simm.s32 $0x1;
	p0 =	por !p0, !p0  }
0x40: {  	s5 =	simm.s32 @!p0 $0x0  }
0x41: {  	s28 =	ssub.s32 s29, s5  }
0x42: {  	p0 =	slt.s32 s28, $0x1  }
.Ltmp3:
0x43: {  	_ = 	snop;
	(pc) =	sbr.rel @!p0 .LBB2_5-.Ltmp3, $4  }
.Ltmp4:
0x44: {  	_ = 	snop;
	(pc) =	sbr.rel @p0 .LBB2_12-.Ltmp4, $4  }
0x45: {  	_ = 	snop  }
0x46: {  	_ = 	snop  }
0x47: {  	s29 =	simm.s32 $0x0  }
0x48: {  	_ = 	snop  }
.LBB2_7:
0x49: {  	_ = 	snop  }
.LBB2_10:
0x4a: {  	_ =	sdelay $0x4  }
0x4b: {  	[tilespmem:v8+s22+$0x0] =	vst.idx.add.f32.msk @p0 vm1, v11;
	v4 =	vadd.s32 @p0 $0x7, v5  }
0x4c: {  	[tilespmem:v10+s22+$0x0] =	vst.idx.add.f32.msk @p0 vm1, v13  }
0x4d: {  	v5 =	vmul.f32 @p0 v9, v40;
	[tilespmem:v7+s22+$0x0] =	vst.idx.add.f32.msk @p0 vm1, v12  }
0x4e: {  	v2 =	vmul.f32 @p0 v2, v40;
	[tilespmem:v6+s22+$0x0] =	vst.idx.add.f32.msk @p0 vm1, v1  }
0x4f: {  	[tilespmem:v3+s22+$0x0] =	vst.idx.add.f32.msk @p0 vm1, v5  }
0x50: {  	[tilespmem:v4+s22+$0x0] =	vst.idx.add.f32.msk @p0 vm1, v2  }
0x51: {  	v1 =	vld.idx.msk [tilespmem:v39+s17+$0x0], $0xffff  }
0x52: {  	v2 =	vld.idx.msk [tilespmem:v39+s18+$0x0], $0xffff;
	_ =	sdelay $0x1  }
0x53: {  	v3 =	vld.idx.msk [tilespmem:v39+s19+$0x0], $0xffff;
	_ =	sdelay $0x2  }
0x54: {  	v52 =	vmul.f32 v1, v1;
	v53 =	vmul.f32 v2, v2;
	_ =	sdelay $0x1  }
0x55: {  	v54 =	vmul.f32 v3, v3;
	v4 =	vadd.f32 v53, v52;
	_ =	sdelay $0x1  }
0x56: {  	v4 =	vadd.f32 v54, v4;
	_ =	sdelay $0x1  }
0x57: {  	v4 =	vmax.f32 v4, $9.999999960e-13  }
0x58: {  	v55 =	vshrl.u32 v4, $0x1;
	v56 =	vmul.f32 $5.000000000e-01, v4  }
0x59: {  	v5 =	vsub.s32 $0x5F3759DF, v55  }
0x5a: {  	v57 =	vmul.f32 v5, v56;
	_ =	sdelay $0x1  }
0x5b: {  	v7 =	vmul.f32 v5, v57;
	_ =	sdelay $0x1  }
0x5c: {  	v7 =	vsub.f32 $1.500000000e+00, v7;
	_ =	sdelay $0x1  }
0x5d: {  	v5 =	vmul.f32 v5, v7;
	_ =	sdelay $0x1  }
0x5e: {  	v7 =	vmul.f32 v5, v56;
	_ =	sdelay $0x1  }
0x5f: {  	v7 =	vmul.f32 v7, v5;
	_ =	sdelay $0x1  }
0x60: {  	v7 =	vsub.f32 $1.500000000e+00, v7;
	_ =	sdelay $0x1  }
0x61: {  	v5 =	vmul.f32 v7, v5;
	_ =	sdelay $0x1  }
0x62: {  	v6 =	vmul.f32 v5, v56;
	_ =	sdelay $0x1  }
0x63: {  	v6 =	vmul.f32 v6, v5;
	_ =	sdelay $0x1  }
0x64: {  	v6 =	vsub.f32 $1.500000000e+00, v6;
	_ =	sdelay $0x1  }
0x65: {  	v5 =	vmul.f32 v6, v5;
	_ =	sdelay $0x1  }
0x66: {  	v4 =	vmul.f32 v5, v4;
	_ =	sdelay $0x1  }
0x67: {  	v5 =	vmul.f32 $2.617993950e-01, v4;
	_ =	sdelay $0x1  }
0x68: {  	v58 =	vmul.f32 $1.591549370e-01, v5;
	_ =	sdelay $0x1  }
0x69: {  	v6 =	vadd.f32 $1.258291200e+07, v58;
	_ =	sdelay $0x1  }
0x6a: {  	v59 =	vld.idx.msk [tilespmem:v39+s21+$0x0], $0xffff;
	v6 =	vadd.f32 $-1.258291200e+07, v6;
	_ =	sdelay $0x1  }
0x6b: {  	v6 =	vmul.f32 $6.283185480e+00, v6;
	_ =	sdelay $0x1  }
0x6c: {  	v5 =	vsub.f32 v5, v6;
	_ =	sdelay $0x1  }
0x6d: {  	v5 =	vmul.f32 v5, v5;
	_ =	sdelay $0x1  }
0x6e: {  	v60 =	vld.idx.msk [tilespmem:v59+s7+$0x0], $0xffff;
	v61 =	vmul.f32 $9.722556090e-12, v5;
	_ =	sdelay $0x1  }
0x6f: {  	v7 =	vsub.f32 $2.060359880e-09, v61;
	_ =	sdelay $0x1  }
0x70: {  	v7 =	vmul.f32 v7, v5  }
0x71: {  	v6 =	vshll.u32 v60, $0x1  }
0x72: {  	v62 =	vadd.s32 $0x6, v6;
	v7 =	vadd.f32 $-2.753479860e-07, v7  }
0x73: {  	v63 =	vadd.s32 $0x7, v6  }
0x74: {  	v7 =	vmul.f32 v7, v5  }
0x75: {  	v12 =	vor.u32 $0x1, v6  }
0x76: {  	v7 =	vadd.f32 $2.480055260e-05, v7  }
0x77: {  	v8 =	vld.idx.msk [tilespmem:v62+s15+$0x0], $0xffff  }
0x78: {  	v9 =	vld.idx.msk [tilespmem:v63+s15+$0x0], $0xffff;
	v7 =	vmul.f32 v7, v5  }
0x79: {  	v11 =	vld.idx.msk [tilespmem:v6+s15+$0x0], $0xffff  }
0x7a: {  	v10 =	vld.idx.msk [tilespmem:v12+s15+$0x0], $0xffff;
	v7 =	vadd.f32 $-1.388886240e-03, v7;
	_ =	sdelay $0x1  }
0x7b: {  	v8 =	vsub.f32 v4, v8;
	v7 =	vmul.f32 v7, v5  }
0x7c: {  	v4 =	vsub.f32 v4, v9  }
0x7d: {  	v13 =	vmul.f32 v8, v11;
	v7 =	vadd.f32 $4.166666420e-02, v7  }
0x7e: {  	v10 =	vmul.f32 v4, v10  }
0x7f: {  	v8 =	vmul.f32 v13, v8;
	v7 =	vmul.f32 v7, v5  }
0x80: {  	v4 =	vmul.f32 v10, v4  }
0x81: {  	v14 =	vadd.s32 $0xC, v6;
	v8 =	vmul.f32 $1.442695020e+00, v8;
	v7 =	vadd.f32 $-5.000000000e-01, v7  }
0x82: {  	v20 =	vld.idx.msk [tilespmem:v39+s20+$0x0], $0xffff;
	v6 =	vadd.s32 $0xD, v6;
	v4 =	vmul.f32 $1.442695020e+00, v4  }
0x83: {  	(erf) = vpow2.f32 v8;
	v5 =	vmul.f32 v7, v5  }
0x84: {  	(erf) = vpow2.f32 v4  }
0x85: {  	v21 =	vadd.f32 $1.000000000e+00, v5  }
0x86: {  	v22 =	vld.idx.msk [tilespmem:v14+s15+$0x0], $0xffff  }
0x87: {  	v23 =	vsub.s32 v20, v0;
	v6 =	vld.idx.msk [tilespmem:v6+s15+$0x0], $0xffff;
	v4 =	vmul.f32 v21, v21  }
0x88: {  	v7 =	vmul.u32 $0x9, v23  }
0x89: {  	v4 =	vmul.f32 v4, v4  }
0x8a: {  	v7 =	vnsel vm0, $0x0, v7  }
0x8b: {  	v24 =	vadd.s32 $0x1, v7;
	v5 =	vmul.f32 v4, v22  }
0x8c: {  	v26 =	vpop (erf);
	v25 =	vadd.s32 $0x2, v7;
	v4 =	vmul.f32 v4, v6  }
0x8d: {  	v28 =	vpop (erf);
	v27 =	vadd.s32 $0x3, v7;
	v5 =	vmul.f32 v5, v26  }
0x8e: {  	v29 =	vadd.s32 $0x4, v7;
	v4 =	vmul.f32 v4, v28  }
0x8f: {  	v30 =	vadd.s32 s30, v38;
	v32 =	vadd.s32 $0x5, v7;
	[tilespmem:v7+s22+$0x0] =	vst.idx.add.f32.msk vm0, v5;
	v31 =	vmul.f32 v5, v1  }
0x90: {  	v14 =	vmov s30;
	v33 =	vadd.s32 $0x6, v7;
	v1 =	vmul.f32 v4, v1;
	[tilespmem:v24+s22+$0x0] =	vst.idx.add.f32.msk vm0, v4  }
0x91: {  	vm15 =	vlt.s32 v14, v37;
	v34 =	vadd.s32 $0x7, v7;
	v15 =	vmul.f32 v5, v2;
	[tilespmem:v25+s22+$0x0] =	vst.idx.add.f32.msk vm0, v31  }
0x92: {  	[tilespmem:v27+s22+$0x0] =	vst.idx.add.f32.msk vm0, v1;
	v1 =	vmul.f32 v4, v2;
	v2 =	vnsel vm15, $0x0, v30  }
0x93: {  	v5 =	vmul.f32 v5, v3;
	[tilespmem:v29+s22+$0x0] =	vst.idx.add.f32.msk vm0, v15  }
0x94: {  	v3 =	vmul.f32 v4, v3;
	[tilespmem:v32+s22+$0x0] =	vst.idx.add.f32.msk vm0, v1  }
0x95: {  	[tilespmem:v33+s22+$0x0] =	vst.idx.add.f32.msk vm0, v5  }
0x96: {  	[tilespmem:v34+s22+$0x0] =	vst.idx.add.f32.msk vm0, v3  }
0x97: {  	v1 =	vld.idx.msk [tilespmem:v2+s17+$0x0], $0xffff  }
0x98: {  	v3 =	vld.idx.msk [tilespmem:v2+s18+$0x0], $0xffff;
	_ =	sdelay $0x1  }
0x99: {  	v37 =	vld.idx.msk [tilespmem:v2+s19+$0x0], $0xffff;
	_ =	sdelay $0x2  }
0x9a: {  	v38 =	vmul.f32 v1, v1;
	v39 =	vmul.f32 v3, v3;
	_ =	sdelay $0x1  }
0x9b: {  	v40 =	vmul.f32 v37, v37;
	v5 =	vadd.f32 v39, v38;
	_ =	sdelay $0x1  }
0x9c: {  	v5 =	vadd.f32 v40, v5;
	_ =	sdelay $0x1  }
0x9d: {  	v5 =	vmax.f32 v5, $9.999999960e-13  }
0x9e: {  	v41 =	vshrl.u32 v5, $0x1;
	v42 =	vmul.f32 $5.000000000e-01, v5  }
0x9f: {  	v6 =	vsub.s32 $0x5F3759DF, v41  }
0xa0: {  	v43 =	vmul.f32 v6, v42;
	_ =	sdelay $0x1  }
0xa1: {  	v8 =	vmul.f32 v6, v43;
	_ =	sdelay $0x1  }
0xa2: {  	v8 =	vsub.f32 $1.500000000e+00, v8;
	_ =	sdelay $0x1  }
0xa3: {  	v6 =	vmul.f32 v6, v8;
	_ =	sdelay $0x1  }
0xa4: {  	v8 =	vmul.f32 v6, v42;
	_ =	sdelay $0x1  }
0xa5: {  	v8 =	vmul.f32 v8, v6;
	_ =	sdelay $0x1  }
0xa6: {  	v8 =	vsub.f32 $1.500000000e+00, v8;
	_ =	sdelay $0x1  }
0xa7: {  	v6 =	vmul.f32 v8, v6;
	_ =	sdelay $0x1  }
0xa8: {  	v7 =	vmul.f32 v6, v42;
	_ =	sdelay $0x1  }
0xa9: {  	v7 =	vmul.f32 v7, v6;
	_ =	sdelay $0x1  }
0xaa: {  	v7 =	vsub.f32 $1.500000000e+00, v7;
	_ =	sdelay $0x1  }
0xab: {  	v6 =	vmul.f32 v7, v6;
	_ =	sdelay $0x1  }
0xac: {  	v5 =	vmul.f32 v6, v5;
	_ =	sdelay $0x1  }
0xad: {  	v6 =	vmul.f32 $2.617993950e-01, v5;
	_ =	sdelay $0x1  }
0xae: {  	v44 =	vmul.f32 $1.591549370e-01, v6;
	_ =	sdelay $0x1  }
0xaf: {  	v7 =	vadd.f32 $1.258291200e+07, v44;
	_ =	sdelay $0x1  }
0xb0: {  	v45 =	vld.idx.msk [tilespmem:v2+s21+$0x0], $0xffff;
	v7 =	vadd.f32 $-1.258291200e+07, v7;
	_ =	sdelay $0x1  }
0xb1: {  	v7 =	vmul.f32 $6.283185480e+00, v7;
	_ =	sdelay $0x1  }
0xb2: {  	v6 =	vsub.f32 v6, v7;
	_ =	sdelay $0x1  }
0xb3: {  	v6 =	vmul.f32 v6, v6;
	_ =	sdelay $0x1  }
0xb4: {  	v46 =	vld.idx.msk [tilespmem:v45+s7+$0x0], $0xffff;
	v47 =	vmul.f32 $9.722556090e-12, v6;
	_ =	sdelay $0x1  }
0xb5: {  	v8 =	vsub.f32 $2.060359880e-09, v47;
	_ =	sdelay $0x1  }
0xb6: {  	v8 =	vmul.f32 v8, v6  }
0xb7: {  	v7 =	vshll.u32 v46, $0x1  }
0xb8: {  	v48 =	vadd.s32 $0x6, v7;
	v8 =	vadd.f32 $-2.753479860e-07, v8  }
0xb9: {  	v49 =	vadd.s32 $0x7, v7  }
0xba: {  	v8 =	vmul.f32 v8, v6  }
0xbb: {  	v50 =	vor.u32 $0x1, v7  }
0xbc: {  	v8 =	vadd.f32 $2.480055260e-05, v8  }
0xbd: {  	v9 =	vld.idx.msk [tilespmem:v48+s15+$0x0], $0xffff  }
0xbe: {  	v10 =	vld.idx.msk [tilespmem:v49+s15+$0x0], $0xffff;
	v8 =	vmul.f32 v8, v6  }
0xbf: {  	v12 =	vld.idx.msk [tilespmem:v7+s15+$0x0], $0xffff  }
0xc0: {  	v11 =	vld.idx.msk [tilespmem:v50+s15+$0x0], $0xffff;
	v8 =	vadd.f32 $-1.388886240e-03, v8;
	_ =	sdelay $0x1  }
0xc1: {  	v9 =	vsub.f32 v5, v9;
	v8 =	vmul.f32 v8, v6  }
0xc2: {  	v5 =	vsub.f32 v5, v10  }
0xc3: {  	v51 =	vmul.f32 v9, v12;
	v8 =	vadd.f32 $4.166666420e-02, v8  }
0xc4: {  	v11 =	vmul.f32 v5, v11  }
0xc5: {  	v9 =	vmul.f32 v51, v9;
	v8 =	vmul.f32 v8, v6  }
0xc6: {  	v5 =	vmul.f32 v11, v5  }
0xc7: {  	v52 =	vadd.s32 $0xC, v7;
	v9 =	vmul.f32 $1.442695020e+00, v9;
	v8 =	vadd.f32 $-5.000000000e-01, v8  }
0xc8: {  	v2 =	vld.idx.msk [tilespmem:v2+s20+$0x0], $0xffff;
	v7 =	vadd.s32 $0xD, v7;
	v5 =	vmul.f32 $1.442695020e+00, v5  }
0xc9: {  	(erf) = vpow2.f32 v9;
	v6 =	vmul.f32 v8, v6  }
0xca: {  	(erf) = vpow2.f32 v5  }
0xcb: {  	v53 =	vadd.f32 $1.000000000e+00, v6  }
0xcc: {  	v54 =	vld.idx.msk [tilespmem:v52+s15+$0x0], $0xffff  }
0xcd: {  	v2 =	vsub.s32 v2, v0;
	v7 =	vld.idx.msk [tilespmem:v7+s15+$0x0], $0xffff;
	v5 =	vmul.f32 v53, v53  }
0xce: {  	v2 =	vmul.u32 $0x9, v2  }
0xcf: {  	v5 =	vmul.f32 v5, v5  }
0xd0: {  	v2 =	vnsel vm15, $0x0, v2  }
0xd1: {  	v55 =	vadd.s32 $0x1, v2;
	v6 =	vmul.f32 v5, v54  }
0xd2: {  	v56 =	vadd.s32 $0x2, v2;
	v9 =	vpop (erf);
	v5 =	vmul.f32 v5, v7  }
0xd3: {  	v57 =	vadd.s32 $0x3, v2;
	v58 =	vpop (erf);
	v6 =	vmul.f32 v6, v9  }
0xd4: {  	v59 =	vadd.s32 $0x4, v2;
	v5 =	vmul.f32 v5, v58  }
0xd5: {  	v60 =	vadd.s32 $0x5, v2;
	[tilespmem:v2+s22+$0x0] =	vst.idx.add.f32.msk vm15, v6;
	v61 =	vmul.f32 v6, v1  }
0xd6: {  	v62 =	vadd.s32 $0x6, v2;
	v1 =	vmul.f32 v5, v1;
	[tilespmem:v55+s22+$0x0] =	vst.idx.add.f32.msk vm15, v5  }
0xd7: {  	v63 =	vmul.f32 v6, v3;
	v2 =	vadd.s32 $0x7, v2;
	[tilespmem:v56+s22+$0x0] =	vst.idx.add.f32.msk vm15, v61  }
0xd8: {  	v3 =	vmul.f32 v5, v3;
	[tilespmem:v57+s22+$0x0] =	vst.idx.add.f32.msk vm15, v1  }
0xd9: {  	v1 =	vmul.f32 v6, v37;
	[tilespmem:v59+s22+$0x0] =	vst.idx.add.f32.msk vm15, v63  }
0xda: {  	v4 =	vmul.f32 v5, v37;
	[tilespmem:v60+s22+$0x0] =	vst.idx.add.f32.msk vm15, v3  }
0xdb: {  	[tilespmem:v62+s22+$0x0] =	vst.idx.add.f32.msk vm15, v1  }
0xdc: {  	[tilespmem:v2+s22+$0x0] =	vst.idx.add.f32.msk vm15, v4  }
.LBB2_11:
0xdd: {  	s29 =	sadd.s32 $0x1, s29  }
0xde: {  	p0 =	sne.s32 s29, s28  }
.Ltmp5:
0xdf: {  	_ = 	snop;
	(pc) =	sbr.rel @!p0 .LBB2_12-.Ltmp5, $1  }
0xe0: {  	_ =	sdelay $0x3  }
.LBB2_5:
0xe1: {  	s5 =	smul.u32 $0xA00, s29;
	_ =	sdelay $0x1  }
0xe2: {  	s31 =	sadd.s32 s26, s5  }
0xe3: {  	p0 =	slt.s32 s31, $0x186000  }
0xe4: {  	s31 =	simm.s32 @!p0 $0x186000  }
0xe5: {  	s5 =	sshrl.u32 s31, $0x3  }
0xe6: {  	s30 =	sadd.s32 s8, s5  }
0xe7: {  	[tilespmem:s17], [sflag:$0x1] =	stream.linear.gather [hbm4b:s30+s7], $0xA00, $0x38;
	[tilespmem:$0x17A00] =	vst v63  }
0xe8: {  	s30 =	simm.s32 $0x1  }
0xe9: {  	_ =	swait.ge [sflag:s30], $0xA00  }
0xea: {  	[sflag:s30] =	ssyncset.done $0x0  }
0xeb: {  	s0 =	sadd.s32 s9, s5;
	[sflag:s30] =	ssyncadd.s32 $0xFFFFF600  }
0xec: {  	[tilespmem:s18], [sflag:$0x1] =	stream.linear.gather [hbm4b:s0+s7], $0xA00, $0x38;
	[tilespmem:$0x17A00] =	vst v63  }
0xed: {  	_ =	swait.ge [sflag:s30], $0xA00  }
0xee: {  	[sflag:s30] =	ssyncset.done $0x0  }
0xef: {  	s4 =	sadd.s32 s10, s5;
	[sflag:s30] =	ssyncadd.s32 $0xFFFFF600  }
0xf0: {  	[tilespmem:s19], [sflag:$0x1] =	stream.linear.gather [hbm4b:s4+s7], $0xA00, $0x38;
	[tilespmem:$0x17A00] =	vst v63  }
0xf1: {  	_ =	swait.ge [sflag:s30], $0xA00  }
0xf2: {  	[sflag:s30] =	ssyncset.done $0x0  }
0xf3: {  	s4 =	sadd.s32 s2, s5;
	[sflag:s30] =	ssyncadd.s32 $0xFFFFF600  }
0xf4: {  	[tilespmem:s20], [sflag:$0x1] =	stream.linear.gather [hbm4b:s4+s7], $0xA00, $0x38;
	[tilespmem:$0x17A00] =	vst v63  }
0xf5: {  	s4 =	sadd.s32 $0xA00, s31;
	_ =	swait.ge [sflag:s30], $0xA00  }
0xf6: {  	vm0 =	vgt.s32 v35, s31;
	vm1 =	vlt.s32 v36, s4;
	[sflag:s30] =	ssyncset.done $0x0  }
0xf7: {  	v1 =	vnsel vm0, s31, v35;
	s5 =	sadd.s32 s3, s5;
	v2 =	vnsel vm1, s4, v36;
	[sflag:s30] =	ssyncadd.s32 $0xFFFFF600  }
0xf8: {  	v37 =	vsub.s32 v2, v1;
	[tilespmem:s21], [sflag:$0x1] =	stream.linear.gather [hbm4b:s5+s7], $0xA00, $0x38;
	[tilespmem:$0x17A00] =	vst v63  }
0xf9: {  	v2 =	vxor.u32 $0x80000000, v37;
	_ =	swait.ge [sflag:s30], $0xA00  }
0xfa: {  	(xrf0) =	vmax.scan.msk.u32 $0xffff, v2;
	_ =	sdelay $0x5  }
0xfb: {  	v2, _, _ =	vpop (xrf0)  }
0xfc: {  	(v2sf) =	vpush v2, $0xF;
	_ =	sdelay $0xe  }
0xfd: {  	s4 =	spop (v2sf)  }
0xfe: {  	s0 =	simm.s32 $0x1;
	s5 =	sadd.s32 $0x80000001, s4;
	p0 =	slt.s32 s4, $0xFFFFFFFF  }
0xff: {  	s0 =	simm.s32 @!p0 $0x0;
	s4 =	sshra.s32 s5, $0x1F  }
0x100: {  	s0 =	sadd.s32 s0, s4;
	s4 =	sand.u32 $0x1, s5  }
0x101: {  	p6 =	sne.s32 s0, $0x1;
	p1 =	seq.s32 s4, $0x1  }
0x102: {  	s4 =	sshrl.u32 s5, $0x1F;
	p0 =	por !p6, !p1  }
0x103: {  	s0 =	sadd.s32 s4, s5;
	s4 =	simm.s32 $0x1;
	p0 =	por !p0, !p0  }
0x104: {  	s0 =	sshra.s32 s0, $0x1;
	s4 =	simm.s32 @!p0 $0x0  }
0x105: {  	s5 =	ssub.s32 s0, s4  }
0x106: {  	p0 =	slt.s32 s5, $0x1  }
.Ltmp6:
0x107: {  	_ = 	snop;
	(pc) =	sbr.rel @p0 .LBB2_11-.Ltmp6, $3  }
0x108: {  	_ =	sdelay $0x1  }
0x109: {  	[sflag:s30] =	ssyncset.done $0x0  }
0x10a: {  	[sflag:s30] =	ssyncadd.s32 $0xFFFFF600  }
0x10b: {  	p1 =	sne.s32 s5, $0x1  }
.Ltmp7:
0x10c: {  	_ = 	snop;
	(pc) =	sbr.rel @!p1 .LBB2_7-.Ltmp7, $4  }
0x10d: {  	v2 =	vmov s31;
	s0 =	simm.s32 $0x0  }
0x10e: {  	v38 =	vsub.s32 v1, v2;
	v1 =	vmov s0  }
0x10f: {  	vm0 =	vlt.s32 v1, v37;
	v1 =	vadd.s32 s0, v38  }
0x110: {  	s31 =	sadd.s32 $0xFFFFFFFF, s5;
	p0 =	por $0x0, $0x0;
	v39 =	vnsel vm0, $0x0, v1  }
0x111: {  	_ =	sdelay $0x3  }
0x112: {  	v1 =	vld.idx.msk [tilespmem:v39+s17+$0x0], $0xffff  }
0x113: {  	v2 =	vld.idx.msk [tilespmem:v39+s18+$0x0], $0xffff;
	_ =	sdelay $0x1  }
0x114: {  	v3 =	vld.idx.msk [tilespmem:v39+s19+$0x0], $0xffff;
	_ =	sdelay $0x2  }
0x115: {  	v4 =	vmul.f32 v1, v1;
	v5 =	vmul.f32 v2, v2;
	_ =	sdelay $0x1  }
0x116: {  	v4 =	vadd.f32 v5, v4;
	v5 =	vmul.f32 v3, v3;
	_ =	sdelay $0x1  }
0x117: {  	v4 =	vadd.f32 v5, v4;
	_ =	sdelay $0x1  }
0x118: {  	v4 =	vmax.f32 v4, $9.999999960e-13  }
0x119: {  	v5 =	vshrl.u32 v4, $0x1;
	v6 =	vmul.f32 $5.000000000e-01, v4  }
0x11a: {  	v5 =	vsub.s32 $0x5F3759DF, v5  }
0x11b: {  	v7 =	vmul.f32 v5, v6;
	_ =	sdelay $0x1  }
0x11c: {  	v7 =	vmul.f32 v5, v7;
	_ =	sdelay $0x1  }
0x11d: {  	v7 =	vsub.f32 $1.500000000e+00, v7;
	_ =	sdelay $0x1  }
0x11e: {  	v5 =	vmul.f32 v5, v7;
	_ =	sdelay $0x1  }
0x11f: {  	v7 =	vmul.f32 v5, v6;
	_ =	sdelay $0x1  }
0x120: {  	v7 =	vmul.f32 v7, v5;
	_ =	sdelay $0x1  }
0x121: {  	v7 =	vsub.f32 $1.500000000e+00, v7;
	_ =	sdelay $0x1  }
0x122: {  	v5 =	vmul.f32 v7, v5;
	_ =	sdelay $0x1  }
0x123: {  	v6 =	vmul.f32 v5, v6;
	_ =	sdelay $0x1  }
0x124: {  	v6 =	vmul.f32 v6, v5;
	_ =	sdelay $0x1  }
0x125: {  	v6 =	vsub.f32 $1.500000000e+00, v6;
	_ =	sdelay $0x1  }
0x126: {  	v5 =	vmul.f32 v6, v5;
	_ =	sdelay $0x1  }
0x127: {  	v4 =	vmul.f32 v5, v4;
	_ =	sdelay $0x1  }
0x128: {  	v5 =	vmul.f32 $2.617993950e-01, v4;
	_ =	sdelay $0x1  }
0x129: {  	v6 =	vmul.f32 $1.591549370e-01, v5;
	_ =	sdelay $0x1  }
0x12a: {  	v6 =	vadd.f32 $1.258291200e+07, v6;
	_ =	sdelay $0x1  }
0x12b: {  	v7 =	vld.idx.msk [tilespmem:v39+s21+$0x0], $0xffff;
	v6 =	vadd.f32 $-1.258291200e+07, v6;
	_ =	sdelay $0x1  }
0x12c: {  	v6 =	vmul.f32 $6.283185480e+00, v6;
	_ =	sdelay $0x1  }
0x12d: {  	v5 =	vsub.f32 v5, v6;
	_ =	sdelay $0x1  }
0x12e: {  	v5 =	vmul.f32 v5, v5;
	_ =	sdelay $0x1  }
0x12f: {  	v6 =	vld.idx.msk [tilespmem:v7+s7+$0x0], $0xffff;
	v7 =	vmul.f32 $9.722556090e-12, v5;
	_ =	sdelay $0x1  }
0x130: {  	v7 =	vsub.f32 $2.060359880e-09, v7;
	_ =	sdelay $0x1  }
0x131: {  	v7 =	vmul.f32 v7, v5  }
0x132: {  	v6 =	vshll.u32 v6, $0x1  }
0x133: {  	v8 =	vadd.s32 $0x6, v6;
	v7 =	vadd.f32 $-2.753479860e-07, v7  }
0x134: {  	v9 =	vadd.s32 $0x7, v6  }
0x135: {  	v7 =	vmul.f32 v7, v5  }
0x136: {  	v10 =	vor.u32 $0x1, v6  }
0x137: {  	v7 =	vadd.f32 $2.480055260e-05, v7  }
0x138: {  	v8 =	vld.idx.msk [tilespmem:v8+s15+$0x0], $0xffff  }
0x139: {  	v9 =	vld.idx.msk [tilespmem:v9+s15+$0x0], $0xffff;
	v7 =	vmul.f32 v7, v5  }
0x13a: {  	v11 =	vld.idx.msk [tilespmem:v6+s15+$0x0], $0xffff  }
0x13b: {  	v10 =	vld.idx.msk [tilespmem:v10+s15+$0x0], $0xffff;
	v7 =	vadd.f32 $-1.388886240e-03, v7;
	_ =	sdelay $0x1  }
0x13c: {  	v8 =	vsub.f32 v4, v8;
	v7 =	vmul.f32 v7, v5  }
0x13d: {  	v4 =	vsub.f32 v4, v9  }
0x13e: {  	v9 =	vmul.f32 v8, v11;
	v7 =	vadd.f32 $4.166666420e-02, v7  }
0x13f: {  	v10 =	vmul.f32 v4, v10  }
0x140: {  	v8 =	vmul.f32 v9, v8;
	v7 =	vmul.f32 v7, v5  }
0x141: {  	v4 =	vmul.f32 v10, v4  }
0x142: {  	v9 =	vadd.s32 $0xC, v6;
	v8 =	vmul.f32 $1.442695020e+00, v8;
	v7 =	vadd.f32 $-5.000000000e-01, v7  }
0x143: {  	v6 =	vadd.s32 $0xD, v6;
	v10 =	vld.idx.msk [tilespmem:v39+s20+$0x0], $0xffff;
	v4 =	vmul.f32 $1.442695020e+00, v4  }
0x144: {  	(erf) = vpow2.f32 v8;
	v5 =	vmul.f32 v7, v5  }
0x145: {  	(erf) = vpow2.f32 v4  }
0x146: {  	v4 =	vadd.f32 $1.000000000e+00, v5  }
0x147: {  	v5 =	vld.idx.msk [tilespmem:v9+s15+$0x0], $0xffff  }
0x148: {  	v6 =	vld.idx.msk [tilespmem:v6+s15+$0x0], $0xffff;
	v7 =	vsub.s32 v10, v0;
	v4 =	vmul.f32 v4, v4  }
0x149: {  	v7 =	vmul.u32 $0x9, v7  }
0x14a: {  	v4 =	vmul.f32 v4, v4  }
0x14b: {  	v7 =	vnsel vm0, $0x0, v7  }
0x14c: {  	v8 =	vadd.s32 $0x1, v7;
	v5 =	vmul.f32 v4, v5  }
0x14d: {  	v9 =	vpop (erf);
	v4 =	vmul.f32 v4, v6;
	v6 =	vadd.s32 $0x2, v7  }
0x14e: {  	v10 =	vpop (erf);
	v5 =	vmul.f32 v5, v9;
	v9 =	vadd.s32 $0x3, v7  }
0x14f: {  	v4 =	vmul.f32 v4, v10;
	v10 =	vadd.s32 $0x4, v7  }
0x150: {  	v14 =	vmov s30;
	v13 =	vadd.s32 $0x5, v7;
	[tilespmem:v7+s22+$0x0] =	vst.idx.add.f32.msk vm0, v5;
	v12 =	vmul.f32 v5, v1  }
0x151: {  	vm1 =	vlt.s32 v14, v37;
	v1 =	vmul.f32 v4, v1;
	[tilespmem:v8+s22+$0x0] =	vst.idx.add.f32.msk vm0, v4;
	v8 =	vadd.s32 $0x6, v7  }
0x152: {  	v11 =	vadd.s32 s30, v38;
	v15 =	vmul.f32 v5, v2;
	[tilespmem:v6+s22+$0x0] =	vst.idx.add.f32.msk vm0, v12;
	v6 =	vadd.s32 $0x7, v7  }
0x153: {  	[tilespmem:v9+s22+$0x0] =	vst.idx.add.f32.msk vm0, v1;
	v1 =	vmul.f32 v4, v2;
	v2 =	vnsel vm1, $0x0, v11  }
0x154: {  	v5 =	vmul.f32 v5, v3;
	[tilespmem:v10+s22+$0x0] =	vst.idx.add.f32.msk vm0, v15  }
0x155: {  	v3 =	vmul.f32 v4, v3;
	[tilespmem:v13+s22+$0x0] =	vst.idx.add.f32.msk vm0, v1  }
0x156: {  	[tilespmem:v8+s22+$0x0] =	vst.idx.add.f32.msk vm0, v5  }
0x157: {  	[tilespmem:v6+s22+$0x0] =	vst.idx.add.f32.msk vm0, v3  }
0x158: {  	v1 =	vld.idx.msk [tilespmem:v2+s17+$0x0], $0xffff  }
0x159: {  	v3 =	vld.idx.msk [tilespmem:v2+s18+$0x0], $0xffff;
	_ =	sdelay $0x1  }
0x15a: {  	v40 =	vld.idx.msk [tilespmem:v2+s19+$0x0], $0xffff;
	_ =	sdelay $0x2  }
0x15b: {  	v4 =	vmul.f32 v1, v1;
	v5 =	vmul.f32 v3, v3;
	_ =	sdelay $0x1  }
0x15c: {  	v4 =	vadd.f32 v5, v4;
	v5 =	vmul.f32 v40, v40;
	_ =	sdelay $0x1  }
0x15d: {  	v4 =	vadd.f32 v5, v4;
	_ =	sdelay $0x1  }
0x15e: {  	v4 =	vmax.f32 v4, $9.999999960e-13  }
0x15f: {  	v5 =	vshrl.u32 v4, $0x1;
	v6 =	vmul.f32 $5.000000000e-01, v4  }
0x160: {  	v5 =	vsub.s32 $0x5F3759DF, v5  }
0x161: {  	v7 =	vmul.f32 v5, v6;
	_ =	sdelay $0x1  }
0x162: {  	v7 =	vmul.f32 v5, v7;
	_ =	sdelay $0x1  }
0x163: {  	v7 =	vsub.f32 $1.500000000e+00, v7;
	_ =	sdelay $0x1  }
0x164: {  	v5 =	vmul.f32 v5, v7;
	_ =	sdelay $0x1  }
0x165: {  	v7 =	vmul.f32 v5, v6;
	_ =	sdelay $0x1  }
0x166: {  	v7 =	vmul.f32 v7, v5;
	_ =	sdelay $0x1  }
0x167: {  	v7 =	vsub.f32 $1.500000000e+00, v7;
	_ =	sdelay $0x1  }
0x168: {  	v5 =	vmul.f32 v7, v5;
	_ =	sdelay $0x1  }
0x169: {  	v6 =	vmul.f32 v5, v6;
	_ =	sdelay $0x1  }
0x16a: {  	v6 =	vmul.f32 v6, v5;
	_ =	sdelay $0x1  }
0x16b: {  	v6 =	vsub.f32 $1.500000000e+00, v6;
	_ =	sdelay $0x1  }
0x16c: {  	v5 =	vmul.f32 v6, v5;
	_ =	sdelay $0x1  }
0x16d: {  	v4 =	vmul.f32 v5, v4;
	_ =	sdelay $0x1  }
0x16e: {  	v5 =	vmul.f32 $2.617993950e-01, v4;
	_ =	sdelay $0x1  }
0x16f: {  	v6 =	vmul.f32 $1.591549370e-01, v5;
	_ =	sdelay $0x1  }
0x170: {  	v6 =	vadd.f32 $1.258291200e+07, v6;
	_ =	sdelay $0x1  }
0x171: {  	v7 =	vld.idx.msk [tilespmem:v2+s21+$0x0], $0xffff;
	v6 =	vadd.f32 $-1.258291200e+07, v6;
	_ =	sdelay $0x1  }
0x172: {  	v6 =	vmul.f32 $6.283185480e+00, v6;
	_ =	sdelay $0x1  }
0x173: {  	v5 =	vsub.f32 v5, v6;
	_ =	sdelay $0x1  }
0x174: {  	v5 =	vmul.f32 v5, v5;
	_ =	sdelay $0x1  }
0x175: {  	v6 =	vld.idx.msk [tilespmem:v7+s7+$0x0], $0xffff;
	v7 =	vmul.f32 $9.722556090e-12, v5;
	_ =	sdelay $0x1  }
0x176: {  	v7 =	vsub.f32 $2.060359880e-09, v7;
	_ =	sdelay $0x1  }
0x177: {  	v7 =	vmul.f32 v7, v5;
	_ =	sdelay $0x1  }
0x178: {  	v6 =	vshll.u32 v6, $0x1;
	v7 =	vadd.f32 $-2.753479860e-07, v7  }
0x179: {  	v8 =	vadd.s32 $0x6, v6  }
0x17a: {  	v9 =	vadd.s32 $0x7, v6;
	v7 =	vmul.f32 v7, v5;
	_ =	sdelay $0x1  }
0x17b: {  	v10 =	vor.u32 $0x1, v6;
	v7 =	vadd.f32 $2.480055260e-05, v7;
	_ =	sdelay $0x1  }
0x17c: {  	v8 =	vld.idx.msk [tilespmem:v8+s15+$0x0], $0xffff;
	v7 =	vmul.f32 v7, v5  }
0x17d: {  	v9 =	vld.idx.msk [tilespmem:v9+s15+$0x0], $0xffff  }
0x17e: {  	v11 =	vld.idx.msk [tilespmem:v6+s15+$0x0], $0xffff;
	v7 =	vadd.f32 $-1.388886240e-03, v7  }
0x17f: {  	v10 =	vld.idx.msk [tilespmem:v10+s15+$0x0], $0xffff  }
0x180: {  	v7 =	vmul.f32 v7, v5  }
0x181: {  	v8 =	vsub.f32 v4, v8  }
0x182: {  	v4 =	vsub.f32 v4, v9;
	v7 =	vadd.f32 $4.166666420e-02, v7  }
0x183: {  	v9 =	vmul.f32 v8, v11  }
0x184: {  	v10 =	vmul.f32 v4, v10;
	v7 =	vmul.f32 v7, v5  }
0x185: {  	v8 =	vmul.f32 v9, v8  }
0x186: {  	v4 =	vmul.f32 v10, v4;
	v9 =	vadd.s32 $0xC, v6;
	v7 =	vadd.f32 $-5.000000000e-01, v7  }
0x187: {  	v8 =	vmul.f32 $1.442695020e+00, v8  }
0x188: {  	v2 =	vld.idx.msk [tilespmem:v2+s20+$0x0], $0xffff;
	v4 =	vmul.f32 $1.442695020e+00, v4;
	v5 =	vmul.f32 v7, v5  }
0x189: {  	v6 =	vadd.s32 $0xD, v6;
	(erf) = vpow2.f32 v8  }
0x18a: {  	(erf) = vpow2.f32 v4;
	v4 =	vadd.f32 $1.000000000e+00, v5  }
0x18b: {  	v7 =	vld.idx.msk [tilespmem:v9+s15+$0x0], $0xffff  }
0x18c: {  	v4 =	vmul.f32 v4, v4  }
0x18d: {  	v2 =	vsub.s32 v2, v0  }
0x18e: {  	v2 =	vmul.u32 $0x9, v2;
	v8 =	vld.idx.msk [tilespmem:v6+s15+$0x0], $0xffff;
	v4 =	vmul.f32 v4, v4;
	_ =	sdelay $0x1  }
0x18f: {  	v5 =	vnsel vm1, $0x0, v2;
	v2 =	vmul.f32 v4, v7  }
0x190: {  	s0 =	simm.s32 $0x2  }
0x191: {  	p1 =	sne.s32 s31, $0x1;
	v11 =	vmov s0;
	v13 =	vadd.s32 $0x1, v5  }
.Ltmp8:
0x192: {  	vm0 =	vlt.s32 v11, v37;
	v9 =	vpop (erf);
	v4 =	vmul.f32 v4, v8;
	v8 =	vadd.s32 $0x2, v5;
	(pc) =	sbr.rel @!p1 .LBB2_10-.Ltmp8, $4  }
0x193: {  	v11 =	vadd.s32 s0, v38;
	v10 =	vadd.s32 $0x3, v5;
	v9 =	vmul.f32 v2, v9;
	v2 =	vpop (erf)  }
0x194: {  	v39 =	vnsel vm0, $0x0, v11;
	v7 =	vadd.s32 $0x4, v5;
	v2 =	vmul.f32 v4, v2  }
0x195: {  	v6 =	vadd.s32 $0x5, v5;
	[tilespmem:v5+s22+$0x0] =	vst.idx.add.f32.msk vm1, v9;
	v11 =	vmul.f32 v9, v1;
	v12 =	vmul.f32 v9, v3  }
0x196: {  	s31 =	sadd.s32 $0xFFFFFFFF, s31;
	p0 =	por $0x1, $0x1;
	s30 =	simm.s32 $0x3;
	[tilespmem:v13+s22+$0x0] =	vst.idx.add.f32.msk vm1, v2;
	v13 =	vmul.f32 v2, v1;
	v1 =	vmul.f32 v2, v3;
	v3 =	vadd.s32 $0x6, v5  }
.LBB2_9:
0x197: {  	p1 =	sne.s32 s31, $0x1;
	s31 =	sadd.s32 $0xFFFFFFFF, s31;
	[tilespmem:v8+s22+$0x0] =	vst.idx.add.f32.msk vm1, v11;
	v4 =	vmul.f32 v9, v40;
	v5 =	vadd.s32 $0x7, v5;
	v2 =	vmul.f32 v2, v40  }
0x198: {  	[tilespmem:v10+s22+$0x0] =	vst.idx.add.f32.msk vm1, v13  }
0x199: {  	[tilespmem:v7+s22+$0x0] =	vst.idx.add.f32.msk vm1, v12  }
0x19a: {  	[tilespmem:v6+s22+$0x0] =	vst.idx.add.f32.msk vm1, v1  }
0x19b: {  	[tilespmem:v3+s22+$0x0] =	vst.idx.add.f32.msk vm1, v4  }
0x19c: {  	[tilespmem:v5+s22+$0x0] =	vst.idx.add.f32.msk vm1, v2  }
0x19d: {  	v5 =	vld.idx.msk [tilespmem:v39+s17+$0x0], $0xffff  }
0x19e: {  	v3 =	vld.idx.msk [tilespmem:v39+s18+$0x0], $0xffff;
	_ =	sdelay $0x1  }
0x19f: {  	v4 =	vld.idx.msk [tilespmem:v39+s19+$0x0], $0xffff;
	_ =	sdelay $0x3  }
0x1a0: {  	v1 =	vmul.f32 v5, v5;
	v2 =	vmul.f32 v3, v3;
	_ =	sdelay $0x1  }
0x1a1: {  	v1 =	vadd.f32 v2, v1;
	v2 =	vmul.f32 v4, v4;
	_ =	sdelay $0x1  }
0x1a2: {  	v1 =	vadd.f32 v2, v1;
	_ =	sdelay $0x1  }
0x1a3: {  	v1 =	vmax.f32 v1, $9.999999960e-13  }
0x1a4: {  	v2 =	vshrl.u32 v1, $0x1;
	v6 =	vmul.f32 $5.000000000e-01, v1  }
0x1a5: {  	v2 =	vsub.s32 $0x5F3759DF, v2;
	v7 =	vld.idx.msk [tilespmem:v39+s21+$0x0], $0xffff  }
0x1a6: {  	v8 =	vmul.f32 v2, v6;
	_ =	sdelay $0x1  }
0x1a7: {  	v8 =	vmul.f32 v2, v8;
	_ =	sdelay $0x1  }
0x1a8: {  	v8 =	vsub.f32 $1.500000000e+00, v8;
	_ =	sdelay $0x1  }
0x1a9: {  	v2 =	vmul.f32 v2, v8;
	_ =	sdelay $0x1  }
0x1aa: {  	v8 =	vmul.f32 v2, v6;
	v7 =	vld.idx.msk [tilespmem:v7+s7+$0x0], $0xffff;
	_ =	sdelay $0x1  }
0x1ab: {  	v8 =	vmul.f32 v8, v2;
	_ =	sdelay $0x1  }
0x1ac: {  	v8 =	vsub.f32 $1.500000000e+00, v8;
	_ =	sdelay $0x1  }
0x1ad: {  	v2 =	vmul.f32 v8, v2;
	v7 =	vshll.u32 v7, $0x1  }
0x1ae: {  	v8 =	vor.u32 $0x1, v7;
	v9 =	vadd.s32 $0x6, v7;
	v10 =	vadd.s32 $0x7, v7  }
0x1af: {  	v11 =	vadd.s32 $0xC, v7;
	v12 =	vadd.s32 $0xD, v7;
	v6 =	vmul.f32 v2, v6;
	_ =	sdelay $0x1  }
0x1b0: {  	v6 =	vmul.f32 v6, v2;
	_ =	sdelay $0x1  }
0x1b1: {  	v6 =	vsub.f32 $1.500000000e+00, v6;
	v9 =	vld.idx.msk [tilespmem:v9+s15+$0x0], $0xffff  }
0x1b2: {  	v10 =	vld.idx.msk [tilespmem:v10+s15+$0x0], $0xffff  }
0x1b3: {  	v2 =	vmul.f32 v6, v2;
	v6 =	vld.idx.msk [tilespmem:v7+s15+$0x0], $0xffff  }
0x1b4: {  	v7 =	vld.idx.msk [tilespmem:v8+s15+$0x0], $0xffff  }
0x1b5: {  	v1 =	vmul.f32 v2, v1;
	_ =	sdelay $0x1  }
0x1b6: {  	v2 =	vmul.f32 $2.617993950e-01, v1;
	v8 =	vsub.f32 v1, v9  }
0x1b7: {  	v1 =	vsub.f32 v1, v10  }
0x1b8: {  	v9 =	vmul.f32 $1.591549370e-01, v2;
	v6 =	vmul.f32 v8, v6  }
0x1b9: {  	v7 =	vmul.f32 v1, v7  }
0x1ba: {  	v9 =	vadd.f32 $1.258291200e+07, v9;
	v6 =	vmul.f32 v6, v8  }
0x1bb: {  	v1 =	vmul.f32 v7, v1  }
0x1bc: {  	v7 =	vadd.f32 $-1.258291200e+07, v9;
	v6 =	vmul.f32 $1.442695020e+00, v6  }
0x1bd: {  	v1 =	vmul.f32 $1.442695020e+00, v1  }
0x1be: {  	v7 =	vmul.f32 $6.283185480e+00, v7;
	_ =	sdelay $0x1  }
0x1bf: {  	v2 =	vsub.f32 v2, v7;
	_ =	sdelay $0x1  }
0x1c0: {  	v2 =	vmul.f32 v2, v2;
	_ =	sdelay $0x1  }
0x1c1: {  	v7 =	vmul.f32 $9.722556090e-12, v2;
	_ =	sdelay $0x1  }
0x1c2: {  	v7 =	vsub.f32 $2.060359880e-09, v7;
	_ =	sdelay $0x1  }
0x1c3: {  	v7 =	vmul.f32 v7, v2;
	_ =	sdelay $0x1  }
0x1c4: {  	v7 =	vadd.f32 $-2.753479860e-07, v7;
	_ =	sdelay $0x1  }
0x1c5: {  	v7 =	vmul.f32 v7, v2;
	_ =	sdelay $0x1  }
0x1c6: {  	v7 =	vadd.f32 $2.480055260e-05, v7;
	_ =	sdelay $0x1  }
0x1c7: {  	v7 =	vmul.f32 v7, v2;
	_ =	sdelay $0x1  }
0x1c8: {  	v7 =	vadd.f32 $-1.388886240e-03, v7;
	_ =	sdelay $0x1  }
0x1c9: {  	v7 =	vmul.f32 v7, v2;
	_ =	sdelay $0x1  }
0x1ca: {  	v7 =	vadd.f32 $4.166666420e-02, v7;
	_ =	sdelay $0x1  }
0x1cb: {  	v7 =	vmul.f32 v7, v2;
	_ =	sdelay $0x1  }
0x1cc: {  	v7 =	vadd.f32 $-5.000000000e-01, v7;
	v8 =	vld.idx.msk [tilespmem:v39+s20+$0x0], $0xffff;
	_ =	sdelay $0x1  }
0x1cd: {  	v2 =	vmul.f32 v7, v2;
	(erf) = vpow2.f32 v6  }
0x1ce: {  	v6 =	vld.idx.msk [tilespmem:v12+s15+$0x0], $0xffff;
	(erf) = vpow2.f32 v1  }
0x1cf: {  	v1 =	vadd.f32 $1.000000000e+00, v2;
	v2 =	vld.idx.msk [tilespmem:v11+s15+$0x0], $0xffff;
	_ =	sdelay $0x1  }
0x1d0: {  	v1 =	vmul.f32 v1, v1;
	v7 =	vsub.s32 v8, v0  }
0x1d1: {  	v7 =	vmul.u32 $0x9, v7  }
0x1d2: {  	v1 =	vmul.f32 v1, v1  }
0x1d3: {  	v7 =	vnsel vm0, $0x0, v7  }
0x1d4: {  	v2 =	vmul.f32 v1, v2;
	v1 =	vmul.f32 v1, v6;
	v6 =	vadd.s32 $0x1, v7  }
0x1d5: {  	v8 =	vadd.s32 $0x2, v7;
	v9 =	vpop (erf)  }
0x1d6: {  	v10 =	vadd.s32 s30, v38;
	v2 =	vmul.f32 v2, v9;
	v9 =	vadd.s32 $0x3, v7;
	v11 =	vpop (erf)  }
0x1d7: {  	v12 =	vmov s30;
	v1 =	vmul.f32 v1, v11;
	v11 =	vadd.s32 $0x4, v7  }
0x1d8: {  	v15 =	vadd.s32 $0x5, v7;
	[tilespmem:v7+s22+$0x0] =	vst.idx.add.f32.msk vm0, v2;
	v13 =	vmul.f32 v2, v5;
	v14 =	vmul.f32 v2, v3  }
0x1d9: {  	vm1 =	vlt.s32 v12, v37;
	[tilespmem:v6+s22+$0x0] =	vst.idx.add.f32.msk vm0, v1;
	v5 =	vmul.f32 v1, v5;
	v6 =	vadd.s32 $0x6, v7  }
0x1da: {  	v2 =	vmul.f32 v2, v4;
	v7 =	vadd.s32 $0x7, v7;
	v4 =	vmul.f32 v1, v4;
	[tilespmem:v8+s22+$0x0] =	vst.idx.add.f32.msk vm0, v13  }
0x1db: {  	v1 =	vmul.f32 v1, v3;
	[tilespmem:v9+s22+$0x0] =	vst.idx.add.f32.msk vm0, v5;
	v5 =	vnsel vm1, $0x0, v10  }
0x1dc: {  	[tilespmem:v11+s22+$0x0] =	vst.idx.add.f32.msk vm0, v14  }
0x1dd: {  	[tilespmem:v15+s22+$0x0] =	vst.idx.add.f32.msk vm0, v1  }
0x1de: {  	[tilespmem:v6+s22+$0x0] =	vst.idx.add.f32.msk vm0, v2  }
0x1df: {  	[tilespmem:v7+s22+$0x0] =	vst.idx.add.f32.msk vm0, v4  }
0x1e0: {  	v3 =	vld.idx.msk [tilespmem:v5+s17+$0x0], $0xffff  }
0x1e1: {  	v4 =	vld.idx.msk [tilespmem:v5+s18+$0x0], $0xffff;
	_ =	sdelay $0x1  }
0x1e2: {  	v40 =	vld.idx.msk [tilespmem:v5+s19+$0x0], $0xffff;
	_ =	sdelay $0x2  }
0x1e3: {  	v1 =	vmul.f32 v3, v3  }
0x1e4: {  	v2 =	vmul.f32 v4, v4;
	_ =	sdelay $0x1  }
0x1e5: {  	v1 =	vadd.f32 v2, v1;
	v2 =	vmul.f32 v40, v40;
	_ =	sdelay $0x1  }
0x1e6: {  	v1 =	vadd.f32 v2, v1;
	_ =	sdelay $0x1  }
0x1e7: {  	v1 =	vmax.f32 v1, $9.999999960e-13  }
0x1e8: {  	v2 =	vshrl.u32 v1, $0x1;
	v6 =	vmul.f32 $5.000000000e-01, v1  }
0x1e9: {  	v2 =	vsub.s32 $0x5F3759DF, v2  }
0x1ea: {  	v8 =	vmul.f32 v2, v6;
	v7 =	vld.idx.msk [tilespmem:v5+s21+$0x0], $0xffff;
	_ =	sdelay $0x1  }
0x1eb: {  	v8 =	vmul.f32 v2, v8;
	_ =	sdelay $0x1  }
0x1ec: {  	v8 =	vsub.f32 $1.500000000e+00, v8;
	_ =	sdelay $0x1  }
0x1ed: {  	v2 =	vmul.f32 v2, v8;
	_ =	sdelay $0x1  }
0x1ee: {  	v8 =	vmul.f32 v2, v6;
	v7 =	vld.idx.msk [tilespmem:v7+s7+$0x0], $0xffff;
	_ =	sdelay $0x1  }
0x1ef: {  	v8 =	vmul.f32 v8, v2;
	_ =	sdelay $0x1  }
0x1f0: {  	v8 =	vsub.f32 $1.500000000e+00, v8;
	_ =	sdelay $0x1  }
0x1f1: {  	v2 =	vmul.f32 v8, v2;
	v7 =	vshll.u32 v7, $0x1  }
0x1f2: {  	v8 =	vor.u32 $0x1, v7;
	v9 =	vadd.s32 $0x6, v7;
	v10 =	vadd.s32 $0x7, v7  }
0x1f3: {  	v11 =	vadd.s32 $0xC, v7;
	v12 =	vadd.s32 $0xD, v7;
	v6 =	vmul.f32 v2, v6;
	_ =	sdelay $0x1  }
0x1f4: {  	v6 =	vmul.f32 v6, v2;
	_ =	sdelay $0x1  }
0x1f5: {  	v6 =	vsub.f32 $1.500000000e+00, v6;
	v10 =	vld.idx.msk [tilespmem:v10+s15+$0x0], $0xffff  }
0x1f6: {  	v9 =	vld.idx.msk [tilespmem:v9+s15+$0x0], $0xffff  }
0x1f7: {  	v2 =	vmul.f32 v6, v2;
	v6 =	vld.idx.msk [tilespmem:v7+s15+$0x0], $0xffff  }
0x1f8: {  	v7 =	vld.idx.msk [tilespmem:v8+s15+$0x0], $0xffff  }
0x1f9: {  	v1 =	vmul.f32 v2, v1;
	_ =	sdelay $0x1  }
0x1fa: {  	v2 =	vmul.f32 $2.617993950e-01, v1;
	v8 =	vsub.f32 v1, v10  }
0x1fb: {  	v1 =	vsub.f32 v1, v9  }
0x1fc: {  	v9 =	vmul.f32 $1.591549370e-01, v2  }
0x1fd: {  	v6 =	vmul.f32 v1, v6;
	v7 =	vmul.f32 v8, v7  }
0x1fe: {  	v9 =	vadd.f32 $1.258291200e+07, v9  }
0x1ff: {  	v1 =	vmul.f32 v6, v1;
	v6 =	vmul.f32 v7, v8  }
0x200: {  	v7 =	vadd.f32 $-1.258291200e+07, v9  }
0x201: {  	v1 =	vmul.f32 $1.442695020e+00, v1;
	v6 =	vmul.f32 $1.442695020e+00, v6  }
0x202: {  	v7 =	vmul.f32 $6.283185480e+00, v7;
	_ =	sdelay $0x1  }
0x203: {  	v2 =	vsub.f32 v2, v7;
	_ =	sdelay $0x1  }
0x204: {  	v2 =	vmul.f32 v2, v2;
	_ =	sdelay $0x1  }
0x205: {  	v7 =	vmul.f32 $9.722556090e-12, v2;
	_ =	sdelay $0x1  }
0x206: {  	v7 =	vsub.f32 $2.060359880e-09, v7;
	_ =	sdelay $0x1  }
0x207: {  	v7 =	vmul.f32 v7, v2;
	_ =	sdelay $0x1  }
0x208: {  	v7 =	vadd.f32 $-2.753479860e-07, v7;
	_ =	sdelay $0x1  }
0x209: {  	v7 =	vmul.f32 v7, v2;
	_ =	sdelay $0x1  }
0x20a: {  	v7 =	vadd.f32 $2.480055260e-05, v7;
	_ =	sdelay $0x1  }
0x20b: {  	v7 =	vmul.f32 v7, v2;
	_ =	sdelay $0x1  }
0x20c: {  	v7 =	vadd.f32 $-1.388886240e-03, v7;
	_ =	sdelay $0x1  }
0x20d: {  	v7 =	vmul.f32 v7, v2;
	_ =	sdelay $0x1  }
0x20e: {  	v7 =	vadd.f32 $4.166666420e-02, v7;
	_ =	sdelay $0x1  }
0x20f: {  	v7 =	vmul.f32 v7, v2;
	_ =	sdelay $0x1  }
0x210: {  	v7 =	vadd.f32 $-5.000000000e-01, v7;
	v5 =	vld.idx.msk [tilespmem:v5+s20+$0x0], $0xffff;
	_ =	sdelay $0x1  }
0x211: {  	v2 =	vmul.f32 v7, v2;
	(erf) = vpow2.f32 v1  }
0x212: {  	(erf) = vpow2.f32 v6  }
0x213: {  	v1 =	vadd.f32 $1.000000000e+00, v2;
	v2 =	vld.idx.msk [tilespmem:v11+s15+$0x0], $0xffff  }
0x214: {  	v7 =	vld.idx.msk [tilespmem:v12+s15+$0x0], $0xffff  }
0x215: {  	v1 =	vmul.f32 v1, v1;
	v5 =	vsub.s32 v5, v0  }
0x216: {  	v5 =	vmul.u32 $0x9, v5  }
0x217: {  	v1 =	vmul.f32 v1, v1  }
0x218: {  	v5 =	vnsel vm1, $0x0, v5  }
0x219: {  	s30 =	sadd.s32 $0x2, s30;
	v12 =	vmul.f32 v1, v2;
	v13 =	vadd.s32 $0x1, v5;
	v6 =	vadd.s32 $0x5, v5  }
.Ltmp9:
0x21a: {  	s0 =	sadd.s32 $0xFFFFFFFF, s30;
	v8 =	vadd.s32 $0x2, v5;
	v1 =	vmul.f32 v1, v7;
	v7 =	vadd.s32 $0x4, v5;
	v9 =	vpop (erf);
	(pc) =	sbr.rel @p1 .LBB2_9-.Ltmp9, $4  }
0x21b: {  	v11 =	vmov s0;
	v10 =	vadd.s32 $0x3, v5;
	v9 =	vmul.f32 v12, v9;
	v2 =	vpop (erf)  }
0x21c: {  	vm0 =	vlt.s32 v11, v37;
	v11 =	vadd.s32 s0, v38;
	v2 =	vmul.f32 v1, v2  }
0x21d: {  	v39 =	vnsel vm0, $0x0, v11;
	[tilespmem:v5+s22+$0x0] =	vst.idx.add.f32.msk vm1, v9;
	v11 =	vmul.f32 v9, v3;
	v12 =	vmul.f32 v9, v4  }
0x21e: {  	[tilespmem:v13+s22+$0x0] =	vst.idx.add.f32.msk vm1, v2;
	v13 =	vmul.f32 v2, v3;
	v1 =	vmul.f32 v2, v4;
	v3 =	vadd.s32 $0x6, v5  }
.Ltmp10:
0x21f: {  	_ = 	snop;
	(pc) =	sbr.rel .LBB2_10-.Ltmp10, $1  }
0x220: {  	_ =	sdelay $0x3  }
.LBB2_13:
0x221: {  	v1 =	vimm.s32 $0x12;
	_ =	sdelay $0x4  }
0x222: {  	v13 =	vld.idx.msk [tilespmem:v1+s15+$0x0], $0xffff;
	v1 =	vimm.s32 $0x13;
	_ =	sdelay $0x4  }
0x223: {  	v11 =	vld.idx.msk [tilespmem:v1+s15+$0x0], $0xffff;
	v1 =	vimm.s32 $0x14;
	_ =	sdelay $0x4  }
0x224: {  	v26 =	vld.idx.msk [tilespmem:v1+s15+$0x0], $0xffff;
	v1 =	vimm.s32 $0x15;
	_ =	sdelay $0x4  }
0x225: {  	v12 =	vld.idx.msk [tilespmem:v1+s15+$0x0], $0xffff;
	v1 =	vimm.s32 $0x16;
	_ =	sdelay $0x4  }
0x226: {  	v27 =	vld.idx.msk [tilespmem:v1+s15+$0x0], $0xffff;
	v1 =	vimm.s32 $0x17;
	_ =	sdelay $0x4  }
0x227: {  	v17 =	vld.idx.msk [tilespmem:v1+s15+$0x0], $0xffff;
	v1 =	vimm.s32 $0x18;
	_ =	sdelay $0x4  }
0x228: {  	v18 =	vld.idx.msk [tilespmem:v1+s15+$0x0], $0xffff;
	v1 =	vimm.s32 $0x19;
	_ =	sdelay $0x4  }
0x229: {  	v23 =	vld.idx.msk [tilespmem:v1+s15+$0x0], $0xffff;
	v1 =	vimm.s32 $0x1A;
	_ =	sdelay $0x4  }
0x22a: {  	v60 =	vld.idx.msk [tilespmem:v1+s15+$0x0], $0xffff;
	v1 =	vimm.s32 $0x1B;
	_ =	sdelay $0x4  }
0x22b: {  	v28 =	vld.idx.msk [tilespmem:v1+s15+$0x0], $0xffff;
	v1 =	vimm.s32 $0x1C;
	_ =	sdelay $0x4  }
0x22c: {  	v25 =	vld.idx.msk [tilespmem:v1+s15+$0x0], $0xffff;
	v1 =	vimm.s32 $0x1D;
	_ =	sdelay $0x4  }
0x22d: {  	v31 =	vld.idx.msk [tilespmem:v1+s15+$0x0], $0xffff;
	v1 =	vimm.s32 $0x1E;
	_ =	sdelay $0x4  }
0x22e: {  	v15 =	vld.idx.msk [tilespmem:v1+s15+$0x0], $0xffff;
	v1 =	vimm.s32 $0x1F  }
0x22f: {  	v3 =	vimm.s32 $0x22;
	_ =	sdelay $0x1  }
0x230: {  	v8 =	vmul.u32 $0x9, v16;
	_ =	sdelay $0x1  }
0x231: {  	s25 =	simm.s32 $0x0;
	v4 =	vadd.s32 $0x1, v8;
	v24 =	vld.idx.msk [tilespmem:v1+s15+$0x0], $0xffff;
	v1 =	vimm.s32 $0x20  }
0x232: {  	[tilespmem:$0x1FFA0] =	vst v4;
	v39 =	vld.idx.msk [tilespmem:v3+s15+$0x0], $0xffff;
	v3 =	vadd.s32 s25, v4;
	v4 =	vimm.s32 $0x23;
	_ =	sdelay $0x2  }
0x233: {  	v2 =	vadd.s32 $0x3, v8  }
0x234: {  	[tilespmem:$0x1FF90] =	vst v2;
	v29 =	vld.idx.msk [tilespmem:v1+s15+$0x0], $0xffff;
	v1 =	vadd.s32 s25, v2;
	v2 =	vimm.s32 $0x21  }
0x235: {  	v40 =	vld.idx.msk [tilespmem:v4+s15+$0x0], $0xffff;
	v4 =	vimm.s32 $0x24;
	_ =	sdelay $0x3  }
0x236: {  	v19 =	vld.idx.msk [tilespmem:v2+s15+$0x0], $0xffff;
	v2 =	vadd.s32 s25, v8  }
0x237: {  	v33 =	vld.idx.msk [tilespmem:v4+s15+$0x0], $0xffff;
	v4 =	vadd.s32 $0x2, v8  }
0x238: {  	[tilespmem:$0x1FFB0] =	vst v4;
	v7 =	vadd.s32 s25, v4;
	v4 =	vadd.s32 $0x5, v8  }
0x239: {  	v14 =	vld.idx.msk [tilespmem:v3+s22+$0x0], $0xffff;
	v9 =	vadd.s32 s25, v4  }
0x23a: {  	v1 =	vld.idx.msk [tilespmem:v1+s22+$0x0], $0xffff  }
0x23b: {  	v2 =	vld.idx.msk [tilespmem:v2+s22+$0x0], $0xffff;
	_ =	sdelay $0x2  }
0x23c: {  	v20 =	vld.idx.msk [tilespmem:v9+s22+$0x0], $0xffff;
	v9 =	vmul.f32 v14, v17  }
0x23d: {  	v41 =	vmul.u32 $0x4, v16;
	v56 =	vmovc v24;
	v16 =	vmul.f32 v1, v24;
	v24 =	vmul.f32 v14, v18  }
0x23e: {  	v43 =	vmovc v11;
	v48 =	vmov v17;
	v11 =	vmul.f32 v2, v11;
	v17 =	vmul.f32 v2, v12  }
0x23f: {  	v47 =	vmovc v18;
	v18 =	vmul.f32 v2, v13;
	v35 =	vmul.f32 v2, v26;
	v2 =	vimm.s32 $0x2B;
	_ =	sdelay $0x2  }
0x240: {  	v11 =	vadd.f32 v9, v11;
	_ =	sdelay $0x1  }
0x241: {  	v32 =	vmul.f32 v11, v11;
	v11 =	vld.idx.msk [tilespmem:v2+s15+$0x0], $0xffff;
	v2 =	vimm.s32 $0x2C  }
0x242: {  	v3 =	vimm.s32 $0x25  }
0x243: {  	v5 =	vadd.s32 $0x4, v8  }
0x244: {  	v10 =	vadd.s32 s25, v5;
	v22 =	vld.idx.msk [tilespmem:v7+s22+$0x0], $0xffff;
	v49 =	vmov v23;
	v23 =	vmul.f32 v14, v23  }
0x245: {  	v21 =	vmul.f32 v1, v15;
	v58 =	vmov v19;
	v19 =	vmul.f32 v1, v19  }
0x246: {  	v57 =	vmovc v29;
	v1 =	vmul.f32 v1, v29;
	v29 =	vmul.f32 v14, v27;
	v14 =	vld.idx.msk [tilespmem:v2+s15+$0x0], $0xffff;
	v2 =	vimm.s32 $0x30  }
0x247: {  	v34 =	vld.idx.msk [tilespmem:v3+s15+$0x0], $0xffff;
	v3 =	vimm.s32 $0x26  }
0x248: {  	v7 =	vimm.s32 $0x28  }
0x249: {  	v6 =	vadd.s32 $0x7, v8;
	v36 =	vld.idx.msk [tilespmem:v10+s22+$0x0], $0xffff;
	v10 =	vimm.s32 $0x27;
	v52 =	vmovc v25;
	v25 =	vmul.f32 v22, v25  }
0x24a: {  	[tilespmem:$0x1FFE0] =	vst v15;
	v15 =	vadd.s32 s25, v6  }
0x24b: {  	v1 =	vadd.f32 v1, v25;
	v25 =	vadd.f32 v23, v17;
	v17 =	vld.idx.msk [tilespmem:v2+s15+$0x0], $0xffff;
	v2 =	vimm.s32 $0x2D  }
0x24c: {  	[tilespmem:$0x1FFD0] =	vst v5;
	v5 =	vadd.s32 $0x6, v8;
	v50 =	vld.idx.msk [tilespmem:v3+s15+$0x0], $0xffff;
	v44 =	vmov v26;
	v26 =	vmul.f32 v22, v28  }
0x24d: {  	v38 =	vor.u32 $0x1, v41;
	v55 =	vmov v5;
	v30 =	vld.idx.msk [tilespmem:v7+s15+$0x0], $0xffff  }
0x24e: {  	v5 =	vadd.s32 s25, v5;
	[tilespmem:$0x1FFC0] =	vst v4;
	v4 =	vor.u32 $0x3, v41;
	v45 =	vmovc v12;
	v12 =	vld.idx.msk [tilespmem:v10+s15+$0x0], $0xffff;
	v16 =	vadd.f32 v16, v26  }
0x24f: {  	v61 =	vor.u32 s25, v4;
	v62 =	vmovc v33;
	v33 =	vmul.f32 v36, v33;
	v9 =	vimm.s32 $0x29;
	v23 =	vld.idx.msk [tilespmem:v15+s22+$0x0], $0xffff  }
0x250: {  	v37 =	vmul.f32 v22, v31;
	v10 =	vimm.s32 $0x2A;
	v15 =	vld.idx.msk [tilespmem:v2+s15+$0x0], $0xffff;
	v2 =	vmul.f32 v16, v16  }
0x251: {  	v63 =	vmovc v41;
	v46 =	vmovc v27;
	v27 =	vmul.f32 v1, v1;
	v1 =	vadd.f32 v29, v18;
	v16 =	vimm.s32 $0x2E  }
0x252: {  	v54 =	vmovc v6;
	v42 =	vmovc v13;
	v35 =	vadd.f32 v24, v35;
	v24 =	vadd.f32 v2, v32;
	v2 =	vimm.s32 $0x31  }
0x253: {  	[tilespmem:$0x1FFF0] =	vst v8;
	v59 =	vmovc v39;
	v8 =	vmovc v30;
	v30 =	vmul.f32 v20, v30;
	v29 =	vmul.f32 v1, v1;
	v1 =	vimm.s32 $0x2F  }
0x254: {  	v3 =	vor.u32 $0x2, v41;
	v7 =	vmovc v4;
	v4 =	vmovc v50;
	v51 =	vmov v28;
	v53 =	vmov v31;
	v13 =	vld.idx.msk [tilespmem:v9+s15+$0x0], $0xffff  }
0x255: {  	v28 =	vadd.f32 v30, v33;
	v33 =	vmul.f32 v36, v39;
	v30 =	vadd.f32 v19, v37;
	v10 =	vld.idx.msk [tilespmem:v10+s15+$0x0], $0xffff  }
0x256: {  	v6 =	vmovc v3;
	v37 =	vmul.f32 v22, v60;
	v22 =	vor.u32 s25, v38;
	v26 =	vmul.f32 v20, v50;
	v18 =	vld.idx.msk [tilespmem:v16+s15+$0x0], $0xffff  }
0x257: {  	v31 =	vmul.f32 v20, v12;
	v9 =	vor.u32 s25, v3;
	v3 =	vmovc v34;
	v34 =	vmul.f32 v36, v34;
	v19 =	vld.idx.msk [tilespmem:v2+s15+$0x0], $0xffff  }
0x258: {  	v50 =	vmovc v60;
	v60 =	vmov v40;
	v36 =	vmul.f32 v36, v40;
	v32 =	vmul.f32 v28, v28;
	v16 =	vld.idx.msk [tilespmem:v1+s15+$0x0], $0xffff  }
0x259: {  	s26 =	simm.s32 $0x90;
	v28 =	vld.idx.msk [tilespmem:v5+s22+$0x0], $0xffff;
	v5 =	vmovc v38;
	v1 =	vmul.f32 v20, v13;
	v20 =	vor.u32 s25, v41;
	v2 =	vmul.f32 v23, v17  }
.LBB2_14:
0x25a: {  	_ = 	snop  }
0x25b: {  	v21 =	vadd.f32 v21, v37  }
0x25c: {  	v37 =	vmul.f32 v23, v19;
	v1 =	vadd.f32 v1, v34;
	v34 =	vmul.f32 v23, v18  }
0x25d: {  	v31 =	vadd.f32 v31, v36;
	v23 =	vmul.f32 v23, v16;
	v21 =	vmul.f32 v21, v21  }
0x25e: {  	v26 =	vadd.f32 v26, v33;
	v40 =	vmul.f32 v28, v14;
	v41 =	vmul.f32 v28, v15  }
0x25f: {  	v21 =	vadd.f32 v21, v29;
	v29 =	vmul.f32 v28, v10;
	v28 =	vmul.f32 v28, v11  }
0x260: {  	v25 =	vmul.f32 v25, v25;
	v31 =	vmul.f32 v31, v31  }
0x261: {  	v26 =	vmul.f32 v26, v26;
	v29 =	vadd.f32 v34, v29;
	v23 =	vadd.f32 v23, v28  }
0x262: {  	v35 =	vmul.f32 v35, v35;
	v30 =	vmul.f32 v30, v30;
	v24 =	vadd.f32 v31, v24  }
0x263: {  	v21 =	vadd.f32 v26, v21;
	v29 =	vmul.f32 v29, v29;
	v23 =	vmul.f32 v23, v23  }
0x264: {  	v27 =	vadd.f32 v27, v35;
	v1 =	vmul.f32 v1, v1;
	v25 =	vadd.f32 v30, v25;
	v26 =	vld [tilespmem:$0x1FF90]  }
0x265: {  	v23 =	vadd.f32 v23, v24;
	v21 =	vadd.f32 v29, v21;
	v24 =	vld [tilespmem:$0x1FFA0]  }
0x266: {  	v1 =	vadd.f32 v1, v25;
	v25 =	vld [tilespmem:$0x1FFB0];
	v2 =	vadd.f32 v2, v40  }
0x267: {  	v40 =	vadd.f32 v37, v41;
	[tilespmem:v20+s23+$0x0] =	vst.idx.msk $0xffff, v21;
	v20 =	vld [tilespmem:$0x1FFF0]  }
0x268: {  	s28 =	smov.u32 s26;
	v27 =	vadd.f32 v32, v27;
	v2 =	vmul.f32 v2, v2  }
0x269: {  	v28 =	vmul.f32 v40, v40;
	v26 =	vadd.s32 s28, v26  }
0x26a: {  	v2 =	vadd.f32 v2, v27;
	v24 =	vadd.s32 s28, v24  }
0x26b: {  	v1 =	vadd.f32 v28, v1;
	v25 =	vadd.s32 s28, v25;
	v21 =	vld [tilespmem:$0x1FFC0];
	[tilespmem:v22+s23+$0x0] =	vst.idx.msk $0xffff, v23  }
0x26c: {  	[tilespmem:v9+s23+$0x0] =	vst.idx.msk $0xffff, v2;
	v9 =	vld [tilespmem:$0x1FFD0];
	v20 =	vadd.s32 s28, v20  }
0x26d: {  	[tilespmem:v61+s23+$0x0] =	vst.idx.msk $0xffff, v1  }
0x26e: {  	v1 =	vld.idx.msk [tilespmem:v26+s22+$0x0], $0xffff  }
0x26f: {  	v23 =	vld.idx.msk [tilespmem:v24+s22+$0x0], $0xffff  }
0x270: {  	v21 =	vadd.s32 s28, v21;
	v24 =	vld.idx.msk [tilespmem:v25+s22+$0x0], $0xffff  }
0x271: {  	v9 =	vadd.s32 s28, v9;
	v22 =	vld.idx.msk [tilespmem:v20+s22+$0x0], $0xffff  }
0x272: {  	v20 =	vld [tilespmem:$0x1FFE0]  }
0x273: {  	v36 =	vmul.f32 v1, v58;
	v26 =	vmul.f32 v1, v56  }
0x274: {  	v25 =	vmul.f32 v23, v48;
	v32 =	vmul.f32 v23, v47  }
0x275: {  	v30 =	vld.idx.msk [tilespmem:v21+s22+$0x0], $0xffff;
	v31 =	vmul.f32 v23, v49;
	v33 =	vmul.f32 v24, v52  }
0x276: {  	v28 =	vadd.s32 s28, v55;
	v38 =	vld.idx.msk [tilespmem:v9+s22+$0x0], $0xffff;
	v41 =	vmul.f32 v24, v51;
	v40 =	vmul.f32 v24, v53  }
0x277: {  	s25 =	sadd.s32 $0x40, s25;
	v2 =	vadd.s32 s28, v54;
	v21 =	vmul.f32 v1, v20;
	v20 =	vmul.f32 v22, v43  }
0x278: {  	v61 =	vor.u32 s25, v7;
	v27 =	vmul.f32 v22, v45;
	v1 =	vmul.f32 v1, v57  }
0x279: {  	v9 =	vor.u32 s25, v6;
	v29 =	vmul.f32 v22, v42;
	v22 =	vmul.f32 v22, v44  }
0x27a: {  	v25 =	vadd.f32 v25, v20;
	v1 =	vadd.f32 v1, v33;
	v33 =	vmul.f32 v30, v8  }
0x27b: {  	v20 =	vor.u32 s25, v63;
	v37 =	vmul.f32 v38, v62;
	v34 =	vmul.f32 v38, v3  }
0x27c: {  	v35 =	vadd.f32 v32, v22;
	v39 =	vmul.f32 v25, v25;
	v25 =	vadd.f32 v31, v27  }
0x27d: {  	p0 =	sne.s32 s26, $0x37B0;
	v27 =	vmul.f32 v23, v46;
	v23 =	vld.idx.msk [tilespmem:v2+s22+$0x0], $0xffff;
	v2 =	vadd.f32 v26, v41;
	v26 =	vmul.f32 v30, v4  }
.Ltmp11:
0x27e: {  	v31 =	vmul.f32 v30, v12;
	v41 =	vadd.f32 v33, v37;
	v33 =	vmul.f32 v38, v59;
	(pc) =	sbr.rel @p0 .LBB2_14-.Ltmp11, $4  }
0x27f: {  	v37 =	vmul.f32 v24, v50;
	v29 =	vadd.f32 v27, v29;
	v27 =	vmul.f32 v1, v1  }
0x280: {  	v22 =	vor.u32 s25, v5;
	v2 =	vmul.f32 v2, v2;
	v1 =	vmul.f32 v30, v13  }
0x281: {  	v32 =	vmul.f32 v41, v41;
	v30 =	vadd.f32 v36, v40;
	v36 =	vmul.f32 v38, v60  }
0x282: {  	s26 =	sadd.s32 $0x90, s26;
	v28 =	vld.idx.msk [tilespmem:v28+s22+$0x0], $0xffff;
	v29 =	vmul.f32 v29, v29;
	v24 =	vadd.f32 v2, v39;
	v2 =	vmul.f32 v23, v17  }
0x283: {  	v4 =	vmul.f32 v35, v35  }
0x284: {  	v3 =	vadd.f32 v21, v37;
	v5 =	vmul.f32 v23, v19;
	v6 =	vmul.f32 v25, v25  }
0x285: {  	v1 =	vadd.f32 v1, v34;
	v7 =	vmul.f32 v23, v18;
	v58 =	vadd.f32 v26, v33  }
0x286: {  	v60 =	vmul.f32 v30, v30;
	v3 =	vmul.f32 v3, v3  }
0x287: {  	v1 =	vmul.f32 v1, v1;
	v59 =	vmul.f32 v58, v58  }
0x288: {  	v8 =	vadd.f32 v31, v36;
	v13 =	vmul.f32 v28, v15;
	v10 =	vmul.f32 v28, v10  }
0x289: {  	v4 =	vadd.f32 v27, v4;
	v11 =	vmul.f32 v28, v11;
	v15 =	vmul.f32 v23, v16  }
0x28a: {  	v12 =	vmul.f32 v28, v14;
	v3 =	vadd.f32 v3, v29;
	v7 =	vadd.f32 v7, v10  }
0x28b: {  	v8 =	vmul.f32 v8, v8;
	v6 =	vadd.f32 v60, v6;
	v11 =	vadd.f32 v15, v11  }
0x28c: {  	v2 =	vadd.f32 v2, v12;
	v3 =	vadd.f32 v59, v3;
	v7 =	vmul.f32 v7, v7  }
0x28d: {  	v8 =	vadd.f32 v8, v24;
	v5 =	vadd.f32 v5, v13;
	v62 =	vmul.f32 v11, v11  }
0x28e: {  	v4 =	vadd.f32 v32, v4;
	v2 =	vmul.f32 v2, v2;
	v3 =	vadd.f32 v7, v3  }
0x28f: {  	v1 =	vadd.f32 v1, v6;
	v5 =	vmul.f32 v5, v5;
	v63 =	vadd.f32 v62, v8  }
0x290: {  	v2 =	vadd.f32 v2, v4;
	[tilespmem:v20+s23+$0x0] =	vst.idx.msk $0xffff, v3  }
0x291: {  	s24 =	sadd.s32 $0x1, s24;
	v1 =	vadd.f32 v5, v1;
	[tilespmem:v22+s23+$0x0] =	vst.idx.msk $0xffff, v63  }
0x292: {  	p0 =	sne.s32 s24, s13;
	[tilespmem:v9+s23+$0x0] =	vst.idx.msk $0xffff, v2  }
.Ltmp12:
0x293: {  	[tilespmem:v61+s23+$0x0] =	vst.idx.msk $0xffff, v1;
	(pc) =	sbr.rel @p0 .LBB2_1-.Ltmp12, $4  }
0x294: {  	[hbm4b:s12+s7] =	stream.linear.scatter [tilespmem:s23], [sflag:$0x1], $0x1900, $0x38;
	[tilespmem:$0x17A00] =	vst v63  }
0x295: {  	_ =	swait.ge [sflag:s14], $0x1900  }
0x296: {  	[sflag:s14] =	ssyncset.done $0x0  }
0x297: {  	v16 =	vlaneseq.u32;
	v1 =	vimm.f32 $0.0e+00;
	[sflag:s14] =	ssyncadd.s32 $0xFFFFE700  }
0x298: {  	_ =	sfence.sel $0x180000  }
0x299: {  	[bflag:$0x0] =	sbarrier.arrive $0xFFFF  }
0x29a: {  	_ =	strace $0x9000004A  }
0x29b: {  	s0 =	stileid.u32;
	[bflag:$0x2] =	sbarrier.arrive $0xFFFF  }
0x29c: {  	p0 =	sne.s32 s0, $0x0;
	s0 =	rddreg [dreg:$0x5]  }
0x29d: {  	s0 =	sadd.s32 @!p0 $0x100000, s0  }
0x29e: {  	[sflag:s0] =	ssyncadd.tile.s32 @!p0 $0x1;
	_ =	shalt  }
.Lfunc_end2:
_tile_overlayer_lowered:
.L_overlay_start_2:
0x29f: {  	(tag) =	ssettag $0x2  }
0x2a0: {  	s0 =	rddreg [dreg:$0x0];
	s2 =	stileid.u32  }
0x2a1: {  	s1 =	rddreg [dreg:$0x1];
	p0 =	sne.s32 s2, $0x0  }
0x2a2: {  	s3 =	rddreg [dreg:$0x2];
	[bflag:$0x3] =	sbarrier.arrive $0xFFFF;
	s2 =	simm.s32 @!p0 $0x1C01  }
0x2a3: {  	[timem:s3], [sflag:s2] =	dma.local @!p0 [hbm:s0], s1  }
0x2a4: {  	s0 =	simm.s32 @!p0 $0x1  }
0x2a5: {  	_ =	swait.ge @!p0 [sflag:s0], s1  }
0x2a6: {  	s1 =	ssub.s32 @!p0 $0x0, s1;
	[sflag:s0] =	ssyncset.done @!p0 $0x0  }
0x2a7: {  	[sflag:s0] =	ssyncadd.s32 @!p0 s1  }
0x2a8: {  	[bflag:$0x3] =	sbarrier.arrive $0xFFFF  }
0x2a9: {  	_ =	shalt  }

// kernel: scatter_offload_async_start
scs
__scs_entry_jumppad:
0x0: {  	(pc) =	sbr.rel $0x88, $3  }
0x1: {  	(tag) =	ssettag $0x0;
	lr =	simm.s32 $0x1  }
0x2: {  	[smem:$0x3F99] =	sst lr;
	_ =	strace $0xD0000000  }
0x3: {  	_ = 	snop  }
0x4: {  	_ = 	snop  }
0x5: {  	_ = 	snop  }
0x6: {  	_ = 	snop  }
0x7: {  	_ = 	snop  }
__scs_overlays_trampoline_lowered:
0x8: {  	[smem:$0x3FA8] =	sst s0  }
0x9: {  	[smem:$0x3FA9] =	sst s1  }
0xa: {  	[smem:$0x3FAA] =	sst s2  }
0xb: {  	[smem:$0x3FAB] =	sst s3  }
0xc: {  	[smem:$0x3FAC] =	sst s4  }
0xd: {  	[smem:$0x3FAD] =	sst s5  }
0xe: {  	[smem:$0x3FAE] =	sst s6  }
0xf: {  	[smem:$0x3FAF] =	sst s7  }
0x10: {  	[smem:$0x3FB0] =	sst s8  }
0x11: {  	[smem:$0x3FB1] =	sst s9;
	s0 =	simm.s32 @!p0 $0x0  }
0x12: {  	s1 =	sld [smem:$0x3F97];
	s0 =	simm.s32 @p0 $0x1  }
0x13: {  	[smem:$0x3FB2] =	sst s0;
	s0 =	simm.s32 @!p1 $0x0  }
0x14: {  	s2 =	sld [smem:$0x3F96];
	s0 =	simm.s32 @p1 $0x1  }
0x15: {  	[smem:$0x3FB3] =	sst s0;
	s0 =	simm.s32 @!p2 $0x0  }
0x16: {  	s3 =	sld [smem:$0x3FDB];
	s0 =	simm.s32 @p2 $0x1  }
0x17: {  	s4 =	simm.s32 $0x1BF5;
	[smem:$0x3FB5] =	sst s0  }
0x18: {  	s0 =	sld [smem:$0x3F98];
	_ =	swait.ge [sflag:s4], $0x0  }
0x19: {  	s7 =	sld [smem:$0x3F99]  }
0x1a: {  	s8 =	sadd.s32 $0xFFFFE003, lr  }
0x1b: {  	s9 =	sadd.s32 $0xFFFFFEF7, lr;
	s5 =	simm.s32 $0xFFFFFFFF;
	p2 =	slt.u32 s8, $0xFFFFF086  }
0x1c: {  	p1 =	slt.u32 s9, $0xF7A;
	s5 =	simm.s32 @!p2 $0x0  }
0x1d: {  	s5 =	simm.s32 @p1 $0x1;
	p0 =	seq.s32 s7, s2  }
0x1e: {  	s7 =	smul.u32 @!p0 $0xF7A, s2;
	p2 =	seq.s32 @!p0 s5, $0x0  }
0x1f: {  	s9 =	smul.u32 $0xF7A, s1;
	s8 =	simm.s32 @!p0 $0x1BF5;
	p2 =	por !p2, p0  }
0x20: {  	[sflag:s8] =	ssyncset.s32 @!p0 $0xFFFFF086;
	s6 =	sadd.s32 @!p0 s3, s7;
	s7 =	simm.s32 @!p0 $0x108  }
0x21: {  	s3 =	sadd.s32 s3, s9;
	s6 =	sadd.s32 @!p0 $0x88, s6;
	s7 =	simm.s32 @p2 $0x1082  }
0x22: {  	[simem:s7], [sflag:s8] =	dma.local @!p0 [hbm:s6], $0xF7A  }
0x23: {  	s9 =	sor.u32 $0xD0000000, s2;
	s6 =	simm.s32 $0x108;
	_ =	swait.ge @!p0 [sflag:s8], $0x0  }
0x24: {  	s3 =	sadd.s32 $0x88, s3;
	s6 =	simm.s32 @!p1 $0x1082;
	[sflag:s4] =	ssyncset.s32 $0xFFFFF086  }
0x25: {  	[simem:s6], [sflag:s4] =	dma.local [hbm:s3], $0xF7A  }
0x26: {  	[smem:$0x3F99] =	sst s1;
	(tag) =	ssettag s2;
	_ =	strace s9  }
0x27: {  	s1 =	sld [smem:$0x3FA9]  }
0x28: {  	s2 =	sld [smem:$0x3FAA]  }
0x29: {  	s4 =	sld [smem:$0x3FAC]  }
0x2a: {  	p0 =	seq.s32 s5, $0x0;
	s5 =	sld [smem:$0x3FAD]  }
0x2b: {  	s6 =	sld [smem:$0x3FAE]  }
0x2c: {  	s7 =	sld [smem:$0x3FAF]  }
0x2d: {  	s3 =	simm.s32 $0x108;
	s8 =	sld [smem:$0x3FB0]  }
0x2e: {  	s3 =	simm.s32 @!p0 $0x1082;
	s9 =	sld [smem:$0x3FB1]  }
0x2f: {  	lr =	sadd.s32 s0, s3;
	s0 =	sld [smem:$0x3FA8]  }
0x30: {  	s3 =	sld [smem:$0x3FAB]  }
0x31: {  	[smem:$0x3FB4] =	sst s10  }
0x32: {  	s10 =	sld [smem:$0x3FB2];
	_ =	sdelay $0x3  }
0x33: {  	p0 =	seq.s32 s10, $0x1;
	s10 =	sld [smem:$0x3FB4];
	_ =	sdelay $0x3  }
0x34: {  	[smem:$0x3FB4] =	sst s10  }
0x35: {  	s10 =	sld [smem:$0x3FB3];
	_ =	sdelay $0x3  }
0x36: {  	p1 =	seq.s32 s10, $0x1;
	s10 =	sld [smem:$0x3FB4];
	_ =	sdelay $0x3  }
0x37: {  	[smem:$0x3FB4] =	sst s10  }
0x38: {  	s10 =	sld [smem:$0x3FB5]  }
0x39: {  	_ = 	snop;
	(pc) =	sbr.ind lr, $3  }
0x3a: {  	_ = 	snop  }
0x3b: {  	_ = 	snop  }
0x3c: {  	p2 =	seq.s32 s10, $0x1;
	s10 =	sld [smem:$0x3FB4]  }
0x3d: {  	_ =	shalt  }
0x3e: {  	_ =	shalt  }
0x3f: {  	_ =	shalt  }
0x40: {  	_ =	shalt  }
0x41: {  	_ =	shalt  }
0x42: {  	_ =	shalt  }
0x43: {  	_ =	shalt  }
0x44: {  	_ =	shalt  }
0x45: {  	_ =	shalt  }
0x46: {  	_ =	shalt  }
0x47: {  	_ =	shalt  }
0x48: {  	_ =	shalt  }
0x49: {  	_ =	shalt  }
0x4a: {  	_ =	shalt  }
0x4b: {  	_ =	shalt  }
0x4c: {  	_ =	shalt  }
0x4d: {  	_ =	shalt  }
0x4e: {  	_ =	shalt  }
0x4f: {  	_ =	shalt  }
0x50: {  	_ =	shalt  }
0x51: {  	_ =	shalt  }
0x52: {  	_ =	shalt  }
0x53: {  	_ =	shalt  }
0x54: {  	_ =	shalt  }
0x55: {  	_ =	shalt  }
0x56: {  	_ =	shalt  }
0x57: {  	_ =	shalt  }
0x58: {  	_ =	shalt  }
0x59: {  	_ =	shalt  }
0x5a: {  	_ =	shalt  }
0x5b: {  	_ =	shalt  }
0x5c: {  	_ =	shalt  }
0x5d: {  	_ =	shalt  }
0x5e: {  	_ =	shalt  }
0x5f: {  	_ =	shalt  }
0x60: {  	_ =	shalt  }
0x61: {  	_ =	shalt  }
0x62: {  	_ =	shalt  }
0x63: {  	_ =	shalt  }
0x64: {  	_ =	shalt  }
0x65: {  	_ =	shalt  }
0x66: {  	_ =	shalt  }
0x67: {  	_ =	shalt  }
0x68: {  	_ =	shalt  }
0x69: {  	_ =	shalt  }
0x6a: {  	_ =	shalt  }
0x6b: {  	_ =	shalt  }
0x6c: {  	_ =	shalt  }
0x6d: {  	_ =	shalt  }
0x6e: {  	_ =	shalt  }
0x6f: {  	_ =	shalt  }
0x70: {  	_ =	shalt  }
0x71: {  	_ =	shalt  }
0x72: {  	_ =	shalt  }
0x73: {  	_ =	shalt  }
0x74: {  	_ =	shalt  }
0x75: {  	_ =	shalt  }
0x76: {  	_ =	shalt  }
0x77: {  	_ =	shalt  }
0x78: {  	_ =	shalt  }
0x79: {  	_ =	shalt  }
0x7a: {  	_ =	shalt  }
0x7b: {  	_ =	shalt  }
0x7c: {  	_ =	shalt  }
0x7d: {  	_ =	shalt  }
0x7e: {  	_ =	shalt  }
0x7f: {  	_ =	shalt  }
0x80: {  	_ =	shalt  }
0x81: {  	_ =	shalt  }
0x82: {  	_ =	shalt  }
0x83: {  	_ =	shalt  }
0x84: {  	_ =	shalt  }
0x85: {  	_ =	shalt  }
0x86: {  	_ =	shalt  }
0x87: {  	_ =	shalt  }
.Lfunc_end0:
.L_simem_size_0:
called_computation_lowered:
.L_overlay_start_0:
0x88: {  	s0 =	sld [smem:$0x3FD9]  }
0x89: {  	s1 =	sld [smem:$0x3FFE];
	_ =	sdelay $0x3  }
0x8a: {  	s0 =	sadd.s32 s1, s0  }
0x8b: {  	[smem:$0x3FC0] =	sst s0  }
0x8c: {  	_ = 	snop  }
0x8d: {  	s0 =	sld [smem:$0x3FD0];
	(tm) =	ssettm $0x1  }
0x8e: {  	s16 =	sld [smem:$0x3FFB];
	_ =	sdelay $0x3  }
0x8f: {  	_ =	strace s16  }
0x90: {  	s1 =	sld [smem:$0x3FFC];
	_ =	sdelay $0x3  }
0x91: {  	_ =	strace s1  }
0x92: {  	s1 =	sld [smem:$0x3FFD];
	_ =	sdelay $0x3  }
0x93: {  	_ =	strace s1  }
0x94: {  	_ =	strace $0x8FFFFFFF  }
0x95: {  	s17 =	sld [smem:$0x3FDB];
	_ =	sdelay $0x1  }
0x96: {  	s2 =	simm.s32 $_scs_section_size  }
0x97: {  	s3 =	simm.s32 $_size__tile_overlayer_lowered;
	s4 =	simm.s32 $_tile_overlayer_lowered  }
0x98: {  	s20 =	simm.s32 $0x1BFF;
	s19 =	sshll.u32 s4, $0x1;
	s1 =	sadd.s32 s2, s17  }
0x99: {  	s5 =	simm.s32 $0x0;
	s18 =	sshll.u32 s3, $0x1;
	s3 =	sadd.s32 s19, s1  }
0x9a: {  	[timem:s5], [sflag:s20] =	dma.local [hbm:s3], s18  }
0x9b: {  	_ =	swait.ge [sflag:s20], s18  }
0x9c: {  	s2 =	ssub.s32 $0x0, s18;
	[sflag:s20] =	ssyncset.done $0x0  }
0x9d: {  	[sflag:s20] =	ssyncadd.s32 s2;
	_ =	sdelay $0x1  }
0x9e: {  	s21 =	simm.s32 $0x1B8B  }
0x9f: {  	_ =	swait.ge [sflag:s21], $0x1  }
0xa0: {  	[sflag:s21] =	ssyncset.done $0x0  }
0xa1: {  	s23 =	simm.s32 $0x1B8E;
	s22 =	sld [smem:$0x3FFE];
	[sflag:s21] =	ssyncadd.s32 $0xFFFFFFFF  }
0xa2: {  	s24 =	simm.s32 $execute0_lowered;
	[smem:$0x3FD2] =	sst s23  }
0xa3: {  	s3 =	sshll.u32 s24, $0x1;
	_ =	strace $0x80000046;
	[dreg:$0x1] =	wrdreg $0xFFFFFFFF  }
0xa4: {  	s25 =	simm.s32 $_size_execute0_lowered;
	s1 =	sadd.s32 s1, s3;
	[dreg:$0x0] =	wrdreg $0x0  }
0xa5: {  	s3 =	sshll.u32 s25, $0x1;
	[dreg:$0x2] =	wrdreg s1  }
0xa6: {  	[dreg:$0x3] =	wrdreg s3  }
0xa7: {  	[dreg:$0x4] =	wrdreg $0xC0  }
0xa8: {  	_ =	task [dreg:s5], $0x5FFFF  }
0xa9: {  	[dreg:$0x1] =	wrdreg $0xFFFFFFFF  }
0xaa: {  	[dreg:$0x0] =	wrdreg $0x60  }
0xab: {  	[dreg:$0x2] =	wrdreg s0  }
0xac: {  	[dreg:$0x3] =	wrdreg s22  }
0xad: {  	[dreg:$0x4] =	wrdreg $0x9  }
0xae: {  	_ =	task.clear_ibuf [dreg:s5], $0x5FFFF;
	_ =	strace $0x90000046  }
0xaf: {  	s26 =	simm.s32 $0x9;
	_ =	strace $0x80000048  }
0xb0: {  	_ =	swait.ge [sflag:s26], $0x1  }
0xb1: {  	[sflag:s26] =	ssyncadd.s32 $0xFFFFFFFF  }
0xb2: {  	_ =	strace $0x90000048  }
0xb3: {  	_ =	sfence  }
0xb4: {  	s28 =	sld [smem:$0x0];
	_ =	sdelay $0x1  }
0xb5: {  	s29 =	srdreg.scid  }
0xb6: {  	s30 =	sshll.u32 s29, $0xD;
	s31 =	sshrl.u32 s29, $0x2  }
0xb7: {  	s2 =	sand.u32 $0x4000, s30;
	s1 =	sand.u32 $0x1, s29;
	s0 =	sadd.s32 s31, s28  }
0xb8: {  	s1 =	sor.u32 s2, s1;
	s0 =	sshll.u32 s0, $0x11  }
0xb9: {  	s0 =	sor.u32 s0, s1  }
0xba: {  	s0 =	sadd.s32 $0x8F2B, s0  }
0xbb: {  	[sflag:s0] =	ssyncadd.remote.s32 $0x1  }
0xbc: {  	_ =	sfence.sel $0xFFFF  }
0xbd: {  	[dreg:$0x0] =	wrdreg $0xFFFFFFFF;
	(pc) =	sbr.abs _section_cstart, $3  }
0xbe: {  	[dreg:$0x1] =	wrdreg $0xFFFFFFFF  }
0xbf: {  	_ =	task.clear_ibuf [dreg:s5], $0x2FFFF;
	_ =	strace $0x9FFFFFFF  }
0xc0: {  	(tm) =	ssettm $0x7FFFFFFF  }
0xc1: {  	_ =	shalt  }
tec
execute0_lowered:
.L_overlay_start_1:
0x0: {  	(tag) =	ssettag $0x1  }
0x1: {  	s1 =	rddreg [dreg:$0x0]  }
0x2: {  	s7 =	rddreg [dreg:$0x1]  }
0x3: {  	s0 =	rddreg [dreg:$0x2]  }
0x4: {  	s3 =	stileid.u32;
	_ =	strace $0x80000047;
	s4 =	simm.s32 $0x3E  }
0x5: {  	p0 =	sne.s32 s3, $0x0;
	[sflag:s4] =	ssyncpa.u1 $0x0;
	s29 =	smul.u32 $0xC, s3  }
0x6: {  	s30 =	smin.u32 s3, $0x8;
	s2 =	simm.s32 @!p0 $0x1C3E;
	s5 =	simm.s32 @!p0 $0x0  }
0x7: {  	[spmem:s5], [sflag:s2] =	dma.local @!p0 [hbm:s1], $0x680  }
0x8: {  	s2 =	sadd.s32 s30, s29  }
0x9: {  	p1 =	slt.u32 s3, $0x8;
	s3 =	simm.s32 $0x19640;
	s2 =	smul.u32 $0x1F40, s2  }
0xa: {  	s3 =	simm.s32 @!p1 $0x17700  }
0xb: {  	s3 =	sadd.s32 s3, s2  }
0xc: {  	s3 =	smin.u32 s3, $0x186A00  }
0xd: {  	s8 =	ssub.s32 s3, s2  }
0xe: {  	p1 =	sgt.s32 s8, $0x0  }
0xf: {  	s8 =	simm.s32 @!p1 $0x0  }
0x10: {  	s5 =	simm.s32 @!p0 $0x3E;
	s31 =	smulhi.u32 $0x10624DD3, s8  }
0x11: {  	_ =	swait.ge @!p0 [sflag:s5], $0x680  }
0x12: {  	s6 =	simm.s32 $0x2;
	[sflag:s5] =	ssyncset.done @!p0 $0x0;
	s9 =	sshrl.u32 s31, $0x9  }
0x13: {  	s11 =	simm.s32 $0x0;
	[sflag:s5] =	ssyncadd.s32 @!p0 $0xFFFFF980;
	s10 =	smul.u32 $0x1F40, s9  }
.Ltmp0:
0x14: {  	s5 =	sadd.s32 $0x800, s7;
	[bflag:$0x0] =	sbarrier.arrive $0xFFFF;
	(pc) =	sbr.rel .LBB2_1-.Ltmp0, $4  }
0x15: {  	s7 =	sadd.s32 $0xC4000, s7;
	[sflag:s4] =	ssyncpa.u1 $0x1;
	s4 =	simm.s32 $0x1  }
0x16: {  	[sflag:s4] =	ssyncpa.u1 $0x0;
	p1 =	sne.s32 s8, s10;
	s8 =	simm.s32 $0x1  }
0x17: {  	(ifvalue) =	ssetifvalue $0x3400;
	[sflag:s6] =	ssyncpa.u1 $0x0;
	s8 =	simm.s32 @!p1 $0x0  }
0x18: {  	vm0 =	vmmov $0xffff;
	s10 =	smov.u32 s2;
	s8 =	sadd.s32 s8, s9;
	s9 =	simm.s32 $0x0  }
.LBB2_5:
0x19: {  	p2 =	sne.s32 s11, s8  }
.Ltmp1:
0x1a: {  	_ = 	snop;
	(pc) =	sbr.rel @!p2 .LBB2_6-.Ltmp1, $4  }
0x1b: {  	_ = 	snop  }
0x1c: {  	s12 =	sadd.s32 $0x1F40, s10  }
0x1d: {  	s10 =	smov.u32 s2;
	s13 =	sadd.s32 $0x1, s11;
	p1 =	slt.s32 s12, s3  }
0x1e: {  	s11 =	smov.u32 s13;
	s10 =	smov.u32 @p1 s12  }
.LBB2_1:
0x1f: {  	p1 =	sge.u32 s11, s8  }
0x20: {  	s12 =	sxor.u32 @!p1 $0xFFFFFFFF, s11  }
0x21: {  	s12 =	sand.u32 @!p1 $0x1, s12  }
0x22: {  	s12 =	smul.u32 @!p1 $0x1F40, s12  }
0x23: {  	s13 =	sshrl.u32 @!p1 s10, $0x3  }
0x24: {  	s16 =	sand.u32 @!p1 $0x7, s10;
	s14 =	sadd.s32 @!p1 s5, s13;
	s15 =	sadd.s32 @!p1 $0x340, s12  }
0x25: {  	[tilespmem:s15], [sflag:$0x2] =	stream.linear.gather @!p1 [hbm4b:s14+s16], $0x1F40, $0x38;
	[tilespmem:$0x8040] =	vst v63  }
0x26: {  	s13 =	sadd.s32 @!p1 s7, s13;
	s12 =	sadd.s32 @!p1 $0x41C0, s12  }
0x27: {  	[tilespmem:s12], [sflag:$0x2] =	stream.linear.gather @!p1 [hbm4b:s13+s16], $0x1F40, $0x38;
	[tilespmem:$0x8040] =	vst v63  }
0x28: {  	p1 =	seq.s32 s11, $0x0  }
.Ltmp2:
0x29: {  	_ = 	snop;
	(pc) =	sbr.rel @p1 .LBB2_5-.Ltmp2, $1  }
0x2a: {  	_ =	sdelay $0x3  }
0x2b: {  	s12 =	sand.u32 $0x1, s11  }
0x2c: {  	_ =	swait.ge [sflag:s6], $0x3E80;
	p1 =	seq.s32 s12, $0x1;
	s12 =	simm.s32 $0x1F40  }
0x2d: {  	[sflag:s6] =	ssyncset.done $0x0;
	s12 =	simm.s32 @!p1 $0x0  }
0x2e: {  	[sflag:s6] =	ssyncadd.s32 $0xFFFFC180;
	s14 =	sadd.s32 $0x340, s12  }
0x2f: {  	v0 =	vld.msk [tilespmem:s14+$0x0 ss:$0x1], $0xffff;
	_ =	sdelay $0x4  }
0x30: {  	v0 =	vmin.u32 v0, $0x3400;
	_ =	sdelay $0x3  }
0x31: {  	s13 =	simm.s32 $0x0;
	s12 =	sadd.s32 $0x41C0, s12;
	s14 =	sadd.s32 $0x10, s14  }
0x32: {  	[spmem:s9] =	stream.indirect_vreg.scatter.add.s32 [tilespmem:s12], [sflag:$0x1], $0x1, v0, vm0, $0x4038;
	[tilespmem:$0x8040] =	vst v63  }
.LBB2_3:
0x33: {  	v0 =	vld.msk [tilespmem:s14+$0x0 ss:$0x1], $0xffff;
	s13 =	sadd.s32 $0x10, s13  }
0x34: {  	p1 =	slt.u32 s13, $0x1F30;
	_ =	sdelay $0x4  }
0x35: {  	v0 =	vmin.u32 v0, $0x3400  }
.Ltmp3:
0x36: {  	(pc) =	sbr.rel @p1 .LBB2_3-.Ltmp3, $3  }
0x37: {  	_ =	sdelay $0x1  }
0x38: {  	s14 =	sadd.s32 $0x10, s14;
	s12 =	sadd.s32 $0x10, s12  }
0x39: {  	[spmem:s9] =	stream.indirect_vreg.scatter.add.s32 [tilespmem:s12], [sflag:$0x1], $0x1, v0, vm0, $0x4038;
	[tilespmem:$0x8040] =	vst v63  }
.Ltmp4:
0x3a: {  	(pc) =	sbr.rel .LBB2_5-.Ltmp4, $4  }
0x3b: {  	_ = 	snop  }
0x3c: {  	_ =	swait.ge [sflag:s4], $0x1F40  }
0x3d: {  	[sflag:s4] =	ssyncset.done $0x0  }
0x3e: {  	[sflag:s4] =	ssyncadd.s32 $0xFFFFE0C0  }
.LBB2_6:
0x3f: {  	_ =	sfence.sel $0x180000  }
0x40: {  	s2 =	simm.s32 $0x2;
	[bflag:$0x0] =	sbarrier.arrive $0xFFFF  }
0x41: {  	s30 =	simm.s32 $0x1;
	[sflag:s2] =	ssyncpa.u1 $0x1  }
0x42: {  	[sflag:s30] =	ssyncpa.u1 $0x1  }
0x43: {  	_ =	sfence.stream.spmem  }
0x44: {  	s31 =	simm.s32 $0x3D;
	[bflag:$0x0] =	sbarrier.arrive $0xFFFF  }
0x45: {  	s2 =	simm.s32 @p0 $0x3D;
	[sflag:s31] =	ssyncpa.u1 $0x0  }
0x46: {  	[sflag:s2] =	ssyncpa.u1 @p0 $0x1  }
0x47: {  	[bflag:$0x0] =	sbarrier.arrive @p0 $0xFFFF  }
0x48: {  	_ =	strace @p0 $0x90000047  }
0x49: {  	s3 =	simm.s32 @!p0 $0x1C3D;
	s2 =	simm.s32 @!p0 $0x0;
	[bflag:$0x2] =	sbarrier.arrive @p0 $0xFFFF  }
0x4a: {  	[hbm:s1], [sflag:s3] =	dma.local @!p0 [spmem:s2], $0x680  }
0x4b: {  	s1 =	simm.s32 @!p0 $0x3D  }
0x4c: {  	_ =	swait.ge @!p0 [sflag:s1], $0x680  }
0x4d: {  	[sflag:s1] =	ssyncset.done @!p0 $0x0  }
0x4e: {  	[sflag:s1] =	ssyncadd.s32 @!p0 $0xFFFFF980  }
0x4f: {  	[sflag:s1] =	ssyncpa.u1 @!p0 $0x1  }
0x50: {  	[bflag:$0x0] =	sbarrier.arrive @!p0 $0xFFFF  }
0x51: {  	_ =	strace @!p0 $0x90000047  }
0x52: {  	s0 =	sadd.s32 @!p0 $0x100000, s0;
	[bflag:$0x2] =	sbarrier.arrive @!p0 $0xFFFF  }
0x53: {  	[sflag:s0] =	ssyncadd.tile.s32 @!p0 $0x1;
	_ =	shalt  }
.Lfunc_end2:
_tile_overlayer_lowered:
.L_overlay_start_2:
0x54: {  	(tag) =	ssettag $0x2  }
0x55: {  	s0 =	rddreg [dreg:$0x0];
	s2 =	stileid.u32  }
0x56: {  	s1 =	rddreg [dreg:$0x1];
	p0 =	sne.s32 s2, $0x0  }
0x57: {  	s3 =	rddreg [dreg:$0x2];
	[bflag:$0x3] =	sbarrier.arrive $0xFFFF;
	s2 =	simm.s32 @!p0 $0x1C01  }
0x58: {  	[timem:s3], [sflag:s2] =	dma.local @!p0 [hbm:s0], s1  }
0x59: {  	s0 =	simm.s32 @!p0 $0x1  }
0x5a: {  	_ =	swait.ge @!p0 [sflag:s0], s1  }
0x5b: {  	s1 =	ssub.s32 @!p0 $0x0, s1;
	[sflag:s0] =	ssyncset.done @!p0 $0x0  }
0x5c: {  	[sflag:s0] =	ssyncadd.s32 @!p0 s1  }
0x5d: {  	[bflag:$0x3] =	sbarrier.arrive $0xFFFF  }
0x5e: {  	_ =	shalt  }

</sc_bundles>
